<compile_context>
chip_gen: v7x
topology: tpu7x:2x2x1
jax: 0.10.2.dev20260603
libtpu: 0.0.44.dev20260713+nightly
codegen_flags: <defaults>
</compile_context>

<pallas_src>
import functools

import jax
import jax.numpy as jnp
from jax import lax
from jax.experimental import pallas as pl
from jax.experimental.pallas import tpu as pltpu
from jax.experimental.pallas import tpu_sc as plsc

NUM_ITEM = 8000
NUM_USER = 2000
NN = NUM_ITEM + NUM_USER
D = 128
E = 320000

NUM_CORES = 2
NUM_SUBCORES = 16
NW = NUM_CORES * NUM_SUBCORES
BLK = 64
NBLK = 158
EPW = NBLK * BLK
E_PAD = EPW * NW
N_PAD = 10112
XW_PAD = 10016
ROWS_PER_TILE = N_PAD // NUM_SUBCORES


def _leaky(v):
    return jnp.where(v >= 0, v, 0.01 * v)


def _pre_body(feat_ref, ufeat_ref, wq_ref, bq_ref, convw_ref, wlin_ref,
              blin_ref, idemb_ref, xw_ref, xhat_ref):
    uf = jnp.tanh(
        jnp.dot(ufeat_ref[...], wq_ref[...],
                preferred_element_type=jnp.float32) + bq_ref[...])
    x = jnp.concatenate([feat_ref[...], uf], axis=0)
    n = jnp.sqrt(jnp.sum(x * x, axis=-1, keepdims=True))
    x = x / jnp.maximum(n, 1e-12)
    xw_ref[...] = jnp.dot(x, convw_ref[...], preferred_element_type=jnp.float32)
    xhat_ref[...] = _leaky(
        jnp.dot(x, wlin_ref[...], preferred_element_type=jnp.float32)
        + blin_ref[...]) + idemb_ref[...]


def _sc_edge_body(xw_hbm, src_hbm, dst_hbm, zero_hbm, out_hbm,
                  u_sh, src_idx, dst_idx, sdst_idx, srows, drows, orows,
                  sem_s0, sem_s1, sem_d0, sem_d1, sem_u0, sem_u1,
                  sem_is0, sem_is1, sem_id0, sem_id1):
    c = lax.axis_index("c")
    s = lax.axis_index("s")
    wid = s * NUM_CORES + c
    sem_s = (sem_s0, sem_s1)
    sem_d = (sem_d0, sem_d1)
    sem_u = (sem_u0, sem_u1)
    sem_is = (sem_is0, sem_is1)
    sem_id = (sem_id0, sem_id1)

    pltpu.sync_copy(zero_hbm.at[pl.ds(s * ROWS_PER_TILE, ROWS_PER_TILE)],
                    u_sh.at[pl.ds(s * ROWS_PER_TILE, ROWS_PER_TILE)])
    plsc.subcore_barrier()

    lane = lax.iota(jnp.int32, 16)

    def idx_fetch(b, par):
        base = wid * EPW + b * BLK
        pltpu.async_copy(src_hbm.at[pl.ds(base, BLK)], src_idx.at[par],
                         sem_is[par])
        pltpu.async_copy(dst_hbm.at[pl.ds(base, BLK)], dst_idx.at[par],
                         sem_id[par])

    def wait_idx(b, par):
        base = wid * EPW + b * BLK
        pltpu.make_async_copy(src_hbm.at[pl.ds(base, BLK)], src_idx.at[par],
                              sem_is[par]).wait()
        pltpu.make_async_copy(dst_hbm.at[pl.ds(base, BLK)], dst_idx.at[par],
                              sem_id[par]).wait()

    def gather_issue(par):
        pltpu.async_copy(xw_hbm.at[src_idx.at[par]], srows.at[par], sem_s[par])
        pltpu.async_copy(xw_hbm.at[dst_idx.at[par]], drows.at[par], sem_d[par])

    def wait_rows(par):
        pltpu.make_async_copy(xw_hbm.at[src_idx.at[par]], srows.at[par],
                              sem_s[par]).wait()
        pltpu.make_async_copy(xw_hbm.at[dst_idx.at[par]], drows.at[par],
                              sem_d[par]).wait()

    def drain_scatter(par):
        pltpu.make_async_copy(orows.at[par], u_sh.at[sdst_idx.at[par]],
                              sem_u[par]).wait()

    def compute(par):
        sref = srows.at[par]
        dref = drows.at[par]
        oref = orows.at[par]

        def dot_z(e):
            ef = jnp.full((16,), e, jnp.int32)
            svs = []
            acc = jnp.zeros((16,), jnp.float32)
            for k in range(8):
                col = k * 16 + lane
                sv = plsc.load_gather(sref, [ef, col])
                dv = plsc.load_gather(dref, [ef, col])
                svs.append(sv)
                acc = acc + sv * dv
            zv = jnp.full((16,), jnp.sum(acc), jnp.float32)
            bc = jnp.exp(zv / (1.0 + jnp.exp(-zv)))
            return tuple(svs), bc

        def scale(e, svs, bc):
            ef = jnp.full((16,), e, jnp.int32)
            for k in range(8):
                plsc.store_scatter(oref, [ef, k * 16 + lane], svs[k] * bc)

        svs0, bc0 = dot_z(0)

        def body(i, carry):
            svs_p, bc_p = carry
            svs_i, bc_i = dot_z(i)
            scale(i - 1, svs_p, bc_p)
            return (svs_i, bc_i)

        svs_l, bc_l = lax.fori_loop(1, BLK, body, (svs0, bc0))
        scale(BLK - 1, svs_l, bc_l)

    def step(b, par, is_ge2, fetch_next):
        wait_rows(par)
        pl.when(is_ge2)(lambda: drain_scatter(par))
        for k in range(BLK // 16):
            sdst_idx[par, pl.ds(k * 16, 16)] = dst_idx[par, pl.ds(k * 16, 16)]
        pl.when(fetch_next)(lambda: idx_fetch(b + 2, par))
        compute(par)
        pltpu.async_copy(orows.at[par], u_sh.at[sdst_idx.at[par]],
                         sem_u[par], add=True)

    idx_fetch(0, 0)
    wait_idx(0, 0)
    gather_issue(0)
    idx_fetch(1, 1)

    def pair_body(p, carry):
        b0 = 2 * p
        wait_idx(b0 + 1, 1)
        gather_issue(1)
        step(b0, 0, p > 0, b0 + 2 < NBLK)

        def next_gather():
            wait_idx(b0 + 2, 0)
            gather_issue(0)

        pl.when(b0 + 2 < NBLK)(next_gather)
        step(b0 + 1, 1, p > 0, b0 + 3 < NBLK)
        return carry

    lax.fori_loop(0, NBLK // 2, pair_body, 0)
    drain_scatter(0)
    drain_scatter(1)

    plsc.subcore_barrier()
    pltpu.sync_copy(u_sh.at[pl.ds(s * ROWS_PER_TILE, ROWS_PER_TILE)],
                    out_hbm.at[c, pl.ds(s * ROWS_PER_TILE, ROWS_PER_TILE)])


_sc_edge = functools.partial(
    pl.kernel,
    out_type=jax.ShapeDtypeStruct((NUM_CORES, N_PAD, D), jnp.float32),
    mesh=plsc.VectorSubcoreMesh(core_axis_name="c", subcore_axis_name="s"),
    scratch_types=[
        pltpu.VMEM_SHARED((N_PAD, D), jnp.float32),
        pltpu.VMEM((2, BLK), jnp.int32),
        pltpu.VMEM((2, BLK), jnp.int32),
        pltpu.VMEM((2, BLK), jnp.int32),
        pltpu.VMEM((2, BLK, D), jnp.float32),
        pltpu.VMEM((2, BLK, D), jnp.float32),
        pltpu.VMEM((2, BLK, D), jnp.float32),
        pltpu.SemaphoreType.DMA,
        pltpu.SemaphoreType.DMA,
        pltpu.SemaphoreType.DMA,
        pltpu.SemaphoreType.DMA,
        pltpu.SemaphoreType.DMA,
        pltpu.SemaphoreType.DMA,
        pltpu.SemaphoreType.DMA,
        pltpu.SemaphoreType.DMA,
        pltpu.SemaphoreType.DMA,
        pltpu.SemaphoreType.DMA,
    ],
    compiler_params=pltpu.CompilerParams(needs_layout_passes=False),
)(_sc_edge_body)


def _post_body(u_ref, xhat_ref, wg_ref, bg_ref, out_ref):
    u = u_ref[0, :NN, :] + u_ref[1, :NN, :]
    n = jnp.sqrt(jnp.sum(u * u, axis=-1, keepdims=True))
    h = _leaky(u / jnp.maximum(n, 1e-12))
    out_ref[...] = _leaky(
        jnp.dot(h, wg_ref[...], preferred_element_type=jnp.float32)
        + bg_ref[...] + xhat_ref[...])


@jax.jit
def kernel(features, user_features, id_embedding, W_user, b_user, conv_w,
           W_lin1, b_lin1, W_g1, b_g1, edge_index):
    xw, x_hat = pl.pallas_call(
        _pre_body,
        out_shape=[
            jax.ShapeDtypeStruct((NN, D), jnp.float32),
            jax.ShapeDtypeStruct((NN, 64), jnp.float32),
        ],
    )(features, user_features, W_user, b_user, conv_w, W_lin1, b_lin1,
      id_embedding)

    ei = edge_index.astype(jnp.int32)
    pad_src = jnp.zeros((E_PAD - E,), jnp.int32)
    pad_dst = jnp.full((E_PAD - E,), NN, jnp.int32)
    srcp = jnp.concatenate([ei[0], pad_src])
    dstp = jnp.concatenate([ei[1], pad_dst])
    xw_pad = jnp.concatenate(
        [xw, jnp.zeros((XW_PAD - NN, D), jnp.float32)], axis=0)
    zeros_hbm = jnp.zeros((N_PAD, D), jnp.float32)

    u2 = _sc_edge(xw_pad, srcp, dstp, zeros_hbm)

    out = pl.pallas_call(
        _post_body,
        out_shape=jax.ShapeDtypeStruct((NN, 64), jnp.float32),
    )(u2, x_hat, W_g1, b_g1)
    return out

# --- scband reference (transcript-rebuilt; emitter-appended) ---
"""Pipeline reference for scband-nft-mars-41266045780924 (READ-ONLY COPY).

The authoritative reference and input builder live on the scoring server;
editing this copy changes nothing except your own understanding.
"""

import jax, jax.numpy as jnp
import numpy as np

NUM_ITEM = 8000
NUM_USER = 2000
N = NUM_ITEM + NUM_USER
D_FEAT = 128
D_USER = 64
DIM_ID = 64
E = 320000


def _l2norm(x, eps=1e-12):
    n = jnp.linalg.norm(x, axis=-1, keepdims=True)
    return x / jnp.maximum(n, eps)


def setup_inputs(seed: int = 0) -> dict:
    key = jax.random.key(seed)
    ks = jax.random.split(key, 12)
    s = 0.05
    return {
        "features": jax.random.normal(ks[0], (NUM_ITEM, D_FEAT), jnp.float32),
        "user_features": jax.random.normal(ks[1], (NUM_USER, D_USER), jnp.float32),
        "id_embedding": jax.random.normal(ks[2], (N, DIM_ID), jnp.float32),
        "W_user": jax.random.normal(ks[3], (D_USER, D_FEAT), jnp.float32) * s,
        "b_user": jnp.zeros((D_FEAT,), jnp.float32),
        "conv_w": jax.random.normal(ks[4], (D_FEAT, D_FEAT), jnp.float32) * s,
        "W_lin1": jax.random.normal(ks[5], (D_FEAT, DIM_ID), jnp.float32) * s,
        "b_lin1": jnp.zeros((DIM_ID,), jnp.float32),
        "W_g1": jax.random.normal(ks[6], (D_FEAT, DIM_ID), jnp.float32) * s,
        "b_g1": jnp.zeros((DIM_ID,), jnp.float32),
        "edge_index": jax.random.randint(ks[7], (2, E), 0, N),
    }


def _graph_gat(xw, edge_index):
    # MGAT-style GraphGAT (aggr='add', dropout inactive in eval):
    # gated inner-product attention + segment softmax over destination nodes,
    # scatter-add aggregation, L2-normalized update.
    src = edge_index[0]
    dst = edge_index[1]
    x_j = xw[src]
    x_i = xw[dst]
    inner = jnp.sum(x_i * x_j, axis=-1)
    gate = jax.nn.sigmoid(inner)
    tmp = gate * inner
    m = jax.ops.segment_max(tmp, dst, num_segments=N)
    m = jnp.where(jnp.isfinite(m), m, 0.0)
    ex = jnp.exp(tmp - m[dst])
    denom = jax.ops.segment_sum(ex, dst, num_segments=N)
    att = ex / (denom[dst] + 1e-16)
    aggr = jax.ops.segment_sum(x_j * att[:, None], dst, num_segments=N)
    return _l2norm(aggr)


def reference(features, user_features, id_embedding, W_user, b_user, conv_w,
              W_lin1, b_lin1, W_g1, b_g1, edge_index):
    # GAT.forward with hop=1, dim_latent=None
    uf = jnp.tanh(user_features @ W_user + b_user)
    x = jnp.concatenate([features, uf], axis=0)
    x = _l2norm(x)
    xw = x @ conv_w
    h_conv = _graph_gat(xw, edge_index)
    h = jax.nn.leaky_relu(h_conv, 0.01)
    x_hat = jax.nn.leaky_relu(x @ W_lin1 + b_lin1, 0.01) + id_embedding
    out = jax.nn.leaky_relu(h @ W_g1 + b_g1 + x_hat, 0.01)
    return out

if __name__ == "__main__":
    import jax
    _d = setup_inputs()
    print(jax.jit(kernel)(*tuple(_d.values())))

</pallas_src>

<mosaic_0001>
#map = affine_map<(d0, d1) -> (0, 0)>
#map1 = affine_map<(d0, d1) -> (0)>
#map2 = affine_map<(d0, d1) -> (0, 0, 0)>
module attributes {stable_mosaic.version = 14 : i64} {
  func.func @_sc_edge_body(%arg0: i32, %arg1: i32, %arg2: memref<10016x128xf32, #tpu.memory_space<hbm>>, %arg3: memref<323584xi32, #tpu.memory_space<hbm>>, %arg4: memref<323584xi32, #tpu.memory_space<hbm>>, %arg5: memref<10112x128xf32, #tpu.memory_space<hbm>>, %arg6: memref<2x10112x128xf32, #tpu.memory_space<hbm>>, %arg7: memref<10112x128xf32, #tpu.memory_space<vmem_shared>>, %arg8: memref<2x64xi32, #tpu.memory_space<vmem>>, %arg9: memref<2x64xi32, #tpu.memory_space<vmem>>, %arg10: memref<2x64xi32, #tpu.memory_space<vmem>>, %arg11: memref<2x64x128xf32, #tpu.memory_space<vmem>>, %arg12: memref<2x64x128xf32, #tpu.memory_space<vmem>>, %arg13: memref<2x64x128xf32, #tpu.memory_space<vmem>>, %arg14: memref<!tpu.dma_semaphore, #tpu.memory_space<semaphore_mem>>, %arg15: memref<!tpu.dma_semaphore, #tpu.memory_space<semaphore_mem>>, %arg16: memref<!tpu.dma_semaphore, #tpu.memory_space<semaphore_mem>>, %arg17: memref<!tpu.dma_semaphore, #tpu.memory_space<semaphore_mem>>, %arg18: memref<!tpu.dma_semaphore, #tpu.memory_space<semaphore_mem>>, %arg19: memref<!tpu.dma_semaphore, #tpu.memory_space<semaphore_mem>>, %arg20: memref<!tpu.dma_semaphore, #tpu.memory_space<semaphore_mem>>, %arg21: memref<!tpu.dma_semaphore, #tpu.memory_space<semaphore_mem>>, %arg22: memref<!tpu.dma_semaphore, #tpu.memory_space<semaphore_mem>>, %arg23: memref<!tpu.dma_semaphore, #tpu.memory_space<semaphore_mem>>) attributes {dimension_semantics = [#tpu.dimension_semantics<core_parallel>, #tpu.dimension_semantics<subcore_parallel>], iteration_bounds = array<i64: 2, 16>, scalar_prefetch = 0 : i64, scratch_operands = 17 : i64, tpu.core_type = #tpu.core_type<sc_vector_subcore>, window_params = [{transform_indices = #map}, {transform_indices = #map1}, {transform_indices = #map1}, {transform_indices = #map}, {transform_indices = #map2}]} {
    %mul3A = arith.constant 2 : i32
    %mul3A_0 = arith.muli %arg1, %mul3A : i32
    %add3A = arith.addi %mul3A_0, %arg0 : i32
    %mul3A_1 = arith.constant 632 : i32
    %mul3A_2 = arith.muli %arg1, %mul3A_1 : i32
    %mul3A_3 = arith.constant 632 : i32
    %mul3A_4 = arith.muli %arg1, %mul3A_3 : i32
    "tpu.region"() ({
      %run_scoped3A = tpu.sem_alloc : memref<!tpu.dma_semaphore, #tpu.memory_space<semaphore_mem>>
      %dma_start3A_127 = arith.constant 0 : i32
      %dma_start3A_128 = tpu.memref_slice %arg7[%mul3A_4, %dma_start3A_127] : memref<10112x128xf32, #tpu.memory_space<vmem_shared>> -> memref<632x128xf32, #tpu.memory_space<vmem_shared>>
      %dma_start3A_129 = arith.constant 0 : i32
      %dma_start3A_130 = tpu.memref_slice %arg5[%mul3A_2, %dma_start3A_129] : memref<10112x128xf32, #tpu.memory_space<hbm>> -> memref<632x128xf32, #tpu.memory_space<hbm>>
      tpu.enqueue_dma source(%dma_start3A_130 : memref<632x128xf32, #tpu.memory_space<hbm>>) target(%dma_start3A_128 : memref<632x128xf32, #tpu.memory_space<vmem_shared>>) target_semaphore(%run_scoped3A : memref<!tpu.dma_semaphore, #tpu.memory_space<semaphore_mem>>)
      %dma_wait3A_131 = arith.constant 0 : i32
      %dma_wait3A_132 = tpu.memref_slice %arg7[%mul3A_4, %dma_wait3A_131] : memref<10112x128xf32, #tpu.memory_space<vmem_shared>> -> memref<632x128xf32, #tpu.memory_space<vmem_shared>>
      %dma_wait3A_133 = arith.constant 0 : i32
      %dma_wait3A_134 = tpu.memref_slice %arg5[%mul3A_2, %dma_wait3A_133] : memref<10112x128xf32, #tpu.memory_space<hbm>> -> memref<632x128xf32, #tpu.memory_space<hbm>>
      tpu.wait_dma2 semaphore(%run_scoped3A : memref<!tpu.dma_semaphore, #tpu.memory_space<semaphore_mem>>) src(%dma_wait3A_134 : memref<632x128xf32, #tpu.memory_space<hbm>>) dst(%dma_wait3A_132 : memref<632x128xf32, #tpu.memory_space<vmem_shared>>)
      tpu.yield
    }) : () -> ()
    %barrier3A = arith.constant 0 : index
    tpu.barrier barrier_id(%barrier3A)
    %iota3A = tpu.iota {dimensions = array<i32: 0>} : vector<16xi32>
    %mul3A_5 = arith.constant 10112 : i32
    %mul3A_6 = arith.muli %add3A, %mul3A_5 : i32
    %add3A_7 = arith.constant 0 : i32
    %add3A_8 = arith.addi %mul3A_6, %add3A_7 : i32
    %dma_start3A = arith.constant 0 : i32
    %dma_start3A_9 = arith.constant 0 : i32
    %dma_start3A_10 = tpu.memref_slice %arg8[%dma_start3A, %dma_start3A_9] : memref<2x64xi32, #tpu.memory_space<vmem>> -> memref<1x64xi32, #tpu.memory_space<vmem>>
    %dma_start3A_11 = tpu.memref_squeeze %dma_start3A_10 : memref<1x64xi32, #tpu.memory_space<vmem>> -> memref<64xi32, #tpu.memory_space<vmem>>
    %dma_start3A_12 = tpu.memref_slice %arg3[%add3A_8] : memref<323584xi32, #tpu.memory_space<hbm>> -> memref<64xi32, #tpu.memory_space<hbm>>
    %dma_start3A_13 = arith.constant 0 : i32
    %dma_start3A_14 = tpu.memref_slice %arg8[%dma_start3A, %dma_start3A_13] : memref<2x64xi32, #tpu.memory_space<vmem>> -> memref<1x64xi32, #tpu.memory_space<vmem>>
    %dma_start3A_15 = tpu.memref_squeeze %dma_start3A_14 : memref<1x64xi32, #tpu.memory_space<vmem>> -> memref<64xi32, #tpu.memory_space<vmem>>
    %dma_start3A_16 = tpu.memref_slice %arg3[%add3A_8] : memref<323584xi32, #tpu.memory_space<hbm>> -> memref<64xi32, #tpu.memory_space<hbm>>
    tpu.enqueue_dma source(%dma_start3A_16 : memref<64xi32, #tpu.memory_space<hbm>>) target(%dma_start3A_15 : memref<64xi32, #tpu.memory_space<vmem>>) target_semaphore(%arg20 : memref<!tpu.dma_semaphore, #tpu.memory_space<semaphore_mem>>)
    %dma_start3A_17 = arith.constant 0 : i32
    %dma_start3A_18 = arith.constant 0 : i32
    %dma_start3A_19 = tpu.memref_slice %arg9[%dma_start3A_17, %dma_start3A_18] : memref<2x64xi32, #tpu.memory_space<vmem>> -> memref<1x64xi32, #tpu.memory_space<vmem>>
    %dma_start3A_20 = tpu.memref_squeeze %dma_start3A_19 : memref<1x64xi32, #tpu.memory_space<vmem>> -> memref<64xi32, #tpu.memory_space<vmem>>
    %dma_start3A_21 = tpu.memref_slice %arg4[%add3A_8] : memref<323584xi32, #tpu.memory_space<hbm>> -> memref<64xi32, #tpu.memory_space<hbm>>
    %dma_start3A_22 = arith.constant 0 : i32
    %dma_start3A_23 = tpu.memref_slice %arg9[%dma_start3A_17, %dma_start3A_22] : memref<2x64xi32, #tpu.memory_space<vmem>> -> memref<1x64xi32, #tpu.memory_space<vmem>>
    %dma_start3A_24 = tpu.memref_squeeze %dma_start3A_23 : memref<1x64xi32, #tpu.memory_space<vmem>> -> memref<64xi32, #tpu.memory_space<vmem>>
    %dma_start3A_25 = tpu.memref_slice %arg4[%add3A_8] : memref<323584xi32, #tpu.memory_space<hbm>> -> memref<64xi32, #tpu.memory_space<hbm>>
    tpu.enqueue_dma source(%dma_start3A_25 : memref<64xi32, #tpu.memory_space<hbm>>) target(%dma_start3A_24 : memref<64xi32, #tpu.memory_space<vmem>>) target_semaphore(%arg22 : memref<!tpu.dma_semaphore, #tpu.memory_space<semaphore_mem>>)
    %mul3A_26 = arith.constant 10112 : i32
    %mul3A_27 = arith.muli %add3A, %mul3A_26 : i32
    %add3A_28 = arith.constant 0 : i32
    %add3A_29 = arith.addi %mul3A_27, %add3A_28 : i32
    %dma_wait3A = arith.constant 0 : i32
    %dma_wait3A_30 = arith.constant 0 : i32
    %dma_wait3A_31 = tpu.memref_slice %arg8[%dma_wait3A, %dma_wait3A_30] : memref<2x64xi32, #tpu.memory_space<vmem>> -> memref<1x64xi32, #tpu.memory_space<vmem>>
    %dma_wait3A_32 = tpu.memref_squeeze %dma_wait3A_31 : memref<1x64xi32, #tpu.memory_space<vmem>> -> memref<64xi32, #tpu.memory_space<vmem>>
    %dma_wait3A_33 = tpu.memref_slice %arg3[%add3A_29] : memref<323584xi32, #tpu.memory_space<hbm>> -> memref<64xi32, #tpu.memory_space<hbm>>
    %dma_wait3A_34 = arith.constant 0 : i32
    %dma_wait3A_35 = tpu.memref_slice %arg8[%dma_wait3A, %dma_wait3A_34] : memref<2x64xi32, #tpu.memory_space<vmem>> -> memref<1x64xi32, #tpu.memory_space<vmem>>
    %dma_wait3A_36 = tpu.memref_squeeze %dma_wait3A_35 : memref<1x64xi32, #tpu.memory_space<vmem>> -> memref<64xi32, #tpu.memory_space<vmem>>
    %dma_wait3A_37 = tpu.memref_slice %arg3[%add3A_29] : memref<323584xi32, #tpu.memory_space<hbm>> -> memref<64xi32, #tpu.memory_space<hbm>>
    tpu.wait_dma2 semaphore(%arg20 : memref<!tpu.dma_semaphore, #tpu.memory_space<semaphore_mem>>) src(%dma_wait3A_37 : memref<64xi32, #tpu.memory_space<hbm>>) dst(%dma_wait3A_36 : memref<64xi32, #tpu.memory_space<vmem>>)
    %dma_wait3A_38 = arith.constant 0 : i32
    %dma_wait3A_39 = arith.constant 0 : i32
    %dma_wait3A_40 = tpu.memref_slice %arg9[%dma_wait3A_38, %dma_wait3A_39] : memref<2x64xi32, #tpu.memory_space<vmem>> -> memref<1x64xi32, #tpu.memory_space<vmem>>
    %dma_wait3A_41 = tpu.memref_squeeze %dma_wait3A_40 : memref<1x64xi32, #tpu.memory_space<vmem>> -> memref<64xi32, #tpu.memory_space<vmem>>
    %dma_wait3A_42 = tpu.memref_slice %arg4[%add3A_29] : memref<323584xi32, #tpu.memory_space<hbm>> -> memref<64xi32, #tpu.memory_space<hbm>>
    %dma_wait3A_43 = arith.constant 0 : i32
    %dma_wait3A_44 = tpu.memref_slice %arg9[%dma_wait3A_38, %dma_wait3A_43] : memref<2x64xi32, #tpu.memory_space<vmem>> -> memref<1x64xi32, #tpu.memory_space<vmem>>
    %dma_wait3A_45 = tpu.memref_squeeze %dma_wait3A_44 : memref<1x64xi32, #tpu.memory_space<vmem>> -> memref<64xi32, #tpu.memory_space<vmem>>
    %dma_wait3A_46 = tpu.memref_slice %arg4[%add3A_29] : memref<323584xi32, #tpu.memory_space<hbm>> -> memref<64xi32, #tpu.memory_space<hbm>>
    tpu.wait_dma2 semaphore(%arg22 : memref<!tpu.dma_semaphore, #tpu.memory_space<semaphore_mem>>) src(%dma_wait3A_46 : memref<64xi32, #tpu.memory_space<hbm>>) dst(%dma_wait3A_45 : memref<64xi32, #tpu.memory_space<vmem>>)
    %dma_start3A_47 = arith.constant 0 : i32
    %dma_start3A_48 = arith.constant 0 : i32
    %dma_start3A_49 = arith.constant 0 : i32
    %dma_start3A_50 = arith.constant 0 : i32
    %dma_start3A_51 = tpu.memref_slice %arg11[%dma_start3A_48, %dma_start3A_49, %dma_start3A_50] : memref<2x64x128xf32, #tpu.memory_space<vmem>> -> memref<1x64x128xf32, #tpu.memory_space<vmem>>
    %dma_start3A_52 = tpu.memref_squeeze %dma_start3A_51 : memref<1x64x128xf32, #tpu.memory_space<vmem>> -> memref<64x128xf32, #tpu.memory_space<vmem>>
    %dma_start3A_53 = arith.constant 0 : i32
    %dma_start3A_54 = tpu.memref_slice %arg8[%dma_start3A_47, %dma_start3A_53] : memref<2x64xi32, #tpu.memory_space<vmem>> -> memref<1x64xi32, #tpu.memory_space<vmem>>
    %dma_start3A_55 = tpu.memref_squeeze %dma_start3A_54 : memref<1x64xi32, #tpu.memory_space<vmem>> -> memref<64xi32, #tpu.memory_space<vmem>>
    %dma_start3A_56 = arith.constant 0 : i32
    %dma_start3A_57 = arith.constant 0 : i32
    %dma_start3A_58 = tpu.memref_slice %arg2[%dma_start3A_56, %dma_start3A_57] : memref<10016x128xf32, #tpu.memory_space<hbm>> -> memref<10016x128xf32, #tpu.memory_space<hbm>>
    tpu.enqueue_indirect_dma source(%dma_start3A_58 : memref<10016x128xf32, #tpu.memory_space<hbm>>) target(%dma_start3A_52 : memref<64x128xf32, #tpu.memory_space<vmem>>) offsets(%dma_start3A_55 : memref<64xi32, #tpu.memory_space<vmem>>) semaphore(%arg14 : memref<!tpu.dma_semaphore, #tpu.memory_space<semaphore_mem>>)
    %dma_start3A_59 = arith.constant 0 : i32
    %dma_start3A_60 = arith.constant 0 : i32
    %dma_start3A_61 = arith.constant 0 : i32
    %dma_start3A_62 = arith.constant 0 : i32
    %dma_start3A_63 = tpu.memref_slice %arg12[%dma_start3A_60, %dma_start3A_61, %dma_start3A_62] : memref<2x64x128xf32, #tpu.memory_space<vmem>> -> memref<1x64x128xf32, #tpu.memory_space<vmem>>
    %dma_start3A_64 = tpu.memref_squeeze %dma_start3A_63 : memref<1x64x128xf32, #tpu.memory_space<vmem>> -> memref<64x128xf32, #tpu.memory_space<vmem>>
    %dma_start3A_65 = arith.constant 0 : i32
    %dma_start3A_66 = tpu.memref_slice %arg9[%dma_start3A_59, %dma_start3A_65] : memref<2x64xi32, #tpu.memory_space<vmem>> -> memref<1x64xi32, #tpu.memory_space<vmem>>
    %dma_start3A_67 = tpu.memref_squeeze %dma_start3A_66 : memref<1x64xi32, #tpu.memory_space<vmem>> -> memref<64xi32, #tpu.memory_space<vmem>>
    %dma_start3A_68 = arith.constant 0 : i32
    %dma_start3A_69 = arith.constant 0 : i32
    %dma_start3A_70 = tpu.memref_slice %arg2[%dma_start3A_68, %dma_start3A_69] : memref<10016x128xf32, #tpu.memory_space<hbm>> -> memref<10016x128xf32, #tpu.memory_space<hbm>>
    tpu.enqueue_indirect_dma source(%dma_start3A_70 : memref<10016x128xf32, #tpu.memory_space<hbm>>) target(%dma_start3A_64 : memref<64x128xf32, #tpu.memory_space<vmem>>) offsets(%dma_start3A_67 : memref<64xi32, #tpu.memory_space<vmem>>) semaphore(%arg16 : memref<!tpu.dma_semaphore, #tpu.memory_space<semaphore_mem>>)
    %mul3A_71 = arith.constant 10112 : i32
    %mul3A_72 = arith.muli %add3A, %mul3A_71 : i32
    %add3A_73 = arith.constant 64 : i32
    %add3A_74 = arith.addi %mul3A_72, %add3A_73 : i32
    %dma_start3A_75 = arith.constant 1 : i32
    %dma_start3A_76 = arith.constant 0 : i32
    %dma_start3A_77 = tpu.memref_slice %arg8[%dma_start3A_75, %dma_start3A_76] : memref<2x64xi32, #tpu.memory_space<vmem>> -> memref<1x64xi32, #tpu.memory_space<vmem>>
    %dma_start3A_78 = tpu.memref_squeeze %dma_start3A_77 : memref<1x64xi32, #tpu.memory_space<vmem>> -> memref<64xi32, #tpu.memory_space<vmem>>
    %dma_start3A_79 = tpu.memref_slice %arg3[%add3A_74] : memref<323584xi32, #tpu.memory_space<hbm>> -> memref<64xi32, #tpu.memory_space<hbm>>
    %dma_start3A_80 = arith.constant 0 : i32
    %dma_start3A_81 = tpu.memref_slice %arg8[%dma_start3A_75, %dma_start3A_80] : memref<2x64xi32, #tpu.memory_space<vmem>> -> memref<1x64xi32, #tpu.memory_space<vmem>>
    %dma_start3A_82 = tpu.memref_squeeze %dma_start3A_81 : memref<1x64xi32, #tpu.memory_space<vmem>> -> memref<64xi32, #tpu.memory_space<vmem>>
    %dma_start3A_83 = tpu.memref_slice %arg3[%add3A_74] : memref<323584xi32, #tpu.memory_space<hbm>> -> memref<64xi32, #tpu.memory_space<hbm>>
    tpu.enqueue_dma source(%dma_start3A_83 : memref<64xi32, #tpu.memory_space<hbm>>) target(%dma_start3A_82 : memref<64xi32, #tpu.memory_space<vmem>>) target_semaphore(%arg21 : memref<!tpu.dma_semaphore, #tpu.memory_space<semaphore_mem>>)
    %dma_start3A_84 = arith.constant 1 : i32
    %dma_start3A_85 = arith.constant 0 : i32
    %dma_start3A_86 = tpu.memref_slice %arg9[%dma_start3A_84, %dma_start3A_85] : memref<2x64xi32, #tpu.memory_space<vmem>> -> memref<1x64xi32, #tpu.memory_space<vmem>>
    %dma_start3A_87 = tpu.memref_squeeze %dma_start3A_86 : memref<1x64xi32, #tpu.memory_space<vmem>> -> memref<64xi32, #tpu.memory_space<vmem>>
    %dma_start3A_88 = tpu.memref_slice %arg4[%add3A_74] : memref<323584xi32, #tpu.memory_space<hbm>> -> memref<64xi32, #tpu.memory_space<hbm>>
    %dma_start3A_89 = arith.constant 0 : i32
    %dma_start3A_90 = tpu.memref_slice %arg9[%dma_start3A_84, %dma_start3A_89] : memref<2x64xi32, #tpu.memory_space<vmem>> -> memref<1x64xi32, #tpu.memory_space<vmem>>
    %dma_start3A_91 = tpu.memref_squeeze %dma_start3A_90 : memref<1x64xi32, #tpu.memory_space<vmem>> -> memref<64xi32, #tpu.memory_space<vmem>>
    %dma_start3A_92 = tpu.memref_slice %arg4[%add3A_74] : memref<323584xi32, #tpu.memory_space<hbm>> -> memref<64xi32, #tpu.memory_space<hbm>>
    tpu.enqueue_dma source(%dma_start3A_92 : memref<64xi32, #tpu.memory_space<hbm>>) target(%dma_start3A_91 : memref<64xi32, #tpu.memory_space<vmem>>) target_semaphore(%arg23 : memref<!tpu.dma_semaphore, #tpu.memory_space<semaphore_mem>>)
    %scan3A = arith.constant 0 : i32
    %scan3A_93 = arith.constant 0 : i32
    %scan3A_94 = arith.constant 79 : i32
    %scan3A_95 = arith.addi %scan3A_93, %scan3A_94 : i32
    %scan3A_96 = arith.constant 1 : i32
    scf.for %scan3A_127 = %scan3A_93 to %scan3A_95 step %scan3A_96  : i32 {
      %mul3A_128 = arith.constant 2 : i32
      %mul3A_129 = arith.muli %mul3A_128, %scan3A_127 : i32
      %add3A_130 = arith.constant 1 : i32
      %add3A_131 = arith.addi %mul3A_129, %add3A_130 : i32
      %mul3A_132 = arith.constant 10112 : i32
      %mul3A_133 = arith.muli %add3A, %mul3A_132 : i32
      %mul3A_134 = arith.constant 64 : i32
      %mul3A_135 = arith.muli %add3A_131, %mul3A_134 : i32
      %add3A_136 = arith.addi %mul3A_133, %mul3A_135 : i32
      %dma_wait3A_137 = arith.constant 1 : i32
      %dma_wait3A_138 = arith.constant 0 : i32
      %dma_wait3A_139 = tpu.memref_slice %arg8[%dma_wait3A_137, %dma_wait3A_138] : memref<2x64xi32, #tpu.memory_space<vmem>> -> memref<1x64xi32, #tpu.memory_space<vmem>>
      %dma_wait3A_140 = tpu.memref_squeeze %dma_wait3A_139 : memref<1x64xi32, #tpu.memory_space<vmem>> -> memref<64xi32, #tpu.memory_space<vmem>>
      %dma_wait3A_141 = tpu.memref_slice %arg3[%add3A_136] : memref<323584xi32, #tpu.memory_space<hbm>> -> memref<64xi32, #tpu.memory_space<hbm>>
      %dma_wait3A_142 = arith.constant 0 : i32
      %dma_wait3A_143 = tpu.memref_slice %arg8[%dma_wait3A_137, %dma_wait3A_142] : memref<2x64xi32, #tpu.memory_space<vmem>> -> memref<1x64xi32, #tpu.memory_space<vmem>>
      %dma_wait3A_144 = tpu.memref_squeeze %dma_wait3A_143 : memref<1x64xi32, #tpu.memory_space<vmem>> -> memref<64xi32, #tpu.memory_space<vmem>>
      %dma_wait3A_145 = tpu.memref_slice %arg3[%add3A_136] : memref<323584xi32, #tpu.memory_space<hbm>> -> memref<64xi32, #tpu.memory_space<hbm>>
      tpu.wait_dma2 semaphore(%arg21 : memref<!tpu.dma_semaphore, #tpu.memory_space<semaphore_mem>>) src(%dma_wait3A_145 : memref<64xi32, #tpu.memory_space<hbm>>) dst(%dma_wait3A_144 : memref<64xi32, #tpu.memory_space<vmem>>)
      %dma_wait3A_146 = arith.constant 1 : i32
      %dma_wait3A_147 = arith.constant 0 : i32
      %dma_wait3A_148 = tpu.memref_slice %arg9[%dma_wait3A_146, %dma_wait3A_147] : memref<2x64xi32, #tpu.memory_space<vmem>> -> memref<1x64xi32, #tpu.memory_space<vmem>>
      %dma_wait3A_149 = tpu.memref_squeeze %dma_wait3A_148 : memref<1x64xi32, #tpu.memory_space<vmem>> -> memref<64xi32, #tpu.memory_space<vmem>>
      %dma_wait3A_150 = tpu.memref_slice %arg4[%add3A_136] : memref<323584xi32, #tpu.memory_space<hbm>> -> memref<64xi32, #tpu.memory_space<hbm>>
      %dma_wait3A_151 = arith.constant 0 : i32
      %dma_wait3A_152 = tpu.memref_slice %arg9[%dma_wait3A_146, %dma_wait3A_151] : memref<2x64xi32, #tpu.memory_space<vmem>> -> memref<1x64xi32, #tpu.memory_space<vmem>>
      %dma_wait3A_153 = tpu.memref_squeeze %dma_wait3A_152 : memref<1x64xi32, #tpu.memory_space<vmem>> -> memref<64xi32, #tpu.memory_space<vmem>>
      %dma_wait3A_154 = tpu.memref_slice %arg4[%add3A_136] : memref<323584xi32, #tpu.memory_space<hbm>> -> memref<64xi32, #tpu.memory_space<hbm>>
      tpu.wait_dma2 semaphore(%arg23 : memref<!tpu.dma_semaphore, #tpu.memory_space<semaphore_mem>>) src(%dma_wait3A_154 : memref<64xi32, #tpu.memory_space<hbm>>) dst(%dma_wait3A_153 : memref<64xi32, #tpu.memory_space<vmem>>)
      %dma_start3A_155 = arith.constant 1 : i32
      %dma_start3A_156 = arith.constant 1 : i32
      %dma_start3A_157 = arith.constant 0 : i32
      %dma_start3A_158 = arith.constant 0 : i32
      %dma_start3A_159 = tpu.memref_slice %arg11[%dma_start3A_156, %dma_start3A_157, %dma_start3A_158] : memref<2x64x128xf32, #tpu.memory_space<vmem>> -> memref<1x64x128xf32, #tpu.memory_space<vmem>>
      %dma_start3A_160 = tpu.memref_squeeze %dma_start3A_159 : memref<1x64x128xf32, #tpu.memory_space<vmem>> -> memref<64x128xf32, #tpu.memory_space<vmem>>
      %dma_start3A_161 = arith.constant 0 : i32
      %dma_start3A_162 = tpu.memref_slice %arg8[%dma_start3A_155, %dma_start3A_161] : memref<2x64xi32, #tpu.memory_space<vmem>> -> memref<1x64xi32, #tpu.memory_space<vmem>>
      %dma_start3A_163 = tpu.memref_squeeze %dma_start3A_162 : memref<1x64xi32, #tpu.memory_space<vmem>> -> memref<64xi32, #tpu.memory_space<vmem>>
      %dma_start3A_164 = arith.constant 0 : i32
      %dma_start3A_165 = arith.constant 0 : i32
      %dma_start3A_166 = tpu.memref_slice %arg2[%dma_start3A_164, %dma_start3A_165] : memref<10016x128xf32, #tpu.memory_space<hbm>> -> memref<10016x128xf32, #tpu.memory_space<hbm>>
      tpu.enqueue_indirect_dma source(%dma_start3A_166 : memref<10016x128xf32, #tpu.memory_space<hbm>>) target(%dma_start3A_160 : memref<64x128xf32, #tpu.memory_space<vmem>>) offsets(%dma_start3A_163 : memref<64xi32, #tpu.memory_space<vmem>>) semaphore(%arg15 : memref<!tpu.dma_semaphore, #tpu.memory_space<semaphore_mem>>)
      %dma_start3A_167 = arith.constant 1 : i32
      %dma_start3A_168 = arith.constant 1 : i32
      %dma_start3A_169 = arith.constant 0 : i32
      %dma_start3A_170 = arith.constant 0 : i32
      %dma_start3A_171 = tpu.memref_slice %arg12[%dma_start3A_168, %dma_start3A_169, %dma_start3A_170] : memref<2x64x128xf32, #tpu.memory_space<vmem>> -> memref<1x64x128xf32, #tpu.memory_space<vmem>>
      %dma_start3A_172 = tpu.memref_squeeze %dma_start3A_171 : memref<1x64x128xf32, #tpu.memory_space<vmem>> -> memref<64x128xf32, #tpu.memory_space<vmem>>
      %dma_start3A_173 = arith.constant 0 : i32
      %dma_start3A_174 = tpu.memref_slice %arg9[%dma_start3A_167, %dma_start3A_173] : memref<2x64xi32, #tpu.memory_space<vmem>> -> memref<1x64xi32, #tpu.memory_space<vmem>>
      %dma_start3A_175 = tpu.memref_squeeze %dma_start3A_174 : memref<1x64xi32, #tpu.memory_space<vmem>> -> memref<64xi32, #tpu.memory_space<vmem>>
      %dma_start3A_176 = arith.constant 0 : i32
      %dma_start3A_177 = arith.constant 0 : i32
      %dma_start3A_178 = tpu.memref_slice %arg2[%dma_start3A_176, %dma_start3A_177] : memref<10016x128xf32, #tpu.memory_space<hbm>> -> memref<10016x128xf32, #tpu.memory_space<hbm>>
      tpu.enqueue_indirect_dma source(%dma_start3A_178 : memref<10016x128xf32, #tpu.memory_space<hbm>>) target(%dma_start3A_172 : memref<64x128xf32, #tpu.memory_space<vmem>>) offsets(%dma_start3A_175 : memref<64xi32, #tpu.memory_space<vmem>>) semaphore(%arg17 : memref<!tpu.dma_semaphore, #tpu.memory_space<semaphore_mem>>)
      %gt3A = arith.constant 0 : i32
      %gt3A_179 = arith.cmpi sgt, %scan3A_127, %gt3A : i32
      %add3A_180 = arith.constant 2 : i32
      %add3A_181 = arith.addi %mul3A_129, %add3A_180 : i32
      %lt3A = arith.constant 158 : i32
      %lt3A_182 = arith.cmpi slt, %add3A_181, %lt3A : i32
      %dma_wait3A_183 = arith.constant 0 : i32
      %dma_wait3A_184 = arith.constant 0 : i32
      %dma_wait3A_185 = arith.constant 0 : i32
      %dma_wait3A_186 = arith.constant 0 : i32
      %dma_wait3A_187 = tpu.memref_slice %arg11[%dma_wait3A_184, %dma_wait3A_185, %dma_wait3A_186] : memref<2x64x128xf32, #tpu.memory_space<vmem>> -> memref<1x64x128xf32, #tpu.memory_space<vmem>>
      %dma_wait3A_188 = tpu.memref_squeeze %dma_wait3A_187 : memref<1x64x128xf32, #tpu.memory_space<vmem>> -> memref<64x128xf32, #tpu.memory_space<vmem>>
      %dma_wait3A_189 = arith.constant 0 : i32
      %dma_wait3A_190 = tpu.memref_slice %arg8[%dma_wait3A_183, %dma_wait3A_189] : memref<2x64xi32, #tpu.memory_space<vmem>> -> memref<1x64xi32, #tpu.memory_space<vmem>>
      %dma_wait3A_191 = tpu.memref_squeeze %dma_wait3A_190 : memref<1x64xi32, #tpu.memory_space<vmem>> -> memref<64xi32, #tpu.memory_space<vmem>>
      %dma_wait3A_192 = arith.constant 0 : i32
      %dma_wait3A_193 = arith.constant 0 : i32
      %dma_wait3A_194 = tpu.memref_slice %arg2[%dma_wait3A_192, %dma_wait3A_193] : memref<10016x128xf32, #tpu.memory_space<hbm>> -> memref<10016x128xf32, #tpu.memory_space<hbm>>
      tpu.wait_indirect_dma semaphore(%arg14 : memref<!tpu.dma_semaphore, #tpu.memory_space<semaphore_mem>>) src(%dma_wait3A_194 : memref<10016x128xf32, #tpu.memory_space<hbm>>) dst(%dma_wait3A_188 : memref<64x128xf32, #tpu.memory_space<vmem>>)
      %dma_wait3A_195 = arith.constant 0 : i32
      %dma_wait3A_196 = arith.constant 0 : i32
      %dma_wait3A_197 = arith.constant 0 : i32
      %dma_wait3A_198 = arith.constant 0 : i32
      %dma_wait3A_199 = tpu.memref_slice %arg12[%dma_wait3A_196, %dma_wait3A_197, %dma_wait3A_198] : memref<2x64x128xf32, #tpu.memory_space<vmem>> -> memref<1x64x128xf32, #tpu.memory_space<vmem>>
      %dma_wait3A_200 = tpu.memref_squeeze %dma_wait3A_199 : memref<1x64x128xf32, #tpu.memory_space<vmem>> -> memref<64x128xf32, #tpu.memory_space<vmem>>
      %dma_wait3A_201 = arith.constant 0 : i32
      %dma_wait3A_202 = tpu.memref_slice %arg9[%dma_wait3A_195, %dma_wait3A_201] : memref<2x64xi32, #tpu.memory_space<vmem>> -> memref<1x64xi32, #tpu.memory_space<vmem>>
      %dma_wait3A_203 = tpu.memref_squeeze %dma_wait3A_202 : memref<1x64xi32, #tpu.memory_space<vmem>> -> memref<64xi32, #tpu.memory_space<vmem>>
      %dma_wait3A_204 = arith.constant 0 : i32
      %dma_wait3A_205 = arith.constant 0 : i32
      %dma_wait3A_206 = tpu.memref_slice %arg2[%dma_wait3A_204, %dma_wait3A_205] : memref<10016x128xf32, #tpu.memory_space<hbm>> -> memref<10016x128xf32, #tpu.memory_space<hbm>>
      tpu.wait_indirect_dma semaphore(%arg16 : memref<!tpu.dma_semaphore, #tpu.memory_space<semaphore_mem>>) src(%dma_wait3A_206 : memref<10016x128xf32, #tpu.memory_space<hbm>>) dst(%dma_wait3A_200 : memref<64x128xf32, #tpu.memory_space<vmem>>)
      %convert_element_type3A = arith.extui %gt3A_179 : i1 to i32
      %cond3A = arith.constant 0 : i32
      %cond3A_207 = arith.cmpi ne, %convert_element_type3A, %cond3A : i32
      scf.if %cond3A_207 {
        %dma_wait3A_809 = arith.constant 0 : i32
        %dma_wait3A_810 = arith.constant 0 : i32
        %dma_wait3A_811 = arith.constant 0 : i32
        %dma_wait3A_812 = arith.constant 0 : i32
        %dma_wait3A_813 = tpu.memref_slice %arg13[%dma_wait3A_809, %dma_wait3A_811, %dma_wait3A_812] : memref<2x64x128xf32, #tpu.memory_space<vmem>> -> memref<1x64x128xf32, #tpu.memory_space<vmem>>
        %dma_wait3A_814 = tpu.memref_squeeze %dma_wait3A_813 : memref<1x64x128xf32, #tpu.memory_space<vmem>> -> memref<64x128xf32, #tpu.memory_space<vmem>>
        %dma_wait3A_815 = arith.constant 0 : i32
        %dma_wait3A_816 = tpu.memref_slice %arg10[%dma_wait3A_810, %dma_wait3A_815] : memref<2x64xi32, #tpu.memory_space<vmem>> -> memref<1x64xi32, #tpu.memory_space<vmem>>
        %dma_wait3A_817 = tpu.memref_squeeze %dma_wait3A_816 : memref<1x64xi32, #tpu.memory_space<vmem>> -> memref<64xi32, #tpu.memory_space<vmem>>
        %dma_wait3A_818 = arith.constant 0 : i32
        %dma_wait3A_819 = arith.constant 0 : i32
        %dma_wait3A_820 = tpu.memref_slice %arg7[%dma_wait3A_818, %dma_wait3A_819] : memref<10112x128xf32, #tpu.memory_space<vmem_shared>> -> memref<10112x128xf32, #tpu.memory_space<vmem_shared>>
        tpu.wait_indirect_dma semaphore(%arg18 : memref<!tpu.dma_semaphore, #tpu.memory_space<semaphore_mem>>) src(%dma_wait3A_814 : memref<64x128xf32, #tpu.memory_space<vmem>>) dst(%dma_wait3A_820 : memref<10112x128xf32, #tpu.memory_space<vmem_shared>>)
      } else {
      }
      %get3A = arith.constant 0 : i32
      %get3A_208 = arith.index_cast %get3A : i32 to index
      %get3A_209 = arith.constant 0 : index
      %get3A_210 = tpu.vector_load %arg9[%get3A_208, %get3A_209] {strides = array<i32>} : memref<2x64xi32, #tpu.memory_space<vmem>>, vector<16xi32>,
      %swap3A = arith.constant 0 : i32
      %swap3A_211 = arith.index_cast %swap3A : i32 to index
      %swap3A_212 = arith.constant 0 : index
      %swap3A_213 = tpu.vector_load %arg10[%swap3A_211, %swap3A_212] {strides = array<i32>} : memref<2x64xi32, #tpu.memory_space<vmem>>, vector<16xi32>,
      tpu.vector_store %arg10[%swap3A_211, %swap3A_212], %get3A_210 {strides = array<i32>} : memref<2x64xi32, #tpu.memory_space<vmem>>, vector<16xi32>,
      %get3A_214 = arith.constant 0 : i32
      %get3A_215 = arith.index_cast %get3A_214 : i32 to index
      %get3A_216 = arith.constant 16 : index
      %get3A_217 = tpu.vector_load %arg9[%get3A_215, %get3A_216] {strides = array<i32>} : memref<2x64xi32, #tpu.memory_space<vmem>>, vector<16xi32>,
      %swap3A_218 = arith.constant 0 : i32
      %swap3A_219 = arith.index_cast %swap3A_218 : i32 to index
      %swap3A_220 = arith.constant 16 : index
      %swap3A_221 = tpu.vector_load %arg10[%swap3A_219, %swap3A_220] {strides = array<i32>} : memref<2x64xi32, #tpu.memory_space<vmem>>, vector<16xi32>,
      tpu.vector_store %arg10[%swap3A_219, %swap3A_220], %get3A_217 {strides = array<i32>} : memref<2x64xi32, #tpu.memory_space<vmem>>, vector<16xi32>,
      %get3A_222 = arith.constant 0 : i32
      %get3A_223 = arith.index_cast %get3A_222 : i32 to index
      %get3A_224 = arith.constant 32 : index
      %get3A_225 = tpu.vector_load %arg9[%get3A_223, %get3A_224] {strides = array<i32>} : memref<2x64xi32, #tpu.memory_space<vmem>>, vector<16xi32>,
      %swap3A_226 = arith.constant 0 : i32
      %swap3A_227 = arith.index_cast %swap3A_226 : i32 to index
      %swap3A_228 = arith.constant 32 : index
      %swap3A_229 = tpu.vector_load %arg10[%swap3A_227, %swap3A_228] {strides = array<i32>} : memref<2x64xi32, #tpu.memory_space<vmem>>, vector<16xi32>,
      tpu.vector_store %arg10[%swap3A_227, %swap3A_228], %get3A_225 {strides = array<i32>} : memref<2x64xi32, #tpu.memory_space<vmem>>, vector<16xi32>,
      %get3A_230 = arith.constant 0 : i32
      %get3A_231 = arith.index_cast %get3A_230 : i32 to index
      %get3A_232 = arith.constant 48 : index
      %get3A_233 = tpu.vector_load %arg9[%get3A_231, %get3A_232] {strides = array<i32>} : memref<2x64xi32, #tpu.memory_space<vmem>>, vector<16xi32>,
      %swap3A_234 = arith.constant 0 : i32
      %swap3A_235 = arith.index_cast %swap3A_234 : i32 to index
      %swap3A_236 = arith.constant 48 : index
      %swap3A_237 = tpu.vector_load %arg10[%swap3A_235, %swap3A_236] {strides = array<i32>} : memref<2x64xi32, #tpu.memory_space<vmem>>, vector<16xi32>,
      tpu.vector_store %arg10[%swap3A_235, %swap3A_236], %get3A_233 {strides = array<i32>} : memref<2x64xi32, #tpu.memory_space<vmem>>, vector<16xi32>,
      %convert_element_type3A_238 = arith.extui %lt3A_182 : i1 to i32
      %cond3A_239 = arith.constant 0 : i32
      %cond3A_240 = arith.cmpi ne, %convert_element_type3A_238, %cond3A_239 : i32
      scf.if %cond3A_240 {
        %add3A_809 = arith.constant 2 : i32
        %add3A_810 = arith.addi %mul3A_129, %add3A_809 : i32
        %mul3A_811 = arith.constant 10112 : i32
        %mul3A_812 = arith.muli %add3A, %mul3A_811 : i32
        %mul3A_813 = arith.constant 64 : i32
        %mul3A_814 = arith.muli %add3A_810, %mul3A_813 : i32
        %add3A_815 = arith.addi %mul3A_812, %mul3A_814 : i32
        %dma_start3A_816 = arith.constant 0 : i32
        %dma_start3A_817 = arith.constant 0 : i32
        %dma_start3A_818 = tpu.memref_slice %arg8[%dma_start3A_816, %dma_start3A_817] : memref<2x64xi32, #tpu.memory_space<vmem>> -> memref<1x64xi32, #tpu.memory_space<vmem>>
        %dma_start3A_819 = tpu.memref_squeeze %dma_start3A_818 : memref<1x64xi32, #tpu.memory_space<vmem>> -> memref<64xi32, #tpu.memory_space<vmem>>
        %dma_start3A_820 = tpu.memref_slice %arg3[%add3A_815] : memref<323584xi32, #tpu.memory_space<hbm>> -> memref<64xi32, #tpu.memory_space<hbm>>
        %dma_start3A_821 = arith.constant 0 : i32
        %dma_start3A_822 = tpu.memref_slice %arg8[%dma_start3A_816, %dma_start3A_821] : memref<2x64xi32, #tpu.memory_space<vmem>> -> memref<1x64xi32, #tpu.memory_space<vmem>>
        %dma_start3A_823 = tpu.memref_squeeze %dma_start3A_822 : memref<1x64xi32, #tpu.memory_space<vmem>> -> memref<64xi32, #tpu.memory_space<vmem>>
        %dma_start3A_824 = tpu.memref_slice %arg3[%add3A_815] : memref<323584xi32, #tpu.memory_space<hbm>> -> memref<64xi32, #tpu.memory_space<hbm>>
        tpu.enqueue_dma source(%dma_start3A_824 : memref<64xi32, #tpu.memory_space<hbm>>) target(%dma_start3A_823 : memref<64xi32, #tpu.memory_space<vmem>>) target_semaphore(%arg20 : memref<!tpu.dma_semaphore, #tpu.memory_space<semaphore_mem>>)
        %dma_start3A_825 = arith.constant 0 : i32
        %dma_start3A_826 = arith.constant 0 : i32
        %dma_start3A_827 = tpu.memref_slice %arg9[%dma_start3A_825, %dma_start3A_826] : memref<2x64xi32, #tpu.memory_space<vmem>> -> memref<1x64xi32, #tpu.memory_space<vmem>>
        %dma_start3A_828 = tpu.memref_squeeze %dma_start3A_827 : memref<1x64xi32, #tpu.memory_space<vmem>> -> memref<64xi32, #tpu.memory_space<vmem>>
        %dma_start3A_829 = tpu.memref_slice %arg4[%add3A_815] : memref<323584xi32, #tpu.memory_space<hbm>> -> memref<64xi32, #tpu.memory_space<hbm>>
        %dma_start3A_830 = arith.constant 0 : i32
        %dma_start3A_831 = tpu.memref_slice %arg9[%dma_start3A_825, %dma_start3A_830] : memref<2x64xi32, #tpu.memory_space<vmem>> -> memref<1x64xi32, #tpu.memory_space<vmem>>
        %dma_start3A_832 = tpu.memref_squeeze %dma_start3A_831 : memref<1x64xi32, #tpu.memory_space<vmem>> -> memref<64xi32, #tpu.memory_space<vmem>>
        %dma_start3A_833 = tpu.memref_slice %arg4[%add3A_815] : memref<323584xi32, #tpu.memory_space<hbm>> -> memref<64xi32, #tpu.memory_space<hbm>>
        tpu.enqueue_dma source(%dma_start3A_833 : memref<64xi32, #tpu.memory_space<hbm>>) target(%dma_start3A_832 : memref<64xi32, #tpu.memory_space<vmem>>) target_semaphore(%arg22 : memref<!tpu.dma_semaphore, #tpu.memory_space<semaphore_mem>>)
      } else {
      }
      %broadcast_in_dim3A = arith.constant 0 : i32
      %broadcast_in_dim3A_241 = vector.broadcast %broadcast_in_dim3A : i32 to vector<16xi32>
      %broadcast_in_dim3A_242 = arith.constant 0.000000e+00 : f32
      %broadcast_in_dim3A_243 = vector.broadcast %broadcast_in_dim3A_242 : f32 to vector<16xf32>
      %add3A_244 = arith.constant 0 : i32
      %add3A_245 = vector.broadcast %add3A_244 : i32 to vector<16xi32>
      %add3A_246 = arith.addi %add3A_245, %iota3A : vector<16xi32>
      %gather3A = arith.constant 0 : i32
      %gather3A_247 = arith.constant 0 : i32
      %gather3A_248 = arith.constant 0 : i32
      %gather3A_249 = tpu.memref_slice %arg11[%gather3A, %gather3A_247, %gather3A_248] : memref<2x64x128xf32, #tpu.memory_space<vmem>> -> memref<1x64x128xf32, #tpu.memory_space<vmem>>
      %gather3A_250 = tpu.memref_squeeze %gather3A_249 : memref<1x64x128xf32, #tpu.memory_space<vmem>> -> memref<64x128xf32, #tpu.memory_space<vmem>>
      %gather3A_251 = tpu.vector_load_idx %gather3A_250[%broadcast_in_dim3A_241, %add3A_246] : memref<64x128xf32, #tpu.memory_space<vmem>>[vector<16xi32>, vector<16xi32>], vector<16xf32>,
      %gather3A_252 = arith.constant 0 : i32
      %gather3A_253 = arith.constant 0 : i32
      %gather3A_254 = arith.constant 0 : i32
      %gather3A_255 = tpu.memref_slice %arg12[%gather3A_252, %gather3A_253, %gather3A_254] : memref<2x64x128xf32, #tpu.memory_space<vmem>> -> memref<1x64x128xf32, #tpu.memory_space<vmem>>
      %gather3A_256 = tpu.memref_squeeze %gather3A_255 : memref<1x64x128xf32, #tpu.memory_space<vmem>> -> memref<64x128xf32, #tpu.memory_space<vmem>>
      %gather3A_257 = tpu.vector_load_idx %gather3A_256[%broadcast_in_dim3A_241, %add3A_246] : memref<64x128xf32, #tpu.memory_space<vmem>>[vector<16xi32>, vector<16xi32>], vector<16xf32>,
      %mul3A_258 = arith.mulf %gather3A_251, %gather3A_257 : vector<16xf32>
      %add3A_259 = arith.addf %broadcast_in_dim3A_243, %mul3A_258 : vector<16xf32>
      %add3A_260 = arith.constant 16 : i32
      %add3A_261 = vector.broadcast %add3A_260 : i32 to vector<16xi32>
      %add3A_262 = arith.addi %add3A_261, %iota3A : vector<16xi32>
      %gather3A_263 = arith.constant 0 : i32
      %gather3A_264 = arith.constant 0 : i32
      %gather3A_265 = arith.constant 0 : i32
      %gather3A_266 = tpu.memref_slice %arg11[%gather3A_263, %gather3A_264, %gather3A_265] : memref<2x64x128xf32, #tpu.memory_space<vmem>> -> memref<1x64x128xf32, #tpu.memory_space<vmem>>
      %gather3A_267 = tpu.memref_squeeze %gather3A_266 : memref<1x64x128xf32, #tpu.memory_space<vmem>> -> memref<64x128xf32, #tpu.memory_space<vmem>>
      %gather3A_268 = tpu.vector_load_idx %gather3A_267[%broadcast_in_dim3A_241, %add3A_262] : memref<64x128xf32, #tpu.memory_space<vmem>>[vector<16xi32>, vector<16xi32>], vector<16xf32>,
      %gather3A_269 = arith.constant 0 : i32
      %gather3A_270 = arith.constant 0 : i32
      %gather3A_271 = arith.constant 0 : i32
      %gather3A_272 = tpu.memref_slice %arg12[%gather3A_269, %gather3A_270, %gather3A_271] : memref<2x64x128xf32, #tpu.memory_space<vmem>> -> memref<1x64x128xf32, #tpu.memory_space<vmem>>
      %gather3A_273 = tpu.memref_squeeze %gather3A_272 : memref<1x64x128xf32, #tpu.memory_space<vmem>> -> memref<64x128xf32, #tpu.memory_space<vmem>>
      %gather3A_274 = tpu.vector_load_idx %gather3A_273[%broadcast_in_dim3A_241, %add3A_262] : memref<64x128xf32, #tpu.memory_space<vmem>>[vector<16xi32>, vector<16xi32>], vector<16xf32>,
      %mul3A_275 = arith.mulf %gather3A_268, %gather3A_274 : vector<16xf32>
      %add3A_276 = arith.addf %add3A_259, %mul3A_275 : vector<16xf32>
      %add3A_277 = arith.constant 32 : i32
      %add3A_278 = vector.broadcast %add3A_277 : i32 to vector<16xi32>
      %add3A_279 = arith.addi %add3A_278, %iota3A : vector<16xi32>
      %gather3A_280 = arith.constant 0 : i32
      %gather3A_281 = arith.constant 0 : i32
      %gather3A_282 = arith.constant 0 : i32
      %gather3A_283 = tpu.memref_slice %arg11[%gather3A_280, %gather3A_281, %gather3A_282] : memref<2x64x128xf32, #tpu.memory_space<vmem>> -> memref<1x64x128xf32, #tpu.memory_space<vmem>>
      %gather3A_284 = tpu.memref_squeeze %gather3A_283 : memref<1x64x128xf32, #tpu.memory_space<vmem>> -> memref<64x128xf32, #tpu.memory_space<vmem>>
      %gather3A_285 = tpu.vector_load_idx %gather3A_284[%broadcast_in_dim3A_241, %add3A_279] : memref<64x128xf32, #tpu.memory_space<vmem>>[vector<16xi32>, vector<16xi32>], vector<16xf32>,
      %gather3A_286 = arith.constant 0 : i32
      %gather3A_287 = arith.constant 0 : i32
      %gather3A_288 = arith.constant 0 : i32
      %gather3A_289 = tpu.memref_slice %arg12[%gather3A_286, %gather3A_287, %gather3A_288] : memref<2x64x128xf32, #tpu.memory_space<vmem>> -> memref<1x64x128xf32, #tpu.memory_space<vmem>>
      %gather3A_290 = tpu.memref_squeeze %gather3A_289 : memref<1x64x128xf32, #tpu.memory_space<vmem>> -> memref<64x128xf32, #tpu.memory_space<vmem>>
      %gather3A_291 = tpu.vector_load_idx %gather3A_290[%broadcast_in_dim3A_241, %add3A_279] : memref<64x128xf32, #tpu.memory_space<vmem>>[vector<16xi32>, vector<16xi32>], vector<16xf32>,
      %mul3A_292 = arith.mulf %gather3A_285, %gather3A_291 : vector<16xf32>
      %add3A_293 = arith.addf %add3A_276, %mul3A_292 : vector<16xf32>
      %add3A_294 = arith.constant 48 : i32
      %add3A_295 = vector.broadcast %add3A_294 : i32 to vector<16xi32>
      %add3A_296 = arith.addi %add3A_295, %iota3A : vector<16xi32>
      %gather3A_297 = arith.constant 0 : i32
      %gather3A_298 = arith.constant 0 : i32
      %gather3A_299 = arith.constant 0 : i32
      %gather3A_300 = tpu.memref_slice %arg11[%gather3A_297, %gather3A_298, %gather3A_299] : memref<2x64x128xf32, #tpu.memory_space<vmem>> -> memref<1x64x128xf32, #tpu.memory_space<vmem>>
      %gather3A_301 = tpu.memref_squeeze %gather3A_300 : memref<1x64x128xf32, #tpu.memory_space<vmem>> -> memref<64x128xf32, #tpu.memory_space<vmem>>
      %gather3A_302 = tpu.vector_load_idx %gather3A_301[%broadcast_in_dim3A_241, %add3A_296] : memref<64x128xf32, #tpu.memory_space<vmem>>[vector<16xi32>, vector<16xi32>], vector<16xf32>,
      %gather3A_303 = arith.constant 0 : i32
      %gather3A_304 = arith.constant 0 : i32
      %gather3A_305 = arith.constant 0 : i32
      %gather3A_306 = tpu.memref_slice %arg12[%gather3A_303, %gather3A_304, %gather3A_305] : memref<2x64x128xf32, #tpu.memory_space<vmem>> -> memref<1x64x128xf32, #tpu.memory_space<vmem>>
      %gather3A_307 = tpu.memref_squeeze %gather3A_306 : memref<1x64x128xf32, #tpu.memory_space<vmem>> -> memref<64x128xf32, #tpu.memory_space<vmem>>
      %gather3A_308 = tpu.vector_load_idx %gather3A_307[%broadcast_in_dim3A_241, %add3A_296] : memref<64x128xf32, #tpu.memory_space<vmem>>[vector<16xi32>, vector<16xi32>], vector<16xf32>,
      %mul3A_309 = arith.mulf %gather3A_302, %gather3A_308 : vector<16xf32>
      %add3A_310 = arith.addf %add3A_293, %mul3A_309 : vector<16xf32>
      %add3A_311 = arith.constant 64 : i32
      %add3A_312 = vector.broadcast %add3A_311 : i32 to vector<16xi32>
      %add3A_313 = arith.addi %add3A_312, %iota3A : vector<16xi32>
      %gather3A_314 = arith.constant 0 : i32
      %gather3A_315 = arith.constant 0 : i32
      %gather3A_316 = arith.constant 0 : i32
      %gather3A_317 = tpu.memref_slice %arg11[%gather3A_314, %gather3A_315, %gather3A_316] : memref<2x64x128xf32, #tpu.memory_space<vmem>> -> memref<1x64x128xf32, #tpu.memory_space<vmem>>
      %gather3A_318 = tpu.memref_squeeze %gather3A_317 : memref<1x64x128xf32, #tpu.memory_space<vmem>> -> memref<64x128xf32, #tpu.memory_space<vmem>>
      %gather3A_319 = tpu.vector_load_idx %gather3A_318[%broadcast_in_dim3A_241, %add3A_313] : memref<64x128xf32, #tpu.memory_space<vmem>>[vector<16xi32>, vector<16xi32>], vector<16xf32>,
      %gather3A_320 = arith.constant 0 : i32
      %gather3A_321 = arith.constant 0 : i32
      %gather3A_322 = arith.constant 0 : i32
      %gather3A_323 = tpu.memref_slice %arg12[%gather3A_320, %gather3A_321, %gather3A_322] : memref<2x64x128xf32, #tpu.memory_space<vmem>> -> memref<1x64x128xf32, #tpu.memory_space<vmem>>
      %gather3A_324 = tpu.memref_squeeze %gather3A_323 : memref<1x64x128xf32, #tpu.memory_space<vmem>> -> memref<64x128xf32, #tpu.memory_space<vmem>>
      %gather3A_325 = tpu.vector_load_idx %gather3A_324[%broadcast_in_dim3A_241, %add3A_313] : memref<64x128xf32, #tpu.memory_space<vmem>>[vector<16xi32>, vector<16xi32>], vector<16xf32>,
      %mul3A_326 = arith.mulf %gather3A_319, %gather3A_325 : vector<16xf32>
      %add3A_327 = arith.addf %add3A_310, %mul3A_326 : vector<16xf32>
      %add3A_328 = arith.constant 80 : i32
      %add3A_329 = vector.broadcast %add3A_328 : i32 to vector<16xi32>
      %add3A_330 = arith.addi %add3A_329, %iota3A : vector<16xi32>
      %gather3A_331 = arith.constant 0 : i32
      %gather3A_332 = arith.constant 0 : i32
      %gather3A_333 = arith.constant 0 : i32
      %gather3A_334 = tpu.memref_slice %arg11[%gather3A_331, %gather3A_332, %gather3A_333] : memref<2x64x128xf32, #tpu.memory_space<vmem>> -> memref<1x64x128xf32, #tpu.memory_space<vmem>>
      %gather3A_335 = tpu.memref_squeeze %gather3A_334 : memref<1x64x128xf32, #tpu.memory_space<vmem>> -> memref<64x128xf32, #tpu.memory_space<vmem>>
      %gather3A_336 = tpu.vector_load_idx %gather3A_335[%broadcast_in_dim3A_241, %add3A_330] : memref<64x128xf32, #tpu.memory_space<vmem>>[vector<16xi32>, vector<16xi32>], vector<16xf32>,
      %gather3A_337 = arith.constant 0 : i32
      %gather3A_338 = arith.constant 0 : i32
      %gather3A_339 = arith.constant 0 : i32
      %gather3A_340 = tpu.memref_slice %arg12[%gather3A_337, %gather3A_338, %gather3A_339] : memref<2x64x128xf32, #tpu.memory_space<vmem>> -> memref<1x64x128xf32, #tpu.memory_space<vmem>>
      %gather3A_341 = tpu.memref_squeeze %gather3A_340 : memref<1x64x128xf32, #tpu.memory_space<vmem>> -> memref<64x128xf32, #tpu.memory_space<vmem>>
      %gather3A_342 = tpu.vector_load_idx %gather3A_341[%broadcast_in_dim3A_241, %add3A_330] : memref<64x128xf32, #tpu.memory_space<vmem>>[vector<16xi32>, vector<16xi32>], vector<16xf32>,
      %mul3A_343 = arith.mulf %gather3A_336, %gather3A_342 : vector<16xf32>
      %add3A_344 = arith.addf %add3A_327, %mul3A_343 : vector<16xf32>
      %add3A_345 = arith.constant 96 : i32
      %add3A_346 = vector.broadcast %add3A_345 : i32 to vector<16xi32>
      %add3A_347 = arith.addi %add3A_346, %iota3A : vector<16xi32>
      %gather3A_348 = arith.constant 0 : i32
      %gather3A_349 = arith.constant 0 : i32
      %gather3A_350 = arith.constant 0 : i32
      %gather3A_351 = tpu.memref_slice %arg11[%gather3A_348, %gather3A_349, %gather3A_350] : memref<2x64x128xf32, #tpu.memory_space<vmem>> -> memref<1x64x128xf32, #tpu.memory_space<vmem>>
      %gather3A_352 = tpu.memref_squeeze %gather3A_351 : memref<1x64x128xf32, #tpu.memory_space<vmem>> -> memref<64x128xf32, #tpu.memory_space<vmem>>
      %gather3A_353 = tpu.vector_load_idx %gather3A_352[%broadcast_in_dim3A_241, %add3A_347] : memref<64x128xf32, #tpu.memory_space<vmem>>[vector<16xi32>, vector<16xi32>], vector<16xf32>,
      %gather3A_354 = arith.constant 0 : i32
      %gather3A_355 = arith.constant 0 : i32
      %gather3A_356 = arith.constant 0 : i32
      %gather3A_357 = tpu.memref_slice %arg12[%gather3A_354, %gather3A_355, %gather3A_356] : memref<2x64x128xf32, #tpu.memory_space<vmem>> -> memref<1x64x128xf32, #tpu.memory_space<vmem>>
      %gather3A_358 = tpu.memref_squeeze %gather3A_357 : memref<1x64x128xf32, #tpu.memory_space<vmem>> -> memref<64x128xf32, #tpu.memory_space<vmem>>
      %gather3A_359 = tpu.vector_load_idx %gather3A_358[%broadcast_in_dim3A_241, %add3A_347] : memref<64x128xf32, #tpu.memory_space<vmem>>[vector<16xi32>, vector<16xi32>], vector<16xf32>,
      %mul3A_360 = arith.mulf %gather3A_353, %gather3A_359 : vector<16xf32>
      %add3A_361 = arith.addf %add3A_344, %mul3A_360 : vector<16xf32>
      %add3A_362 = arith.constant 112 : i32
      %add3A_363 = vector.broadcast %add3A_362 : i32 to vector<16xi32>
      %add3A_364 = arith.addi %add3A_363, %iota3A : vector<16xi32>
      %gather3A_365 = arith.constant 0 : i32
      %gather3A_366 = arith.constant 0 : i32
      %gather3A_367 = arith.constant 0 : i32
      %gather3A_368 = tpu.memref_slice %arg11[%gather3A_365, %gather3A_366, %gather3A_367] : memref<2x64x128xf32, #tpu.memory_space<vmem>> -> memref<1x64x128xf32, #tpu.memory_space<vmem>>
      %gather3A_369 = tpu.memref_squeeze %gather3A_368 : memref<1x64x128xf32, #tpu.memory_space<vmem>> -> memref<64x128xf32, #tpu.memory_space<vmem>>
      %gather3A_370 = tpu.vector_load_idx %gather3A_369[%broadcast_in_dim3A_241, %add3A_364] : memref<64x128xf32, #tpu.memory_space<vmem>>[vector<16xi32>, vector<16xi32>], vector<16xf32>,
      %gather3A_371 = arith.constant 0 : i32
      %gather3A_372 = arith.constant 0 : i32
      %gather3A_373 = arith.constant 0 : i32
      %gather3A_374 = tpu.memref_slice %arg12[%gather3A_371, %gather3A_372, %gather3A_373] : memref<2x64x128xf32, #tpu.memory_space<vmem>> -> memref<1x64x128xf32, #tpu.memory_space<vmem>>
      %gather3A_375 = tpu.memref_squeeze %gather3A_374 : memref<1x64x128xf32, #tpu.memory_space<vmem>> -> memref<64x128xf32, #tpu.memory_space<vmem>>
      %gather3A_376 = tpu.vector_load_idx %gather3A_375[%broadcast_in_dim3A_241, %add3A_364] : memref<64x128xf32, #tpu.memory_space<vmem>>[vector<16xi32>, vector<16xi32>], vector<16xf32>,
      %mul3A_377 = arith.mulf %gather3A_370, %gather3A_376 : vector<16xf32>
      %add3A_378 = arith.addf %add3A_361, %mul3A_377 : vector<16xf32>
      %reduce_sum3A = arith.constant true
      %reduce_sum3A_379 = vector.broadcast %reduce_sum3A : i1 to vector<16xi1>
      %reduce_sum3A_380 = tpu.scan <sum>, %add3A_378 masked %reduce_sum3A_379 : vector<16xf32>, vector<16xi1> -> vector<16xf32>
      %reduce_sum3A_381 = vector.extract %reduce_sum3A_380[15] : f32 from vector<16xf32>
      %broadcast_in_dim3A_382 = vector.broadcast %reduce_sum3A_381 : f32 to vector<16xf32>
      %neg3A = arith.constant 0.000000e+00 : f32
      %neg3A_383 = vector.broadcast %neg3A : f32 to vector<16xf32>
      %neg3A_384 = arith.subf %neg3A_383, %broadcast_in_dim3A_382 : vector<16xf32>
      %exp3A = math.exp %neg3A_384 : vector<16xf32>
      %add3A_385 = arith.constant 1.000000e+00 : f32
      %add3A_386 = vector.broadcast %add3A_385 : f32 to vector<16xf32>
      %add3A_387 = arith.addf %add3A_386, %exp3A : vector<16xf32>
      %div3A = arith.divf %broadcast_in_dim3A_382, %add3A_387 : vector<16xf32>
      %exp3A_388 = math.exp %div3A : vector<16xf32>
      %scan3A_389 = arith.constant 0 : i32
      %scan3A_390 = arith.constant 0 : i32
      %scan3A_391 = arith.constant 0 : i32
      %scan3A_392 = arith.constant 1 : i32
      %scan3A_393 = arith.constant 63 : i32
      %scan3A_394 = arith.addi %scan3A_392, %scan3A_393 : i32
      %scan3A_395 = arith.constant 1 : i32
      %scan3A_396:9 = scf.for %scan3A_809 = %scan3A_392 to %scan3A_394 step %scan3A_395 iter_args(%scan3A_810 = %gather3A_251, %scan3A_811 = %gather3A_268, %scan3A_812 = %gather3A_285, %scan3A_813 = %gather3A_302, %scan3A_814 = %gather3A_319, %scan3A_815 = %gather3A_336, %scan3A_816 = %gather3A_353, %scan3A_817 = %gather3A_370, %scan3A_818 = %exp3A_388) -> (vector<16xf32>, vector<16xf32>, vector<16xf32>, vector<16xf32>, vector<16xf32>, vector<16xf32>, vector<16xf32>, vector<16xf32>, vector<16xf32>)  : i32 {
        %broadcast_in_dim3A_819 = vector.broadcast %scan3A_809 : i32 to vector<16xi32>
        %broadcast_in_dim3A_820 = arith.constant 0.000000e+00 : f32
        %broadcast_in_dim3A_821 = vector.broadcast %broadcast_in_dim3A_820 : f32 to vector<16xf32>
        %add3A_822 = arith.constant 0 : i32
        %add3A_823 = vector.broadcast %add3A_822 : i32 to vector<16xi32>
        %add3A_824 = arith.addi %add3A_823, %iota3A : vector<16xi32>
        %gather3A_825 = arith.constant 0 : i32
        %gather3A_826 = arith.constant 0 : i32
        %gather3A_827 = tpu.memref_slice %arg11[%scan3A_389, %gather3A_825, %gather3A_826] : memref<2x64x128xf32, #tpu.memory_space<vmem>> -> memref<1x64x128xf32, #tpu.memory_space<vmem>>
        %gather3A_828 = tpu.memref_squeeze %gather3A_827 : memref<1x64x128xf32, #tpu.memory_space<vmem>> -> memref<64x128xf32, #tpu.memory_space<vmem>>
        %gather3A_829 = tpu.vector_load_idx %gather3A_828[%broadcast_in_dim3A_819, %add3A_824] : memref<64x128xf32, #tpu.memory_space<vmem>>[vector<16xi32>, vector<16xi32>], vector<16xf32>,
        %gather3A_830 = arith.constant 0 : i32
        %gather3A_831 = arith.constant 0 : i32
        %gather3A_832 = tpu.memref_slice %arg12[%scan3A_390, %gather3A_830, %gather3A_831] : memref<2x64x128xf32, #tpu.memory_space<vmem>> -> memref<1x64x128xf32, #tpu.memory_space<vmem>>
        %gather3A_833 = tpu.memref_squeeze %gather3A_832 : memref<1x64x128xf32, #tpu.memory_space<vmem>> -> memref<64x128xf32, #tpu.memory_space<vmem>>
        %gather3A_834 = tpu.vector_load_idx %gather3A_833[%broadcast_in_dim3A_819, %add3A_824] : memref<64x128xf32, #tpu.memory_space<vmem>>[vector<16xi32>, vector<16xi32>], vector<16xf32>,
        %mul3A_835 = arith.mulf %gather3A_829, %gather3A_834 : vector<16xf32>
        %add3A_836 = arith.addf %broadcast_in_dim3A_821, %mul3A_835 : vector<16xf32>
        %add3A_837 = arith.constant 16 : i32
        %add3A_838 = vector.broadcast %add3A_837 : i32 to vector<16xi32>
        %add3A_839 = arith.addi %add3A_838, %iota3A : vector<16xi32>
        %gather3A_840 = arith.constant 0 : i32
        %gather3A_841 = arith.constant 0 : i32
        %gather3A_842 = tpu.memref_slice %arg11[%scan3A_389, %gather3A_840, %gather3A_841] : memref<2x64x128xf32, #tpu.memory_space<vmem>> -> memref<1x64x128xf32, #tpu.memory_space<vmem>>
        %gather3A_843 = tpu.memref_squeeze %gather3A_842 : memref<1x64x128xf32, #tpu.memory_space<vmem>> -> memref<64x128xf32, #tpu.memory_space<vmem>>
        %gather3A_844 = tpu.vector_load_idx %gather3A_843[%broadcast_in_dim3A_819, %add3A_839] : memref<64x128xf32, #tpu.memory_space<vmem>>[vector<16xi32>, vector<16xi32>], vector<16xf32>,
        %gather3A_845 = arith.constant 0 : i32
        %gather3A_846 = arith.constant 0 : i32
        %gather3A_847 = tpu.memref_slice %arg12[%scan3A_390, %gather3A_845, %gather3A_846] : memref<2x64x128xf32, #tpu.memory_space<vmem>> -> memref<1x64x128xf32, #tpu.memory_space<vmem>>
        %gather3A_848 = tpu.memref_squeeze %gather3A_847 : memref<1x64x128xf32, #tpu.memory_space<vmem>> -> memref<64x128xf32, #tpu.memory_space<vmem>>
        %gather3A_849 = tpu.vector_load_idx %gather3A_848[%broadcast_in_dim3A_819, %add3A_839] : memref<64x128xf32, #tpu.memory_space<vmem>>[vector<16xi32>, vector<16xi32>], vector<16xf32>,
        %mul3A_850 = arith.mulf %gather3A_844, %gather3A_849 : vector<16xf32>
        %add3A_851 = arith.addf %add3A_836, %mul3A_850 : vector<16xf32>
        %add3A_852 = arith.constant 32 : i32
        %add3A_853 = vector.broadcast %add3A_852 : i32 to vector<16xi32>
        %add3A_854 = arith.addi %add3A_853, %iota3A : vector<16xi32>
        %gather3A_855 = arith.constant 0 : i32
        %gather3A_856 = arith.constant 0 : i32
        %gather3A_857 = tpu.memref_slice %arg11[%scan3A_389, %gather3A_855, %gather3A_856] : memref<2x64x128xf32, #tpu.memory_space<vmem>> -> memref<1x64x128xf32, #tpu.memory_space<vmem>>
        %gather3A_858 = tpu.memref_squeeze %gather3A_857 : memref<1x64x128xf32, #tpu.memory_space<vmem>> -> memref<64x128xf32, #tpu.memory_space<vmem>>
        %gather3A_859 = tpu.vector_load_idx %gather3A_858[%broadcast_in_dim3A_819, %add3A_854] : memref<64x128xf32, #tpu.memory_space<vmem>>[vector<16xi32>, vector<16xi32>], vector<16xf32>,
        %gather3A_860 = arith.constant 0 : i32
        %gather3A_861 = arith.constant 0 : i32
        %gather3A_862 = tpu.memref_slice %arg12[%scan3A_390, %gather3A_860, %gather3A_861] : memref<2x64x128xf32, #tpu.memory_space<vmem>> -> memref<1x64x128xf32, #tpu.memory_space<vmem>>
        %gather3A_863 = tpu.memref_squeeze %gather3A_862 : memref<1x64x128xf32, #tpu.memory_space<vmem>> -> memref<64x128xf32, #tpu.memory_space<vmem>>
        %gather3A_864 = tpu.vector_load_idx %gather3A_863[%broadcast_in_dim3A_819, %add3A_854] : memref<64x128xf32, #tpu.memory_space<vmem>>[vector<16xi32>, vector<16xi32>], vector<16xf32>,
        %mul3A_865 = arith.mulf %gather3A_859, %gather3A_864 : vector<16xf32>
        %add3A_866 = arith.addf %add3A_851, %mul3A_865 : vector<16xf32>
        %add3A_867 = arith.constant 48 : i32
        %add3A_868 = vector.broadcast %add3A_867 : i32 to vector<16xi32>
        %add3A_869 = arith.addi %add3A_868, %iota3A : vector<16xi32>
        %gather3A_870 = arith.constant 0 : i32
        %gather3A_871 = arith.constant 0 : i32
        %gather3A_872 = tpu.memref_slice %arg11[%scan3A_389, %gather3A_870, %gather3A_871] : memref<2x64x128xf32, #tpu.memory_space<vmem>> -> memref<1x64x128xf32, #tpu.memory_space<vmem>>
        %gather3A_873 = tpu.memref_squeeze %gather3A_872 : memref<1x64x128xf32, #tpu.memory_space<vmem>> -> memref<64x128xf32, #tpu.memory_space<vmem>>
        %gather3A_874 = tpu.vector_load_idx %gather3A_873[%broadcast_in_dim3A_819, %add3A_869] : memref<64x128xf32, #tpu.memory_space<vmem>>[vector<16xi32>, vector<16xi32>], vector<16xf32>,
        %gather3A_875 = arith.constant 0 : i32
        %gather3A_876 = arith.constant 0 : i32
        %gather3A_877 = tpu.memref_slice %arg12[%scan3A_390, %gather3A_875, %gather3A_876] : memref<2x64x128xf32, #tpu.memory_space<vmem>> -> memref<1x64x128xf32, #tpu.memory_space<vmem>>
        %gather3A_878 = tpu.memref_squeeze %gather3A_877 : memref<1x64x128xf32, #tpu.memory_space<vmem>> -> memref<64x128xf32, #tpu.memory_space<vmem>>
        %gather3A_879 = tpu.vector_load_idx %gather3A_878[%broadcast_in_dim3A_819, %add3A_869] : memref<64x128xf32, #tpu.memory_space<vmem>>[vector<16xi32>, vector<16xi32>], vector<16xf32>,
        %mul3A_880 = arith.mulf %gather3A_874, %gather3A_879 : vector<16xf32>
        %add3A_881 = arith.addf %add3A_866, %mul3A_880 : vector<16xf32>
        %add3A_882 = arith.constant 64 : i32
        %add3A_883 = vector.broadcast %add3A_882 : i32 to vector<16xi32>
        %add3A_884 = arith.addi %add3A_883, %iota3A : vector<16xi32>
        %gather3A_885 = arith.constant 0 : i32
        %gather3A_886 = arith.constant 0 : i32
        %gather3A_887 = tpu.memref_slice %arg11[%scan3A_389, %gather3A_885, %gather3A_886] : memref<2x64x128xf32, #tpu.memory_space<vmem>> -> memref<1x64x128xf32, #tpu.memory_space<vmem>>
        %gather3A_888 = tpu.memref_squeeze %gather3A_887 : memref<1x64x128xf32, #tpu.memory_space<vmem>> -> memref<64x128xf32, #tpu.memory_space<vmem>>
        %gather3A_889 = tpu.vector_load_idx %gather3A_888[%broadcast_in_dim3A_819, %add3A_884] : memref<64x128xf32, #tpu.memory_space<vmem>>[vector<16xi32>, vector<16xi32>], vector<16xf32>,
        %gather3A_890 = arith.constant 0 : i32
        %gather3A_891 = arith.constant 0 : i32
        %gather3A_892 = tpu.memref_slice %arg12[%scan3A_390, %gather3A_890, %gather3A_891] : memref<2x64x128xf32, #tpu.memory_space<vmem>> -> memref<1x64x128xf32, #tpu.memory_space<vmem>>
        %gather3A_893 = tpu.memref_squeeze %gather3A_892 : memref<1x64x128xf32, #tpu.memory_space<vmem>> -> memref<64x128xf32, #tpu.memory_space<vmem>>
        %gather3A_894 = tpu.vector_load_idx %gather3A_893[%broadcast_in_dim3A_819, %add3A_884] : memref<64x128xf32, #tpu.memory_space<vmem>>[vector<16xi32>, vector<16xi32>], vector<16xf32>,
        %mul3A_895 = arith.mulf %gather3A_889, %gather3A_894 : vector<16xf32>
        %add3A_896 = arith.addf %add3A_881, %mul3A_895 : vector<16xf32>
        %add3A_897 = arith.constant 80 : i32
        %add3A_898 = vector.broadcast %add3A_897 : i32 to vector<16xi32>
        %add3A_899 = arith.addi %add3A_898, %iota3A : vector<16xi32>
        %gather3A_900 = arith.constant 0 : i32
        %gather3A_901 = arith.constant 0 : i32
        %gather3A_902 = tpu.memref_slice %arg11[%scan3A_389, %gather3A_900, %gather3A_901] : memref<2x64x128xf32, #tpu.memory_space<vmem>> -> memref<1x64x128xf32, #tpu.memory_space<vmem>>
        %gather3A_903 = tpu.memref_squeeze %gather3A_902 : memref<1x64x128xf32, #tpu.memory_space<vmem>> -> memref<64x128xf32, #tpu.memory_space<vmem>>
        %gather3A_904 = tpu.vector_load_idx %gather3A_903[%broadcast_in_dim3A_819, %add3A_899] : memref<64x128xf32, #tpu.memory_space<vmem>>[vector<16xi32>, vector<16xi32>], vector<16xf32>,
        %gather3A_905 = arith.constant 0 : i32
        %gather3A_906 = arith.constant 0 : i32
        %gather3A_907 = tpu.memref_slice %arg12[%scan3A_390, %gather3A_905, %gather3A_906] : memref<2x64x128xf32, #tpu.memory_space<vmem>> -> memref<1x64x128xf32, #tpu.memory_space<vmem>>
        %gather3A_908 = tpu.memref_squeeze %gather3A_907 : memref<1x64x128xf32, #tpu.memory_space<vmem>> -> memref<64x128xf32, #tpu.memory_space<vmem>>
        %gather3A_909 = tpu.vector_load_idx %gather3A_908[%broadcast_in_dim3A_819, %add3A_899] : memref<64x128xf32, #tpu.memory_space<vmem>>[vector<16xi32>, vector<16xi32>], vector<16xf32>,
        %mul3A_910 = arith.mulf %gather3A_904, %gather3A_909 : vector<16xf32>
        %add3A_911 = arith.addf %add3A_896, %mul3A_910 : vector<16xf32>
        %add3A_912 = arith.constant 96 : i32
        %add3A_913 = vector.broadcast %add3A_912 : i32 to vector<16xi32>
        %add3A_914 = arith.addi %add3A_913, %iota3A : vector<16xi32>
        %gather3A_915 = arith.constant 0 : i32
        %gather3A_916 = arith.constant 0 : i32
        %gather3A_917 = tpu.memref_slice %arg11[%scan3A_389, %gather3A_915, %gather3A_916] : memref<2x64x128xf32, #tpu.memory_space<vmem>> -> memref<1x64x128xf32, #tpu.memory_space<vmem>>
        %gather3A_918 = tpu.memref_squeeze %gather3A_917 : memref<1x64x128xf32, #tpu.memory_space<vmem>> -> memref<64x128xf32, #tpu.memory_space<vmem>>
        %gather3A_919 = tpu.vector_load_idx %gather3A_918[%broadcast_in_dim3A_819, %add3A_914] : memref<64x128xf32, #tpu.memory_space<vmem>>[vector<16xi32>, vector<16xi32>], vector<16xf32>,
        %gather3A_920 = arith.constant 0 : i32
        %gather3A_921 = arith.constant 0 : i32
        %gather3A_922 = tpu.memref_slice %arg12[%scan3A_390, %gather3A_920, %gather3A_921] : memref<2x64x128xf32, #tpu.memory_space<vmem>> -> memref<1x64x128xf32, #tpu.memory_space<vmem>>
        %gather3A_923 = tpu.memref_squeeze %gather3A_922 : memref<1x64x128xf32, #tpu.memory_space<vmem>> -> memref<64x128xf32, #tpu.memory_space<vmem>>
        %gather3A_924 = tpu.vector_load_idx %gather3A_923[%broadcast_in_dim3A_819, %add3A_914] : memref<64x128xf32, #tpu.memory_space<vmem>>[vector<16xi32>, vector<16xi32>], vector<16xf32>,
        %mul3A_925 = arith.mulf %gather3A_919, %gather3A_924 : vector<16xf32>
        %add3A_926 = arith.addf %add3A_911, %mul3A_925 : vector<16xf32>
        %add3A_927 = arith.constant 112 : i32
        %add3A_928 = vector.broadcast %add3A_927 : i32 to vector<16xi32>
        %add3A_929 = arith.addi %add3A_928, %iota3A : vector<16xi32>
        %gather3A_930 = arith.constant 0 : i32
        %gather3A_931 = arith.constant 0 : i32
        %gather3A_932 = tpu.memref_slice %arg11[%scan3A_389, %gather3A_930, %gather3A_931] : memref<2x64x128xf32, #tpu.memory_space<vmem>> -> memref<1x64x128xf32, #tpu.memory_space<vmem>>
        %gather3A_933 = tpu.memref_squeeze %gather3A_932 : memref<1x64x128xf32, #tpu.memory_space<vmem>> -> memref<64x128xf32, #tpu.memory_space<vmem>>
        %gather3A_934 = tpu.vector_load_idx %gather3A_933[%broadcast_in_dim3A_819, %add3A_929] : memref<64x128xf32, #tpu.memory_space<vmem>>[vector<16xi32>, vector<16xi32>], vector<16xf32>,
        %gather3A_935 = arith.constant 0 : i32
        %gather3A_936 = arith.constant 0 : i32
        %gather3A_937 = tpu.memref_slice %arg12[%scan3A_390, %gather3A_935, %gather3A_936] : memref<2x64x128xf32, #tpu.memory_space<vmem>> -> memref<1x64x128xf32, #tpu.memory_space<vmem>>
        %gather3A_938 = tpu.memref_squeeze %gather3A_937 : memref<1x64x128xf32, #tpu.memory_space<vmem>> -> memref<64x128xf32, #tpu.memory_space<vmem>>
        %gather3A_939 = tpu.vector_load_idx %gather3A_938[%broadcast_in_dim3A_819, %add3A_929] : memref<64x128xf32, #tpu.memory_space<vmem>>[vector<16xi32>, vector<16xi32>], vector<16xf32>,
        %mul3A_940 = arith.mulf %gather3A_934, %gather3A_939 : vector<16xf32>
        %add3A_941 = arith.addf %add3A_926, %mul3A_940 : vector<16xf32>
        %reduce_sum3A_942 = arith.constant true
        %reduce_sum3A_943 = vector.broadcast %reduce_sum3A_942 : i1 to vector<16xi1>
        %reduce_sum3A_944 = tpu.scan <sum>, %add3A_941 masked %reduce_sum3A_943 : vector<16xf32>, vector<16xi1> -> vector<16xf32>
        %reduce_sum3A_945 = vector.extract %reduce_sum3A_944[15] : f32 from vector<16xf32>
        %broadcast_in_dim3A_946 = vector.broadcast %reduce_sum3A_945 : f32 to vector<16xf32>
        %neg3A_947 = arith.constant 0.000000e+00 : f32
        %neg3A_948 = vector.broadcast %neg3A_947 : f32 to vector<16xf32>
        %neg3A_949 = arith.subf %neg3A_948, %broadcast_in_dim3A_946 : vector<16xf32>
        %exp3A_950 = math.exp %neg3A_949 : vector<16xf32>
        %add3A_951 = arith.constant 1.000000e+00 : f32
        %add3A_952 = vector.broadcast %add3A_951 : f32 to vector<16xf32>
        %add3A_953 = arith.addf %add3A_952, %exp3A_950 : vector<16xf32>
        %div3A_954 = arith.divf %broadcast_in_dim3A_946, %add3A_953 : vector<16xf32>
        %exp3A_955 = math.exp %div3A_954 : vector<16xf32>
        %sub3A = arith.constant 1 : i32
        %sub3A_956 = arith.subi %scan3A_809, %sub3A : i32
        %broadcast_in_dim3A_957 = vector.broadcast %sub3A_956 : i32 to vector<16xi32>
        %add3A_958 = arith.constant 0 : i32
        %add3A_959 = vector.broadcast %add3A_958 : i32 to vector<16xi32>
        %add3A_960 = arith.addi %add3A_959, %iota3A : vector<16xi32>
        %mul3A_961 = arith.mulf %scan3A_810, %scan3A_818 : vector<16xf32>
        %scatter3A_962 = arith.constant 0 : i32
        %scatter3A_963 = arith.constant 0 : i32
        %scatter3A_964 = tpu.memref_slice %arg13[%scan3A_391, %scatter3A_962, %scatter3A_963] : memref<2x64x128xf32, #tpu.memory_space<vmem>> -> memref<1x64x128xf32, #tpu.memory_space<vmem>>
        %scatter3A_965 = tpu.memref_squeeze %scatter3A_964 : memref<1x64x128xf32, #tpu.memory_space<vmem>> -> memref<64x128xf32, #tpu.memory_space<vmem>>
        tpu.vector_store_idx %scatter3A_965[%broadcast_in_dim3A_957, %add3A_960], %mul3A_961 : memref<64x128xf32, #tpu.memory_space<vmem>>[vector<16xi32>, vector<16xi32>], vector<16xf32>,
        %add3A_966 = arith.constant 16 : i32
        %add3A_967 = vector.broadcast %add3A_966 : i32 to vector<16xi32>
        %add3A_968 = arith.addi %add3A_967, %iota3A : vector<16xi32>
        %mul3A_969 = arith.mulf %scan3A_811, %scan3A_818 : vector<16xf32>
        %scatter3A_970 = arith.constant 0 : i32
        %scatter3A_971 = arith.constant 0 : i32
        %scatter3A_972 = tpu.memref_slice %arg13[%scan3A_391, %scatter3A_970, %scatter3A_971] : memref<2x64x128xf32, #tpu.memory_space<vmem>> -> memref<1x64x128xf32, #tpu.memory_space<vmem>>
        %scatter3A_973 = tpu.memref_squeeze %scatter3A_972 : memref<1x64x128xf32, #tpu.memory_space<vmem>> -> memref<64x128xf32, #tpu.memory_space<vmem>>
        tpu.vector_store_idx %scatter3A_973[%broadcast_in_dim3A_957, %add3A_968], %mul3A_969 : memref<64x128xf32, #tpu.memory_space<vmem>>[vector<16xi32>, vector<16xi32>], vector<16xf32>,
        %add3A_974 = arith.constant 32 : i32
        %add3A_975 = vector.broadcast %add3A_974 : i32 to vector<16xi32>
        %add3A_976 = arith.addi %add3A_975, %iota3A : vector<16xi32>
        %mul3A_977 = arith.mulf %scan3A_812, %scan3A_818 : vector<16xf32>
        %scatter3A_978 = arith.constant 0 : i32
        %scatter3A_979 = arith.constant 0 : i32
        %scatter3A_980 = tpu.memref_slice %arg13[%scan3A_391, %scatter3A_978, %scatter3A_979] : memref<2x64x128xf32, #tpu.memory_space<vmem>> -> memref<1x64x128xf32, #tpu.memory_space<vmem>>
        %scatter3A_981 = tpu.memref_squeeze %scatter3A_980 : memref<1x64x128xf32, #tpu.memory_space<vmem>> -> memref<64x128xf32, #tpu.memory_space<vmem>>
        tpu.vector_store_idx %scatter3A_981[%broadcast_in_dim3A_957, %add3A_976], %mul3A_977 : memref<64x128xf32, #tpu.memory_space<vmem>>[vector<16xi32>, vector<16xi32>], vector<16xf32>,
        %add3A_982 = arith.constant 48 : i32
        %add3A_983 = vector.broadcast %add3A_982 : i32 to vector<16xi32>
        %add3A_984 = arith.addi %add3A_983, %iota3A : vector<16xi32>
        %mul3A_985 = arith.mulf %scan3A_813, %scan3A_818 : vector<16xf32>
        %scatter3A_986 = arith.constant 0 : i32
        %scatter3A_987 = arith.constant 0 : i32
        %scatter3A_988 = tpu.memref_slice %arg13[%scan3A_391, %scatter3A_986, %scatter3A_987] : memref<2x64x128xf32, #tpu.memory_space<vmem>> -> memref<1x64x128xf32, #tpu.memory_space<vmem>>
        %scatter3A_989 = tpu.memref_squeeze %scatter3A_988 : memref<1x64x128xf32, #tpu.memory_space<vmem>> -> memref<64x128xf32, #tpu.memory_space<vmem>>
        tpu.vector_store_idx %scatter3A_989[%broadcast_in_dim3A_957, %add3A_984], %mul3A_985 : memref<64x128xf32, #tpu.memory_space<vmem>>[vector<16xi32>, vector<16xi32>], vector<16xf32>,
        %add3A_990 = arith.constant 64 : i32
        %add3A_991 = vector.broadcast %add3A_990 : i32 to vector<16xi32>
        %add3A_992 = arith.addi %add3A_991, %iota3A : vector<16xi32>
        %mul3A_993 = arith.mulf %scan3A_814, %scan3A_818 : vector<16xf32>
        %scatter3A_994 = arith.constant 0 : i32
        %scatter3A_995 = arith.constant 0 : i32
        %scatter3A_996 = tpu.memref_slice %arg13[%scan3A_391, %scatter3A_994, %scatter3A_995] : memref<2x64x128xf32, #tpu.memory_space<vmem>> -> memref<1x64x128xf32, #tpu.memory_space<vmem>>
        %scatter3A_997 = tpu.memref_squeeze %scatter3A_996 : memref<1x64x128xf32, #tpu.memory_space<vmem>> -> memref<64x128xf32, #tpu.memory_space<vmem>>
        tpu.vector_store_idx %scatter3A_997[%broadcast_in_dim3A_957, %add3A_992], %mul3A_993 : memref<64x128xf32, #tpu.memory_space<vmem>>[vector<16xi32>, vector<16xi32>], vector<16xf32>,
        %add3A_998 = arith.constant 80 : i32
        %add3A_999 = vector.broadcast %add3A_998 : i32 to vector<16xi32>
        %add3A_1000 = arith.addi %add3A_999, %iota3A : vector<16xi32>
        %mul3A_1001 = arith.mulf %scan3A_815, %scan3A_818 : vector<16xf32>
        %scatter3A_1002 = arith.constant 0 : i32
        %scatter3A_1003 = arith.constant 0 : i32
        %scatter3A_1004 = tpu.memref_slice %arg13[%scan3A_391, %scatter3A_1002, %scatter3A_1003] : memref<2x64x128xf32, #tpu.memory_space<vmem>> -> memref<1x64x128xf32, #tpu.memory_space<vmem>>
        %scatter3A_1005 = tpu.memref_squeeze %scatter3A_1004 : memref<1x64x128xf32, #tpu.memory_space<vmem>> -> memref<64x128xf32, #tpu.memory_space<vmem>>
        tpu.vector_store_idx %scatter3A_1005[%broadcast_in_dim3A_957, %add3A_1000], %mul3A_1001 : memref<64x128xf32, #tpu.memory_space<vmem>>[vector<16xi32>, vector<16xi32>], vector<16xf32>,
        %add3A_1006 = arith.constant 96 : i32
        %add3A_1007 = vector.broadcast %add3A_1006 : i32 to vector<16xi32>
        %add3A_1008 = arith.addi %add3A_1007, %iota3A : vector<16xi32>
        %mul3A_1009 = arith.mulf %scan3A_816, %scan3A_818 : vector<16xf32>
        %scatter3A_1010 = arith.constant 0 : i32
        %scatter3A_1011 = arith.constant 0 : i32
        %scatter3A_1012 = tpu.memref_slice %arg13[%scan3A_391, %scatter3A_1010, %scatter3A_1011] : memref<2x64x128xf32, #tpu.memory_space<vmem>> -> memref<1x64x128xf32, #tpu.memory_space<vmem>>
        %scatter3A_1013 = tpu.memref_squeeze %scatter3A_1012 : memref<1x64x128xf32, #tpu.memory_space<vmem>> -> memref<64x128xf32, #tpu.memory_space<vmem>>
        tpu.vector_store_idx %scatter3A_1013[%broadcast_in_dim3A_957, %add3A_1008], %mul3A_1009 : memref<64x128xf32, #tpu.memory_space<vmem>>[vector<16xi32>, vector<16xi32>], vector<16xf32>,
        %add3A_1014 = arith.constant 112 : i32
        %add3A_1015 = vector.broadcast %add3A_1014 : i32 to vector<16xi32>
        %add3A_1016 = arith.addi %add3A_1015, %iota3A : vector<16xi32>
        %mul3A_1017 = arith.mulf %scan3A_817, %scan3A_818 : vector<16xf32>
        %scatter3A_1018 = arith.constant 0 : i32
        %scatter3A_1019 = arith.constant 0 : i32
        %scatter3A_1020 = tpu.memref_slice %arg13[%scan3A_391, %scatter3A_1018, %scatter3A_1019] : memref<2x64x128xf32, #tpu.memory_space<vmem>> -> memref<1x64x128xf32, #tpu.memory_space<vmem>>
        %scatter3A_1021 = tpu.memref_squeeze %scatter3A_1020 : memref<1x64x128xf32, #tpu.memory_space<vmem>> -> memref<64x128xf32, #tpu.memory_space<vmem>>
        tpu.vector_store_idx %scatter3A_1021[%broadcast_in_dim3A_957, %add3A_1016], %mul3A_1017 : memref<64x128xf32, #tpu.memory_space<vmem>>[vector<16xi32>, vector<16xi32>], vector<16xf32>,
        scf.yield %gather3A_829, %gather3A_844, %gather3A_859, %gather3A_874, %gather3A_889, %gather3A_904, %gather3A_919, %gather3A_934, %exp3A_955 : vector<16xf32>, vector<16xf32>, vector<16xf32>, vector<16xf32>, vector<16xf32>, vector<16xf32>, vector<16xf32>, vector<16xf32>, vector<16xf32>
      }
      %scan3A_397 = arith.constant 63 : i32
      %broadcast_in_dim3A_398 = arith.constant 63 : i32
      %broadcast_in_dim3A_399 = vector.broadcast %broadcast_in_dim3A_398 : i32 to vector<16xi32>
      %add3A_400 = arith.constant 0 : i32
      %add3A_401 = vector.broadcast %add3A_400 : i32 to vector<16xi32>
      %add3A_402 = arith.addi %add3A_401, %iota3A : vector<16xi32>
      %mul3A_403 = arith.mulf %scan3A_396#0, %scan3A_396#8 : vector<16xf32>
      %scatter3A = arith.constant 0 : i32
      %scatter3A_404 = arith.constant 0 : i32
      %scatter3A_405 = arith.constant 0 : i32
      %scatter3A_406 = tpu.memref_slice %arg13[%scatter3A, %scatter3A_404, %scatter3A_405] : memref<2x64x128xf32, #tpu.memory_space<vmem>> -> memref<1x64x128xf32, #tpu.memory_space<vmem>>
      %scatter3A_407 = tpu.memref_squeeze %scatter3A_406 : memref<1x64x128xf32, #tpu.memory_space<vmem>> -> memref<64x128xf32, #tpu.memory_space<vmem>>
      tpu.vector_store_idx %scatter3A_407[%broadcast_in_dim3A_399, %add3A_402], %mul3A_403 : memref<64x128xf32, #tpu.memory_space<vmem>>[vector<16xi32>, vector<16xi32>], vector<16xf32>,
      %add3A_408 = arith.constant 16 : i32
      %add3A_409 = vector.broadcast %add3A_408 : i32 to vector<16xi32>
      %add3A_410 = arith.addi %add3A_409, %iota3A : vector<16xi32>
      %mul3A_411 = arith.mulf %scan3A_396#1, %scan3A_396#8 : vector<16xf32>
      %scatter3A_412 = arith.constant 0 : i32
      %scatter3A_413 = arith.constant 0 : i32
      %scatter3A_414 = arith.constant 0 : i32
      %scatter3A_415 = tpu.memref_slice %arg13[%scatter3A_412, %scatter3A_413, %scatter3A_414] : memref<2x64x128xf32, #tpu.memory_space<vmem>> -> memref<1x64x128xf32, #tpu.memory_space<vmem>>
      %scatter3A_416 = tpu.memref_squeeze %scatter3A_415 : memref<1x64x128xf32, #tpu.memory_space<vmem>> -> memref<64x128xf32, #tpu.memory_space<vmem>>
      tpu.vector_store_idx %scatter3A_416[%broadcast_in_dim3A_399, %add3A_410], %mul3A_411 : memref<64x128xf32, #tpu.memory_space<vmem>>[vector<16xi32>, vector<16xi32>], vector<16xf32>,
      %add3A_417 = arith.constant 32 : i32
      %add3A_418 = vector.broadcast %add3A_417 : i32 to vector<16xi32>
      %add3A_419 = arith.addi %add3A_418, %iota3A : vector<16xi32>
      %mul3A_420 = arith.mulf %scan3A_396#2, %scan3A_396#8 : vector<16xf32>
      %scatter3A_421 = arith.constant 0 : i32
      %scatter3A_422 = arith.constant 0 : i32
      %scatter3A_423 = arith.constant 0 : i32
      %scatter3A_424 = tpu.memref_slice %arg13[%scatter3A_421, %scatter3A_422, %scatter3A_423] : memref<2x64x128xf32, #tpu.memory_space<vmem>> -> memref<1x64x128xf32, #tpu.memory_space<vmem>>
      %scatter3A_425 = tpu.memref_squeeze %scatter3A_424 : memref<1x64x128xf32, #tpu.memory_space<vmem>> -> memref<64x128xf32, #tpu.memory_space<vmem>>
      tpu.vector_store_idx %scatter3A_425[%broadcast_in_dim3A_399, %add3A_419], %mul3A_420 : memref<64x128xf32, #tpu.memory_space<vmem>>[vector<16xi32>, vector<16xi32>], vector<16xf32>,
      %add3A_426 = arith.constant 48 : i32
      %add3A_427 = vector.broadcast %add3A_426 : i32 to vector<16xi32>
      %add3A_428 = arith.addi %add3A_427, %iota3A : vector<16xi32>
      %mul3A_429 = arith.mulf %scan3A_396#3, %scan3A_396#8 : vector<16xf32>
      %scatter3A_430 = arith.constant 0 : i32
      %scatter3A_431 = arith.constant 0 : i32
      %scatter3A_432 = arith.constant 0 : i32
      %scatter3A_433 = tpu.memref_slice %arg13[%scatter3A_430, %scatter3A_431, %scatter3A_432] : memref<2x64x128xf32, #tpu.memory_space<vmem>> -> memref<1x64x128xf32, #tpu.memory_space<vmem>>
      %scatter3A_434 = tpu.memref_squeeze %scatter3A_433 : memref<1x64x128xf32, #tpu.memory_space<vmem>> -> memref<64x128xf32, #tpu.memory_space<vmem>>
      tpu.vector_store_idx %scatter3A_434[%broadcast_in_dim3A_399, %add3A_428], %mul3A_429 : memref<64x128xf32, #tpu.memory_space<vmem>>[vector<16xi32>, vector<16xi32>], vector<16xf32>,
      %add3A_435 = arith.constant 64 : i32
      %add3A_436 = vector.broadcast %add3A_435 : i32 to vector<16xi32>
      %add3A_437 = arith.addi %add3A_436, %iota3A : vector<16xi32>
      %mul3A_438 = arith.mulf %scan3A_396#4, %scan3A_396#8 : vector<16xf32>
      %scatter3A_439 = arith.constant 0 : i32
      %scatter3A_440 = arith.constant 0 : i32
      %scatter3A_441 = arith.constant 0 : i32
      %scatter3A_442 = tpu.memref_slice %arg13[%scatter3A_439, %scatter3A_440, %scatter3A_441] : memref<2x64x128xf32, #tpu.memory_space<vmem>> -> memref<1x64x128xf32, #tpu.memory_space<vmem>>
      %scatter3A_443 = tpu.memref_squeeze %scatter3A_442 : memref<1x64x128xf32, #tpu.memory_space<vmem>> -> memref<64x128xf32, #tpu.memory_space<vmem>>
      tpu.vector_store_idx %scatter3A_443[%broadcast_in_dim3A_399, %add3A_437], %mul3A_438 : memref<64x128xf32, #tpu.memory_space<vmem>>[vector<16xi32>, vector<16xi32>], vector<16xf32>,
      %add3A_444 = arith.constant 80 : i32
      %add3A_445 = vector.broadcast %add3A_444 : i32 to vector<16xi32>
      %add3A_446 = arith.addi %add3A_445, %iota3A : vector<16xi32>
      %mul3A_447 = arith.mulf %scan3A_396#5, %scan3A_396#8 : vector<16xf32>
      %scatter3A_448 = arith.constant 0 : i32
      %scatter3A_449 = arith.constant 0 : i32
      %scatter3A_450 = arith.constant 0 : i32
      %scatter3A_451 = tpu.memref_slice %arg13[%scatter3A_448, %scatter3A_449, %scatter3A_450] : memref<2x64x128xf32, #tpu.memory_space<vmem>> -> memref<1x64x128xf32, #tpu.memory_space<vmem>>
      %scatter3A_452 = tpu.memref_squeeze %scatter3A_451 : memref<1x64x128xf32, #tpu.memory_space<vmem>> -> memref<64x128xf32, #tpu.memory_space<vmem>>
      tpu.vector_store_idx %scatter3A_452[%broadcast_in_dim3A_399, %add3A_446], %mul3A_447 : memref<64x128xf32, #tpu.memory_space<vmem>>[vector<16xi32>, vector<16xi32>], vector<16xf32>,
      %add3A_453 = arith.constant 96 : i32
      %add3A_454 = vector.broadcast %add3A_453 : i32 to vector<16xi32>
      %add3A_455 = arith.addi %add3A_454, %iota3A : vector<16xi32>
      %mul3A_456 = arith.mulf %scan3A_396#6, %scan3A_396#8 : vector<16xf32>
      %scatter3A_457 = arith.constant 0 : i32
      %scatter3A_458 = arith.constant 0 : i32
      %scatter3A_459 = arith.constant 0 : i32
      %scatter3A_460 = tpu.memref_slice %arg13[%scatter3A_457, %scatter3A_458, %scatter3A_459] : memref<2x64x128xf32, #tpu.memory_space<vmem>> -> memref<1x64x128xf32, #tpu.memory_space<vmem>>
      %scatter3A_461 = tpu.memref_squeeze %scatter3A_460 : memref<1x64x128xf32, #tpu.memory_space<vmem>> -> memref<64x128xf32, #tpu.memory_space<vmem>>
      tpu.vector_store_idx %scatter3A_461[%broadcast_in_dim3A_399, %add3A_455], %mul3A_456 : memref<64x128xf32, #tpu.memory_space<vmem>>[vector<16xi32>, vector<16xi32>], vector<16xf32>,
      %add3A_462 = arith.constant 112 : i32
      %add3A_463 = vector.broadcast %add3A_462 : i32 to vector<16xi32>
      %add3A_464 = arith.addi %add3A_463, %iota3A : vector<16xi32>
      %mul3A_465 = arith.mulf %scan3A_396#7, %scan3A_396#8 : vector<16xf32>
      %scatter3A_466 = arith.constant 0 : i32
      %scatter3A_467 = arith.constant 0 : i32
      %scatter3A_468 = arith.constant 0 : i32
      %scatter3A_469 = tpu.memref_slice %arg13[%scatter3A_466, %scatter3A_467, %scatter3A_468] : memref<2x64x128xf32, #tpu.memory_space<vmem>> -> memref<1x64x128xf32, #tpu.memory_space<vmem>>
      %scatter3A_470 = tpu.memref_squeeze %scatter3A_469 : memref<1x64x128xf32, #tpu.memory_space<vmem>> -> memref<64x128xf32, #tpu.memory_space<vmem>>
      tpu.vector_store_idx %scatter3A_470[%broadcast_in_dim3A_399, %add3A_464], %mul3A_465 : memref<64x128xf32, #tpu.memory_space<vmem>>[vector<16xi32>, vector<16xi32>], vector<16xf32>,
      %dma_start3A_471 = arith.constant 0 : i32
      %dma_start3A_472 = arith.constant 0 : i32
      %dma_start3A_473 = arith.constant 0 : i32
      %dma_start3A_474 = arith.constant 0 : i32
      %dma_start3A_475 = tpu.memref_slice %arg13[%dma_start3A_471, %dma_start3A_473, %dma_start3A_474] : memref<2x64x128xf32, #tpu.memory_space<vmem>> -> memref<1x64x128xf32, #tpu.memory_space<vmem>>
      %dma_start3A_476 = tpu.memref_squeeze %dma_start3A_475 : memref<1x64x128xf32, #tpu.memory_space<vmem>> -> memref<64x128xf32, #tpu.memory_space<vmem>>
      %dma_start3A_477 = arith.constant 0 : i32
      %dma_start3A_478 = tpu.memref_slice %arg10[%dma_start3A_472, %dma_start3A_477] : memref<2x64xi32, #tpu.memory_space<vmem>> -> memref<1x64xi32, #tpu.memory_space<vmem>>
      %dma_start3A_479 = tpu.memref_squeeze %dma_start3A_478 : memref<1x64xi32, #tpu.memory_space<vmem>> -> memref<64xi32, #tpu.memory_space<vmem>>
      %dma_start3A_480 = arith.constant 0 : i32
      %dma_start3A_481 = arith.constant 0 : i32
      %dma_start3A_482 = tpu.memref_slice %arg7[%dma_start3A_480, %dma_start3A_481] : memref<10112x128xf32, #tpu.memory_space<vmem_shared>> -> memref<10112x128xf32, #tpu.memory_space<vmem_shared>>
      tpu.enqueue_indirect_dma source(%dma_start3A_476 : memref<64x128xf32, #tpu.memory_space<vmem>>) target(%dma_start3A_482 : memref<10112x128xf32, #tpu.memory_space<vmem_shared>>) offsets(%dma_start3A_479 : memref<64xi32, #tpu.memory_space<vmem>>) semaphore(%arg18 : memref<!tpu.dma_semaphore, #tpu.memory_space<semaphore_mem>>) {add = true}
      %add3A_483 = arith.constant 2 : i32
      %add3A_484 = arith.addi %mul3A_129, %add3A_483 : i32
      %lt3A_485 = arith.constant 158 : i32
      %lt3A_486 = arith.cmpi slt, %add3A_484, %lt3A_485 : i32
      %convert_element_type3A_487 = arith.extui %lt3A_486 : i1 to i32
      %cond3A_488 = arith.constant 0 : i32
      %cond3A_489 = arith.cmpi ne, %convert_element_type3A_487, %cond3A_488 : i32
      scf.if %cond3A_489 {
        %add3A_809 = arith.constant 2 : i32
        %add3A_810 = arith.addi %mul3A_129, %add3A_809 : i32
        %mul3A_811 = arith.constant 10112 : i32
        %mul3A_812 = arith.muli %add3A, %mul3A_811 : i32
        %mul3A_813 = arith.constant 64 : i32
        %mul3A_814 = arith.muli %add3A_810, %mul3A_813 : i32
        %add3A_815 = arith.addi %mul3A_812, %mul3A_814 : i32
        %dma_wait3A_816 = arith.constant 0 : i32
        %dma_wait3A_817 = arith.constant 0 : i32
        %dma_wait3A_818 = tpu.memref_slice %arg8[%dma_wait3A_816, %dma_wait3A_817] : memref<2x64xi32, #tpu.memory_space<vmem>> -> memref<1x64xi32, #tpu.memory_space<vmem>>
        %dma_wait3A_819 = tpu.memref_squeeze %dma_wait3A_818 : memref<1x64xi32, #tpu.memory_space<vmem>> -> memref<64xi32, #tpu.memory_space<vmem>>
        %dma_wait3A_820 = tpu.memref_slice %arg3[%add3A_815] : memref<323584xi32, #tpu.memory_space<hbm>> -> memref<64xi32, #tpu.memory_space<hbm>>
        %dma_wait3A_821 = arith.constant 0 : i32
        %dma_wait3A_822 = tpu.memref_slice %arg8[%dma_wait3A_816, %dma_wait3A_821] : memref<2x64xi32, #tpu.memory_space<vmem>> -> memref<1x64xi32, #tpu.memory_space<vmem>>
        %dma_wait3A_823 = tpu.memref_squeeze %dma_wait3A_822 : memref<1x64xi32, #tpu.memory_space<vmem>> -> memref<64xi32, #tpu.memory_space<vmem>>
        %dma_wait3A_824 = tpu.memref_slice %arg3[%add3A_815] : memref<323584xi32, #tpu.memory_space<hbm>> -> memref<64xi32, #tpu.memory_space<hbm>>
        tpu.wait_dma2 semaphore(%arg20 : memref<!tpu.dma_semaphore, #tpu.memory_space<semaphore_mem>>) src(%dma_wait3A_824 : memref<64xi32, #tpu.memory_space<hbm>>) dst(%dma_wait3A_823 : memref<64xi32, #tpu.memory_space<vmem>>)
        %dma_wait3A_825 = arith.constant 0 : i32
        %dma_wait3A_826 = arith.constant 0 : i32
        %dma_wait3A_827 = tpu.memref_slice %arg9[%dma_wait3A_825, %dma_wait3A_826] : memref<2x64xi32, #tpu.memory_space<vmem>> -> memref<1x64xi32, #tpu.memory_space<vmem>>
        %dma_wait3A_828 = tpu.memref_squeeze %dma_wait3A_827 : memref<1x64xi32, #tpu.memory_space<vmem>> -> memref<64xi32, #tpu.memory_space<vmem>>
        %dma_wait3A_829 = tpu.memref_slice %arg4[%add3A_815] : memref<323584xi32, #tpu.memory_space<hbm>> -> memref<64xi32, #tpu.memory_space<hbm>>
        %dma_wait3A_830 = arith.constant 0 : i32
        %dma_wait3A_831 = tpu.memref_slice %arg9[%dma_wait3A_825, %dma_wait3A_830] : memref<2x64xi32, #tpu.memory_space<vmem>> -> memref<1x64xi32, #tpu.memory_space<vmem>>
        %dma_wait3A_832 = tpu.memref_squeeze %dma_wait3A_831 : memref<1x64xi32, #tpu.memory_space<vmem>> -> memref<64xi32, #tpu.memory_space<vmem>>
        %dma_wait3A_833 = tpu.memref_slice %arg4[%add3A_815] : memref<323584xi32, #tpu.memory_space<hbm>> -> memref<64xi32, #tpu.memory_space<hbm>>
        tpu.wait_dma2 semaphore(%arg22 : memref<!tpu.dma_semaphore, #tpu.memory_space<semaphore_mem>>) src(%dma_wait3A_833 : memref<64xi32, #tpu.memory_space<hbm>>) dst(%dma_wait3A_832 : memref<64xi32, #tpu.memory_space<vmem>>)
        %dma_start3A_834 = arith.constant 0 : i32
        %dma_start3A_835 = arith.constant 0 : i32
        %dma_start3A_836 = arith.constant 0 : i32
        %dma_start3A_837 = arith.constant 0 : i32
        %dma_start3A_838 = tpu.memref_slice %arg11[%dma_start3A_835, %dma_start3A_836, %dma_start3A_837] : memref<2x64x128xf32, #tpu.memory_space<vmem>> -> memref<1x64x128xf32, #tpu.memory_space<vmem>>
        %dma_start3A_839 = tpu.memref_squeeze %dma_start3A_838 : memref<1x64x128xf32, #tpu.memory_space<vmem>> -> memref<64x128xf32, #tpu.memory_space<vmem>>
        %dma_start3A_840 = arith.constant 0 : i32
        %dma_start3A_841 = tpu.memref_slice %arg8[%dma_start3A_834, %dma_start3A_840] : memref<2x64xi32, #tpu.memory_space<vmem>> -> memref<1x64xi32, #tpu.memory_space<vmem>>
        %dma_start3A_842 = tpu.memref_squeeze %dma_start3A_841 : memref<1x64xi32, #tpu.memory_space<vmem>> -> memref<64xi32, #tpu.memory_space<vmem>>
        %dma_start3A_843 = arith.constant 0 : i32
        %dma_start3A_844 = arith.constant 0 : i32
        %dma_start3A_845 = tpu.memref_slice %arg2[%dma_start3A_843, %dma_start3A_844] : memref<10016x128xf32, #tpu.memory_space<hbm>> -> memref<10016x128xf32, #tpu.memory_space<hbm>>
        tpu.enqueue_indirect_dma source(%dma_start3A_845 : memref<10016x128xf32, #tpu.memory_space<hbm>>) target(%dma_start3A_839 : memref<64x128xf32, #tpu.memory_space<vmem>>) offsets(%dma_start3A_842 : memref<64xi32, #tpu.memory_space<vmem>>) semaphore(%arg14 : memref<!tpu.dma_semaphore, #tpu.memory_space<semaphore_mem>>)
        %dma_start3A_846 = arith.constant 0 : i32
        %dma_start3A_847 = arith.constant 0 : i32
        %dma_start3A_848 = arith.constant 0 : i32
        %dma_start3A_849 = arith.constant 0 : i32
        %dma_start3A_850 = tpu.memref_slice %arg12[%dma_start3A_847, %dma_start3A_848, %dma_start3A_849] : memref<2x64x128xf32, #tpu.memory_space<vmem>> -> memref<1x64x128xf32, #tpu.memory_space<vmem>>
        %dma_start3A_851 = tpu.memref_squeeze %dma_start3A_850 : memref<1x64x128xf32, #tpu.memory_space<vmem>> -> memref<64x128xf32, #tpu.memory_space<vmem>>
        %dma_start3A_852 = arith.constant 0 : i32
        %dma_start3A_853 = tpu.memref_slice %arg9[%dma_start3A_846, %dma_start3A_852] : memref<2x64xi32, #tpu.memory_space<vmem>> -> memref<1x64xi32, #tpu.memory_space<vmem>>
        %dma_start3A_854 = tpu.memref_squeeze %dma_start3A_853 : memref<1x64xi32, #tpu.memory_space<vmem>> -> memref<64xi32, #tpu.memory_space<vmem>>
        %dma_start3A_855 = arith.constant 0 : i32
        %dma_start3A_856 = arith.constant 0 : i32
        %dma_start3A_857 = tpu.memref_slice %arg2[%dma_start3A_855, %dma_start3A_856] : memref<10016x128xf32, #tpu.memory_space<hbm>> -> memref<10016x128xf32, #tpu.memory_space<hbm>>
        tpu.enqueue_indirect_dma source(%dma_start3A_857 : memref<10016x128xf32, #tpu.memory_space<hbm>>) target(%dma_start3A_851 : memref<64x128xf32, #tpu.memory_space<vmem>>) offsets(%dma_start3A_854 : memref<64xi32, #tpu.memory_space<vmem>>) semaphore(%arg16 : memref<!tpu.dma_semaphore, #tpu.memory_space<semaphore_mem>>)
      } else {
      }
      %add3A_490 = arith.constant 1 : i32
      %add3A_491 = arith.addi %mul3A_129, %add3A_490 : i32
      %gt3A_492 = arith.constant 0 : i32
      %gt3A_493 = arith.cmpi sgt, %scan3A_127, %gt3A_492 : i32
      %add3A_494 = arith.constant 3 : i32
      %add3A_495 = arith.addi %mul3A_129, %add3A_494 : i32
      %lt3A_496 = arith.constant 158 : i32
      %lt3A_497 = arith.cmpi slt, %add3A_495, %lt3A_496 : i32
      %dma_wait3A_498 = arith.constant 1 : i32
      %dma_wait3A_499 = arith.constant 1 : i32
      %dma_wait3A_500 = arith.constant 0 : i32
      %dma_wait3A_501 = arith.constant 0 : i32
      %dma_wait3A_502 = tpu.memref_slice %arg11[%dma_wait3A_499, %dma_wait3A_500, %dma_wait3A_501] : memref<2x64x128xf32, #tpu.memory_space<vmem>> -> memref<1x64x128xf32, #tpu.memory_space<vmem>>
      %dma_wait3A_503 = tpu.memref_squeeze %dma_wait3A_502 : memref<1x64x128xf32, #tpu.memory_space<vmem>> -> memref<64x128xf32, #tpu.memory_space<vmem>>
      %dma_wait3A_504 = arith.constant 0 : i32
      %dma_wait3A_505 = tpu.memref_slice %arg8[%dma_wait3A_498, %dma_wait3A_504] : memref<2x64xi32, #tpu.memory_space<vmem>> -> memref<1x64xi32, #tpu.memory_space<vmem>>
      %dma_wait3A_506 = tpu.memref_squeeze %dma_wait3A_505 : memref<1x64xi32, #tpu.memory_space<vmem>> -> memref<64xi32, #tpu.memory_space<vmem>>
      %dma_wait3A_507 = arith.constant 0 : i32
      %dma_wait3A_508 = arith.constant 0 : i32
      %dma_wait3A_509 = tpu.memref_slice %arg2[%dma_wait3A_507, %dma_wait3A_508] : memref<10016x128xf32, #tpu.memory_space<hbm>> -> memref<10016x128xf32, #tpu.memory_space<hbm>>
      tpu.wait_indirect_dma semaphore(%arg15 : memref<!tpu.dma_semaphore, #tpu.memory_space<semaphore_mem>>) src(%dma_wait3A_509 : memref<10016x128xf32, #tpu.memory_space<hbm>>) dst(%dma_wait3A_503 : memref<64x128xf32, #tpu.memory_space<vmem>>)
      %dma_wait3A_510 = arith.constant 1 : i32
      %dma_wait3A_511 = arith.constant 1 : i32
      %dma_wait3A_512 = arith.constant 0 : i32
      %dma_wait3A_513 = arith.constant 0 : i32
      %dma_wait3A_514 = tpu.memref_slice %arg12[%dma_wait3A_511, %dma_wait3A_512, %dma_wait3A_513] : memref<2x64x128xf32, #tpu.memory_space<vmem>> -> memref<1x64x128xf32, #tpu.memory_space<vmem>>
      %dma_wait3A_515 = tpu.memref_squeeze %dma_wait3A_514 : memref<1x64x128xf32, #tpu.memory_space<vmem>> -> memref<64x128xf32, #tpu.memory_space<vmem>>
      %dma_wait3A_516 = arith.constant 0 : i32
      %dma_wait3A_517 = tpu.memref_slice %arg9[%dma_wait3A_510, %dma_wait3A_516] : memref<2x64xi32, #tpu.memory_space<vmem>> -> memref<1x64xi32, #tpu.memory_space<vmem>>
      %dma_wait3A_518 = tpu.memref_squeeze %dma_wait3A_517 : memref<1x64xi32, #tpu.memory_space<vmem>> -> memref<64xi32, #tpu.memory_space<vmem>>
      %dma_wait3A_519 = arith.constant 0 : i32
      %dma_wait3A_520 = arith.constant 0 : i32
      %dma_wait3A_521 = tpu.memref_slice %arg2[%dma_wait3A_519, %dma_wait3A_520] : memref<10016x128xf32, #tpu.memory_space<hbm>> -> memref<10016x128xf32, #tpu.memory_space<hbm>>
      tpu.wait_indirect_dma semaphore(%arg17 : memref<!tpu.dma_semaphore, #tpu.memory_space<semaphore_mem>>) src(%dma_wait3A_521 : memref<10016x128xf32, #tpu.memory_space<hbm>>) dst(%dma_wait3A_515 : memref<64x128xf32, #tpu.memory_space<vmem>>)
      %convert_element_type3A_522 = arith.extui %gt3A_493 : i1 to i32
      %cond3A_523 = arith.constant 0 : i32
      %cond3A_524 = arith.cmpi ne, %convert_element_type3A_522, %cond3A_523 : i32
      scf.if %cond3A_524 {
        %dma_wait3A_809 = arith.constant 1 : i32
        %dma_wait3A_810 = arith.constant 1 : i32
        %dma_wait3A_811 = arith.constant 0 : i32
        %dma_wait3A_812 = arith.constant 0 : i32
        %dma_wait3A_813 = tpu.memref_slice %arg13[%dma_wait3A_809, %dma_wait3A_811, %dma_wait3A_812] : memref<2x64x128xf32, #tpu.memory_space<vmem>> -> memref<1x64x128xf32, #tpu.memory_space<vmem>>
        %dma_wait3A_814 = tpu.memref_squeeze %dma_wait3A_813 : memref<1x64x128xf32, #tpu.memory_space<vmem>> -> memref<64x128xf32, #tpu.memory_space<vmem>>
        %dma_wait3A_815 = arith.constant 0 : i32
        %dma_wait3A_816 = tpu.memref_slice %arg10[%dma_wait3A_810, %dma_wait3A_815] : memref<2x64xi32, #tpu.memory_space<vmem>> -> memref<1x64xi32, #tpu.memory_space<vmem>>
        %dma_wait3A_817 = tpu.memref_squeeze %dma_wait3A_816 : memref<1x64xi32, #tpu.memory_space<vmem>> -> memref<64xi32, #tpu.memory_space<vmem>>
        %dma_wait3A_818 = arith.constant 0 : i32
        %dma_wait3A_819 = arith.constant 0 : i32
        %dma_wait3A_820 = tpu.memref_slice %arg7[%dma_wait3A_818, %dma_wait3A_819] : memref<10112x128xf32, #tpu.memory_space<vmem_shared>> -> memref<10112x128xf32, #tpu.memory_space<vmem_shared>>
        tpu.wait_indirect_dma semaphore(%arg19 : memref<!tpu.dma_semaphore, #tpu.memory_space<semaphore_mem>>) src(%dma_wait3A_814 : memref<64x128xf32, #tpu.memory_space<vmem>>) dst(%dma_wait3A_820 : memref<10112x128xf32, #tpu.memory_space<vmem_shared>>)
      } else {
      }
      %get3A_525 = arith.constant 1 : i32
      %get3A_526 = arith.index_cast %get3A_525 : i32 to index
      %get3A_527 = arith.constant 0 : index
      %get3A_528 = tpu.vector_load %arg9[%get3A_526, %get3A_527] {strides = array<i32>} : memref<2x64xi32, #tpu.memory_space<vmem>>, vector<16xi32>,
      %swap3A_529 = arith.constant 1 : i32
      %swap3A_530 = arith.index_cast %swap3A_529 : i32 to index
      %swap3A_531 = arith.constant 0 : index
      %swap3A_532 = tpu.vector_load %arg10[%swap3A_530, %swap3A_531] {strides = array<i32>} : memref<2x64xi32, #tpu.memory_space<vmem>>, vector<16xi32>,
      tpu.vector_store %arg10[%swap3A_530, %swap3A_531], %get3A_528 {strides = array<i32>} : memref<2x64xi32, #tpu.memory_space<vmem>>, vector<16xi32>,
      %get3A_533 = arith.constant 1 : i32
      %get3A_534 = arith.index_cast %get3A_533 : i32 to index
      %get3A_535 = arith.constant 16 : index
      %get3A_536 = tpu.vector_load %arg9[%get3A_534, %get3A_535] {strides = array<i32>} : memref<2x64xi32, #tpu.memory_space<vmem>>, vector<16xi32>,
      %swap3A_537 = arith.constant 1 : i32
      %swap3A_538 = arith.index_cast %swap3A_537 : i32 to index
      %swap3A_539 = arith.constant 16 : index
      %swap3A_540 = tpu.vector_load %arg10[%swap3A_538, %swap3A_539] {strides = array<i32>} : memref<2x64xi32, #tpu.memory_space<vmem>>, vector<16xi32>,
      tpu.vector_store %arg10[%swap3A_538, %swap3A_539], %get3A_536 {strides = array<i32>} : memref<2x64xi32, #tpu.memory_space<vmem>>, vector<16xi32>,
      %get3A_541 = arith.constant 1 : i32
      %get3A_542 = arith.index_cast %get3A_541 : i32 to index
      %get3A_543 = arith.constant 32 : index
      %get3A_544 = tpu.vector_load %arg9[%get3A_542, %get3A_543] {strides = array<i32>} : memref<2x64xi32, #tpu.memory_space<vmem>>, vector<16xi32>,
      %swap3A_545 = arith.constant 1 : i32
      %swap3A_546 = arith.index_cast %swap3A_545 : i32 to index
      %swap3A_547 = arith.constant 32 : index
      %swap3A_548 = tpu.vector_load %arg10[%swap3A_546, %swap3A_547] {strides = array<i32>} : memref<2x64xi32, #tpu.memory_space<vmem>>, vector<16xi32>,
      tpu.vector_store %arg10[%swap3A_546, %swap3A_547], %get3A_544 {strides = array<i32>} : memref<2x64xi32, #tpu.memory_space<vmem>>, vector<16xi32>,
      %get3A_549 = arith.constant 1 : i32
      %get3A_550 = arith.index_cast %get3A_549 : i32 to index
      %get3A_551 = arith.constant 48 : index
      %get3A_552 = tpu.vector_load %arg9[%get3A_550, %get3A_551] {strides = array<i32>} : memref<2x64xi32, #tpu.memory_space<vmem>>, vector<16xi32>,
      %swap3A_553 = arith.constant 1 : i32
      %swap3A_554 = arith.index_cast %swap3A_553 : i32 to index
      %swap3A_555 = arith.constant 48 : index
      %swap3A_556 = tpu.vector_load %arg10[%swap3A_554, %swap3A_555] {strides = array<i32>} : memref<2x64xi32, #tpu.memory_space<vmem>>, vector<16xi32>,
      tpu.vector_store %arg10[%swap3A_554, %swap3A_555], %get3A_552 {strides = array<i32>} : memref<2x64xi32, #tpu.memory_space<vmem>>, vector<16xi32>,
      %convert_element_type3A_557 = arith.extui %lt3A_497 : i1 to i32
      %cond3A_558 = arith.constant 0 : i32
      %cond3A_559 = arith.cmpi ne, %convert_element_type3A_557, %cond3A_558 : i32
      scf.if %cond3A_559 {
        %add3A_809 = arith.constant 2 : i32
        %add3A_810 = arith.addi %add3A_491, %add3A_809 : i32
        %mul3A_811 = arith.constant 10112 : i32
        %mul3A_812 = arith.muli %add3A, %mul3A_811 : i32
        %mul3A_813 = arith.constant 64 : i32
        %mul3A_814 = arith.muli %add3A_810, %mul3A_813 : i32
        %add3A_815 = arith.addi %mul3A_812, %mul3A_814 : i32
        %dma_start3A_816 = arith.constant 1 : i32
        %dma_start3A_817 = arith.constant 0 : i32
        %dma_start3A_818 = tpu.memref_slice %arg8[%dma_start3A_816, %dma_start3A_817] : memref<2x64xi32, #tpu.memory_space<vmem>> -> memref<1x64xi32, #tpu.memory_space<vmem>>
        %dma_start3A_819 = tpu.memref_squeeze %dma_start3A_818 : memref<1x64xi32, #tpu.memory_space<vmem>> -> memref<64xi32, #tpu.memory_space<vmem>>
        %dma_start3A_820 = tpu.memref_slice %arg3[%add3A_815] : memref<323584xi32, #tpu.memory_space<hbm>> -> memref<64xi32, #tpu.memory_space<hbm>>
        %dma_start3A_821 = arith.constant 0 : i32
        %dma_start3A_822 = tpu.memref_slice %arg8[%dma_start3A_816, %dma_start3A_821] : memref<2x64xi32, #tpu.memory_space<vmem>> -> memref<1x64xi32, #tpu.memory_space<vmem>>
        %dma_start3A_823 = tpu.memref_squeeze %dma_start3A_822 : memref<1x64xi32, #tpu.memory_space<vmem>> -> memref<64xi32, #tpu.memory_space<vmem>>
        %dma_start3A_824 = tpu.memref_slice %arg3[%add3A_815] : memref<323584xi32, #tpu.memory_space<hbm>> -> memref<64xi32, #tpu.memory_space<hbm>>
        tpu.enqueue_dma source(%dma_start3A_824 : memref<64xi32, #tpu.memory_space<hbm>>) target(%dma_start3A_823 : memref<64xi32, #tpu.memory_space<vmem>>) target_semaphore(%arg21 : memref<!tpu.dma_semaphore, #tpu.memory_space<semaphore_mem>>)
        %dma_start3A_825 = arith.constant 1 : i32
        %dma_start3A_826 = arith.constant 0 : i32
        %dma_start3A_827 = tpu.memref_slice %arg9[%dma_start3A_825, %dma_start3A_826] : memref<2x64xi32, #tpu.memory_space<vmem>> -> memref<1x64xi32, #tpu.memory_space<vmem>>
        %dma_start3A_828 = tpu.memref_squeeze %dma_start3A_827 : memref<1x64xi32, #tpu.memory_space<vmem>> -> memref<64xi32, #tpu.memory_space<vmem>>
        %dma_start3A_829 = tpu.memref_slice %arg4[%add3A_815] : memref<323584xi32, #tpu.memory_space<hbm>> -> memref<64xi32, #tpu.memory_space<hbm>>
        %dma_start3A_830 = arith.constant 0 : i32
        %dma_start3A_831 = tpu.memref_slice %arg9[%dma_start3A_825, %dma_start3A_830] : memref<2x64xi32, #tpu.memory_space<vmem>> -> memref<1x64xi32, #tpu.memory_space<vmem>>
        %dma_start3A_832 = tpu.memref_squeeze %dma_start3A_831 : memref<1x64xi32, #tpu.memory_space<vmem>> -> memref<64xi32, #tpu.memory_space<vmem>>
        %dma_start3A_833 = tpu.memref_slice %arg4[%add3A_815] : memref<323584xi32, #tpu.memory_space<hbm>> -> memref<64xi32, #tpu.memory_space<hbm>>
        tpu.enqueue_dma source(%dma_start3A_833 : memref<64xi32, #tpu.memory_space<hbm>>) target(%dma_start3A_832 : memref<64xi32, #tpu.memory_space<vmem>>) target_semaphore(%arg23 : memref<!tpu.dma_semaphore, #tpu.memory_space<semaphore_mem>>)
      } else {
      }
      %broadcast_in_dim3A_560 = arith.constant 0 : i32
      %broadcast_in_dim3A_561 = vector.broadcast %broadcast_in_dim3A_560 : i32 to vector<16xi32>
      %broadcast_in_dim3A_562 = arith.constant 0.000000e+00 : f32
      %broadcast_in_dim3A_563 = vector.broadcast %broadcast_in_dim3A_562 : f32 to vector<16xf32>
      %add3A_564 = arith.constant 0 : i32
      %add3A_565 = vector.broadcast %add3A_564 : i32 to vector<16xi32>
      %add3A_566 = arith.addi %add3A_565, %iota3A : vector<16xi32>
      %gather3A_567 = arith.constant 1 : i32
      %gather3A_568 = arith.constant 0 : i32
      %gather3A_569 = arith.constant 0 : i32
      %gather3A_570 = tpu.memref_slice %arg11[%gather3A_567, %gather3A_568, %gather3A_569] : memref<2x64x128xf32, #tpu.memory_space<vmem>> -> memref<1x64x128xf32, #tpu.memory_space<vmem>>
      %gather3A_571 = tpu.memref_squeeze %gather3A_570 : memref<1x64x128xf32, #tpu.memory_space<vmem>> -> memref<64x128xf32, #tpu.memory_space<vmem>>
      %gather3A_572 = tpu.vector_load_idx %gather3A_571[%broadcast_in_dim3A_561, %add3A_566] : memref<64x128xf32, #tpu.memory_space<vmem>>[vector<16xi32>, vector<16xi32>], vector<16xf32>,
      %gather3A_573 = arith.constant 1 : i32
      %gather3A_574 = arith.constant 0 : i32
      %gather3A_575 = arith.constant 0 : i32
      %gather3A_576 = tpu.memref_slice %arg12[%gather3A_573, %gather3A_574, %gather3A_575] : memref<2x64x128xf32, #tpu.memory_space<vmem>> -> memref<1x64x128xf32, #tpu.memory_space<vmem>>
      %gather3A_577 = tpu.memref_squeeze %gather3A_576 : memref<1x64x128xf32, #tpu.memory_space<vmem>> -> memref<64x128xf32, #tpu.memory_space<vmem>>
      %gather3A_578 = tpu.vector_load_idx %gather3A_577[%broadcast_in_dim3A_561, %add3A_566] : memref<64x128xf32, #tpu.memory_space<vmem>>[vector<16xi32>, vector<16xi32>], vector<16xf32>,
      %mul3A_579 = arith.mulf %gather3A_572, %gather3A_578 : vector<16xf32>
      %add3A_580 = arith.addf %broadcast_in_dim3A_563, %mul3A_579 : vector<16xf32>
      %add3A_581 = arith.constant 16 : i32
      %add3A_582 = vector.broadcast %add3A_581 : i32 to vector<16xi32>
      %add3A_583 = arith.addi %add3A_582, %iota3A : vector<16xi32>
      %gather3A_584 = arith.constant 1 : i32
      %gather3A_585 = arith.constant 0 : i32
      %gather3A_586 = arith.constant 0 : i32
      %gather3A_587 = tpu.memref_slice %arg11[%gather3A_584, %gather3A_585, %gather3A_586] : memref<2x64x128xf32, #tpu.memory_space<vmem>> -> memref<1x64x128xf32, #tpu.memory_space<vmem>>
      %gather3A_588 = tpu.memref_squeeze %gather3A_587 : memref<1x64x128xf32, #tpu.memory_space<vmem>> -> memref<64x128xf32, #tpu.memory_space<vmem>>
      %gather3A_589 = tpu.vector_load_idx %gather3A_588[%broadcast_in_dim3A_561, %add3A_583] : memref<64x128xf32, #tpu.memory_space<vmem>>[vector<16xi32>, vector<16xi32>], vector<16xf32>,
      %gather3A_590 = arith.constant 1 : i32
      %gather3A_591 = arith.constant 0 : i32
      %gather3A_592 = arith.constant 0 : i32
      %gather3A_593 = tpu.memref_slice %arg12[%gather3A_590, %gather3A_591, %gather3A_592] : memref<2x64x128xf32, #tpu.memory_space<vmem>> -> memref<1x64x128xf32, #tpu.memory_space<vmem>>
      %gather3A_594 = tpu.memref_squeeze %gather3A_593 : memref<1x64x128xf32, #tpu.memory_space<vmem>> -> memref<64x128xf32, #tpu.memory_space<vmem>>
      %gather3A_595 = tpu.vector_load_idx %gather3A_594[%broadcast_in_dim3A_561, %add3A_583] : memref<64x128xf32, #tpu.memory_space<vmem>>[vector<16xi32>, vector<16xi32>], vector<16xf32>,
      %mul3A_596 = arith.mulf %gather3A_589, %gather3A_595 : vector<16xf32>
      %add3A_597 = arith.addf %add3A_580, %mul3A_596 : vector<16xf32>
      %add3A_598 = arith.constant 32 : i32
      %add3A_599 = vector.broadcast %add3A_598 : i32 to vector<16xi32>
      %add3A_600 = arith.addi %add3A_599, %iota3A : vector<16xi32>
      %gather3A_601 = arith.constant 1 : i32
      %gather3A_602 = arith.constant 0 : i32
      %gather3A_603 = arith.constant 0 : i32
      %gather3A_604 = tpu.memref_slice %arg11[%gather3A_601, %gather3A_602, %gather3A_603] : memref<2x64x128xf32, #tpu.memory_space<vmem>> -> memref<1x64x128xf32, #tpu.memory_space<vmem>>
      %gather3A_605 = tpu.memref_squeeze %gather3A_604 : memref<1x64x128xf32, #tpu.memory_space<vmem>> -> memref<64x128xf32, #tpu.memory_space<vmem>>
      %gather3A_606 = tpu.vector_load_idx %gather3A_605[%broadcast_in_dim3A_561, %add3A_600] : memref<64x128xf32, #tpu.memory_space<vmem>>[vector<16xi32>, vector<16xi32>], vector<16xf32>,
      %gather3A_607 = arith.constant 1 : i32
      %gather3A_608 = arith.constant 0 : i32
      %gather3A_609 = arith.constant 0 : i32
      %gather3A_610 = tpu.memref_slice %arg12[%gather3A_607, %gather3A_608, %gather3A_609] : memref<2x64x128xf32, #tpu.memory_space<vmem>> -> memref<1x64x128xf32, #tpu.memory_space<vmem>>
      %gather3A_611 = tpu.memref_squeeze %gather3A_610 : memref<1x64x128xf32, #tpu.memory_space<vmem>> -> memref<64x128xf32, #tpu.memory_space<vmem>>
      %gather3A_612 = tpu.vector_load_idx %gather3A_611[%broadcast_in_dim3A_561, %add3A_600] : memref<64x128xf32, #tpu.memory_space<vmem>>[vector<16xi32>, vector<16xi32>], vector<16xf32>,
      %mul3A_613 = arith.mulf %gather3A_606, %gather3A_612 : vector<16xf32>
      %add3A_614 = arith.addf %add3A_597, %mul3A_613 : vector<16xf32>
      %add3A_615 = arith.constant 48 : i32
      %add3A_616 = vector.broadcast %add3A_615 : i32 to vector<16xi32>
      %add3A_617 = arith.addi %add3A_616, %iota3A : vector<16xi32>
      %gather3A_618 = arith.constant 1 : i32
      %gather3A_619 = arith.constant 0 : i32
      %gather3A_620 = arith.constant 0 : i32
      %gather3A_621 = tpu.memref_slice %arg11[%gather3A_618, %gather3A_619, %gather3A_620] : memref<2x64x128xf32, #tpu.memory_space<vmem>> -> memref<1x64x128xf32, #tpu.memory_space<vmem>>
      %gather3A_622 = tpu.memref_squeeze %gather3A_621 : memref<1x64x128xf32, #tpu.memory_space<vmem>> -> memref<64x128xf32, #tpu.memory_space<vmem>>
      %gather3A_623 = tpu.vector_load_idx %gather3A_622[%broadcast_in_dim3A_561, %add3A_617] : memref<64x128xf32, #tpu.memory_space<vmem>>[vector<16xi32>, vector<16xi32>], vector<16xf32>,
      %gather3A_624 = arith.constant 1 : i32
      %gather3A_625 = arith.constant 0 : i32
      %gather3A_626 = arith.constant 0 : i32
      %gather3A_627 = tpu.memref_slice %arg12[%gather3A_624, %gather3A_625, %gather3A_626] : memref<2x64x128xf32, #tpu.memory_space<vmem>> -> memref<1x64x128xf32, #tpu.memory_space<vmem>>
      %gather3A_628 = tpu.memref_squeeze %gather3A_627 : memref<1x64x128xf32, #tpu.memory_space<vmem>> -> memref<64x128xf32, #tpu.memory_space<vmem>>
      %gather3A_629 = tpu.vector_load_idx %gather3A_628[%broadcast_in_dim3A_561, %add3A_617] : memref<64x128xf32, #tpu.memory_space<vmem>>[vector<16xi32>, vector<16xi32>], vector<16xf32>,
      %mul3A_630 = arith.mulf %gather3A_623, %gather3A_629 : vector<16xf32>
      %add3A_631 = arith.addf %add3A_614, %mul3A_630 : vector<16xf32>
      %add3A_632 = arith.constant 64 : i32
      %add3A_633 = vector.broadcast %add3A_632 : i32 to vector<16xi32>
      %add3A_634 = arith.addi %add3A_633, %iota3A : vector<16xi32>
      %gather3A_635 = arith.constant 1 : i32
      %gather3A_636 = arith.constant 0 : i32
      %gather3A_637 = arith.constant 0 : i32
      %gather3A_638 = tpu.memref_slice %arg11[%gather3A_635, %gather3A_636, %gather3A_637] : memref<2x64x128xf32, #tpu.memory_space<vmem>> -> memref<1x64x128xf32, #tpu.memory_space<vmem>>
      %gather3A_639 = tpu.memref_squeeze %gather3A_638 : memref<1x64x128xf32, #tpu.memory_space<vmem>> -> memref<64x128xf32, #tpu.memory_space<vmem>>
      %gather3A_640 = tpu.vector_load_idx %gather3A_639[%broadcast_in_dim3A_561, %add3A_634] : memref<64x128xf32, #tpu.memory_space<vmem>>[vector<16xi32>, vector<16xi32>], vector<16xf32>,
      %gather3A_641 = arith.constant 1 : i32
      %gather3A_642 = arith.constant 0 : i32
      %gather3A_643 = arith.constant 0 : i32
      %gather3A_644 = tpu.memref_slice %arg12[%gather3A_641, %gather3A_642, %gather3A_643] : memref<2x64x128xf32, #tpu.memory_space<vmem>> -> memref<1x64x128xf32, #tpu.memory_space<vmem>>
      %gather3A_645 = tpu.memref_squeeze %gather3A_644 : memref<1x64x128xf32, #tpu.memory_space<vmem>> -> memref<64x128xf32, #tpu.memory_space<vmem>>
      %gather3A_646 = tpu.vector_load_idx %gather3A_645[%broadcast_in_dim3A_561, %add3A_634] : memref<64x128xf32, #tpu.memory_space<vmem>>[vector<16xi32>, vector<16xi32>], vector<16xf32>,
      %mul3A_647 = arith.mulf %gather3A_640, %gather3A_646 : vector<16xf32>
      %add3A_648 = arith.addf %add3A_631, %mul3A_647 : vector<16xf32>
      %add3A_649 = arith.constant 80 : i32
      %add3A_650 = vector.broadcast %add3A_649 : i32 to vector<16xi32>
      %add3A_651 = arith.addi %add3A_650, %iota3A : vector<16xi32>
      %gather3A_652 = arith.constant 1 : i32
      %gather3A_653 = arith.constant 0 : i32
      %gather3A_654 = arith.constant 0 : i32
      %gather3A_655 = tpu.memref_slice %arg11[%gather3A_652, %gather3A_653, %gather3A_654] : memref<2x64x128xf32, #tpu.memory_space<vmem>> -> memref<1x64x128xf32, #tpu.memory_space<vmem>>
      %gather3A_656 = tpu.memref_squeeze %gather3A_655 : memref<1x64x128xf32, #tpu.memory_space<vmem>> -> memref<64x128xf32, #tpu.memory_space<vmem>>
      %gather3A_657 = tpu.vector_load_idx %gather3A_656[%broadcast_in_dim3A_561, %add3A_651] : memref<64x128xf32, #tpu.memory_space<vmem>>[vector<16xi32>, vector<16xi32>], vector<16xf32>,
      %gather3A_658 = arith.constant 1 : i32
      %gather3A_659 = arith.constant 0 : i32
      %gather3A_660 = arith.constant 0 : i32
      %gather3A_661 = tpu.memref_slice %arg12[%gather3A_658, %gather3A_659, %gather3A_660] : memref<2x64x128xf32, #tpu.memory_space<vmem>> -> memref<1x64x128xf32, #tpu.memory_space<vmem>>
      %gather3A_662 = tpu.memref_squeeze %gather3A_661 : memref<1x64x128xf32, #tpu.memory_space<vmem>> -> memref<64x128xf32, #tpu.memory_space<vmem>>
      %gather3A_663 = tpu.vector_load_idx %gather3A_662[%broadcast_in_dim3A_561, %add3A_651] : memref<64x128xf32, #tpu.memory_space<vmem>>[vector<16xi32>, vector<16xi32>], vector<16xf32>,
      %mul3A_664 = arith.mulf %gather3A_657, %gather3A_663 : vector<16xf32>
      %add3A_665 = arith.addf %add3A_648, %mul3A_664 : vector<16xf32>
      %add3A_666 = arith.constant 96 : i32
      %add3A_667 = vector.broadcast %add3A_666 : i32 to vector<16xi32>
      %add3A_668 = arith.addi %add3A_667, %iota3A : vector<16xi32>
      %gather3A_669 = arith.constant 1 : i32
      %gather3A_670 = arith.constant 0 : i32
      %gather3A_671 = arith.constant 0 : i32
      %gather3A_672 = tpu.memref_slice %arg11[%gather3A_669, %gather3A_670, %gather3A_671] : memref<2x64x128xf32, #tpu.memory_space<vmem>> -> memref<1x64x128xf32, #tpu.memory_space<vmem>>
      %gather3A_673 = tpu.memref_squeeze %gather3A_672 : memref<1x64x128xf32, #tpu.memory_space<vmem>> -> memref<64x128xf32, #tpu.memory_space<vmem>>
      %gather3A_674 = tpu.vector_load_idx %gather3A_673[%broadcast_in_dim3A_561, %add3A_668] : memref<64x128xf32, #tpu.memory_space<vmem>>[vector<16xi32>, vector<16xi32>], vector<16xf32>,
      %gather3A_675 = arith.constant 1 : i32
      %gather3A_676 = arith.constant 0 : i32
      %gather3A_677 = arith.constant 0 : i32
      %gather3A_678 = tpu.memref_slice %arg12[%gather3A_675, %gather3A_676, %gather3A_677] : memref<2x64x128xf32, #tpu.memory_space<vmem>> -> memref<1x64x128xf32, #tpu.memory_space<vmem>>
      %gather3A_679 = tpu.memref_squeeze %gather3A_678 : memref<1x64x128xf32, #tpu.memory_space<vmem>> -> memref<64x128xf32, #tpu.memory_space<vmem>>
      %gather3A_680 = tpu.vector_load_idx %gather3A_679[%broadcast_in_dim3A_561, %add3A_668] : memref<64x128xf32, #tpu.memory_space<vmem>>[vector<16xi32>, vector<16xi32>], vector<16xf32>,
      %mul3A_681 = arith.mulf %gather3A_674, %gather3A_680 : vector<16xf32>
      %add3A_682 = arith.addf %add3A_665, %mul3A_681 : vector<16xf32>
      %add3A_683 = arith.constant 112 : i32
      %add3A_684 = vector.broadcast %add3A_683 : i32 to vector<16xi32>
      %add3A_685 = arith.addi %add3A_684, %iota3A : vector<16xi32>
      %gather3A_686 = arith.constant 1 : i32
      %gather3A_687 = arith.constant 0 : i32
      %gather3A_688 = arith.constant 0 : i32
      %gather3A_689 = tpu.memref_slice %arg11[%gather3A_686, %gather3A_687, %gather3A_688] : memref<2x64x128xf32, #tpu.memory_space<vmem>> -> memref<1x64x128xf32, #tpu.memory_space<vmem>>
      %gather3A_690 = tpu.memref_squeeze %gather3A_689 : memref<1x64x128xf32, #tpu.memory_space<vmem>> -> memref<64x128xf32, #tpu.memory_space<vmem>>
      %gather3A_691 = tpu.vector_load_idx %gather3A_690[%broadcast_in_dim3A_561, %add3A_685] : memref<64x128xf32, #tpu.memory_space<vmem>>[vector<16xi32>, vector<16xi32>], vector<16xf32>,
      %gather3A_692 = arith.constant 1 : i32
      %gather3A_693 = arith.constant 0 : i32
      %gather3A_694 = arith.constant 0 : i32
      %gather3A_695 = tpu.memref_slice %arg12[%gather3A_692, %gather3A_693, %gather3A_694] : memref<2x64x128xf32, #tpu.memory_space<vmem>> -> memref<1x64x128xf32, #tpu.memory_space<vmem>>
      %gather3A_696 = tpu.memref_squeeze %gather3A_695 : memref<1x64x128xf32, #tpu.memory_space<vmem>> -> memref<64x128xf32, #tpu.memory_space<vmem>>
      %gather3A_697 = tpu.vector_load_idx %gather3A_696[%broadcast_in_dim3A_561, %add3A_685] : memref<64x128xf32, #tpu.memory_space<vmem>>[vector<16xi32>, vector<16xi32>], vector<16xf32>,
      %mul3A_698 = arith.mulf %gather3A_691, %gather3A_697 : vector<16xf32>
      %add3A_699 = arith.addf %add3A_682, %mul3A_698 : vector<16xf32>
      %reduce_sum3A_700 = arith.constant true
      %reduce_sum3A_701 = vector.broadcast %reduce_sum3A_700 : i1 to vector<16xi1>
      %reduce_sum3A_702 = tpu.scan <sum>, %add3A_699 masked %reduce_sum3A_701 : vector<16xf32>, vector<16xi1> -> vector<16xf32>
      %reduce_sum3A_703 = vector.extract %reduce_sum3A_702[15] : f32 from vector<16xf32>
      %broadcast_in_dim3A_704 = vector.broadcast %reduce_sum3A_703 : f32 to vector<16xf32>
      %neg3A_705 = arith.constant 0.000000e+00 : f32
      %neg3A_706 = vector.broadcast %neg3A_705 : f32 to vector<16xf32>
      %neg3A_707 = arith.subf %neg3A_706, %broadcast_in_dim3A_704 : vector<16xf32>
      %exp3A_708 = math.exp %neg3A_707 : vector<16xf32>
      %add3A_709 = arith.constant 1.000000e+00 : f32
      %add3A_710 = vector.broadcast %add3A_709 : f32 to vector<16xf32>
      %add3A_711 = arith.addf %add3A_710, %exp3A_708 : vector<16xf32>
      %div3A_712 = arith.divf %broadcast_in_dim3A_704, %add3A_711 : vector<16xf32>
      %exp3A_713 = math.exp %div3A_712 : vector<16xf32>
      %scan3A_714 = arith.constant 1 : i32
      %scan3A_715 = arith.constant 1 : i32
      %scan3A_716 = arith.constant 1 : i32
      %scan3A_717 = arith.constant 1 : i32
      %scan3A_718 = arith.constant 63 : i32
      %scan3A_719 = arith.addi %scan3A_717, %scan3A_718 : i32
      %scan3A_720 = arith.constant 1 : i32
      %scan3A_721:9 = scf.for %scan3A_809 = %scan3A_717 to %scan3A_719 step %scan3A_720 iter_args(%scan3A_810 = %gather3A_572, %scan3A_811 = %gather3A_589, %scan3A_812 = %gather3A_606, %scan3A_813 = %gather3A_623, %scan3A_814 = %gather3A_640, %scan3A_815 = %gather3A_657, %scan3A_816 = %gather3A_674, %scan3A_817 = %gather3A_691, %scan3A_818 = %exp3A_713) -> (vector<16xf32>, vector<16xf32>, vector<16xf32>, vector<16xf32>, vector<16xf32>, vector<16xf32>, vector<16xf32>, vector<16xf32>, vector<16xf32>)  : i32 {
        %broadcast_in_dim3A_819 = vector.broadcast %scan3A_809 : i32 to vector<16xi32>
        %broadcast_in_dim3A_820 = arith.constant 0.000000e+00 : f32
        %broadcast_in_dim3A_821 = vector.broadcast %broadcast_in_dim3A_820 : f32 to vector<16xf32>
        %add3A_822 = arith.constant 0 : i32
        %add3A_823 = vector.broadcast %add3A_822 : i32 to vector<16xi32>
        %add3A_824 = arith.addi %add3A_823, %iota3A : vector<16xi32>
        %gather3A_825 = arith.constant 0 : i32
        %gather3A_826 = arith.constant 0 : i32
        %gather3A_827 = tpu.memref_slice %arg11[%scan3A_714, %gather3A_825, %gather3A_826] : memref<2x64x128xf32, #tpu.memory_space<vmem>> -> memref<1x64x128xf32, #tpu.memory_space<vmem>>
        %gather3A_828 = tpu.memref_squeeze %gather3A_827 : memref<1x64x128xf32, #tpu.memory_space<vmem>> -> memref<64x128xf32, #tpu.memory_space<vmem>>
        %gather3A_829 = tpu.vector_load_idx %gather3A_828[%broadcast_in_dim3A_819, %add3A_824] : memref<64x128xf32, #tpu.memory_space<vmem>>[vector<16xi32>, vector<16xi32>], vector<16xf32>,
        %gather3A_830 = arith.constant 0 : i32
        %gather3A_831 = arith.constant 0 : i32
        %gather3A_832 = tpu.memref_slice %arg12[%scan3A_715, %gather3A_830, %gather3A_831] : memref<2x64x128xf32, #tpu.memory_space<vmem>> -> memref<1x64x128xf32, #tpu.memory_space<vmem>>
        %gather3A_833 = tpu.memref_squeeze %gather3A_832 : memref<1x64x128xf32, #tpu.memory_space<vmem>> -> memref<64x128xf32, #tpu.memory_space<vmem>>
        %gather3A_834 = tpu.vector_load_idx %gather3A_833[%broadcast_in_dim3A_819, %add3A_824] : memref<64x128xf32, #tpu.memory_space<vmem>>[vector<16xi32>, vector<16xi32>], vector<16xf32>,
        %mul3A_835 = arith.mulf %gather3A_829, %gather3A_834 : vector<16xf32>
        %add3A_836 = arith.addf %broadcast_in_dim3A_821, %mul3A_835 : vector<16xf32>
        %add3A_837 = arith.constant 16 : i32
        %add3A_838 = vector.broadcast %add3A_837 : i32 to vector<16xi32>
        %add3A_839 = arith.addi %add3A_838, %iota3A : vector<16xi32>
        %gather3A_840 = arith.constant 0 : i32
        %gather3A_841 = arith.constant 0 : i32
        %gather3A_842 = tpu.memref_slice %arg11[%scan3A_714, %gather3A_840, %gather3A_841] : memref<2x64x128xf32, #tpu.memory_space<vmem>> -> memref<1x64x128xf32, #tpu.memory_space<vmem>>
        %gather3A_843 = tpu.memref_squeeze %gather3A_842 : memref<1x64x128xf32, #tpu.memory_space<vmem>> -> memref<64x128xf32, #tpu.memory_space<vmem>>
        %gather3A_844 = tpu.vector_load_idx %gather3A_843[%broadcast_in_dim3A_819, %add3A_839] : memref<64x128xf32, #tpu.memory_space<vmem>>[vector<16xi32>, vector<16xi32>], vector<16xf32>,
        %gather3A_845 = arith.constant 0 : i32
        %gather3A_846 = arith.constant 0 : i32
        %gather3A_847 = tpu.memref_slice %arg12[%scan3A_715, %gather3A_845, %gather3A_846] : memref<2x64x128xf32, #tpu.memory_space<vmem>> -> memref<1x64x128xf32, #tpu.memory_space<vmem>>
        %gather3A_848 = tpu.memref_squeeze %gather3A_847 : memref<1x64x128xf32, #tpu.memory_space<vmem>> -> memref<64x128xf32, #tpu.memory_space<vmem>>
        %gather3A_849 = tpu.vector_load_idx %gather3A_848[%broadcast_in_dim3A_819, %add3A_839] : memref<64x128xf32, #tpu.memory_space<vmem>>[vector<16xi32>, vector<16xi32>], vector<16xf32>,
        %mul3A_850 = arith.mulf %gather3A_844, %gather3A_849 : vector<16xf32>
        %add3A_851 = arith.addf %add3A_836, %mul3A_850 : vector<16xf32>
        %add3A_852 = arith.constant 32 : i32
        %add3A_853 = vector.broadcast %add3A_852 : i32 to vector<16xi32>
        %add3A_854 = arith.addi %add3A_853, %iota3A : vector<16xi32>
        %gather3A_855 = arith.constant 0 : i32
        %gather3A_856 = arith.constant 0 : i32
        %gather3A_857 = tpu.memref_slice %arg11[%scan3A_714, %gather3A_855, %gather3A_856] : memref<2x64x128xf32, #tpu.memory_space<vmem>> -> memref<1x64x128xf32, #tpu.memory_space<vmem>>
        %gather3A_858 = tpu.memref_squeeze %gather3A_857 : memref<1x64x128xf32, #tpu.memory_space<vmem>> -> memref<64x128xf32, #tpu.memory_space<vmem>>
        %gather3A_859 = tpu.vector_load_idx %gather3A_858[%broadcast_in_dim3A_819, %add3A_854] : memref<64x128xf32, #tpu.memory_space<vmem>>[vector<16xi32>, vector<16xi32>], vector<16xf32>,
        %gather3A_860 = arith.constant 0 : i32
        %gather3A_861 = arith.constant 0 : i32
        %gather3A_862 = tpu.memref_slice %arg12[%scan3A_715, %gather3A_860, %gather3A_861] : memref<2x64x128xf32, #tpu.memory_space<vmem>> -> memref<1x64x128xf32, #tpu.memory_space<vmem>>
        %gather3A_863 = tpu.memref_squeeze %gather3A_862 : memref<1x64x128xf32, #tpu.memory_space<vmem>> -> memref<64x128xf32, #tpu.memory_space<vmem>>
        %gather3A_864 = tpu.vector_load_idx %gather3A_863[%broadcast_in_dim3A_819, %add3A_854] : memref<64x128xf32, #tpu.memory_space<vmem>>[vector<16xi32>, vector<16xi32>], vector<16xf32>,
        %mul3A_865 = arith.mulf %gather3A_859, %gather3A_864 : vector<16xf32>
        %add3A_866 = arith.addf %add3A_851, %mul3A_865 : vector<16xf32>
        %add3A_867 = arith.constant 48 : i32
        %add3A_868 = vector.broadcast %add3A_867 : i32 to vector<16xi32>
        %add3A_869 = arith.addi %add3A_868, %iota3A : vector<16xi32>
        %gather3A_870 = arith.constant 0 : i32
        %gather3A_871 = arith.constant 0 : i32
        %gather3A_872 = tpu.memref_slice %arg11[%scan3A_714, %gather3A_870, %gather3A_871] : memref<2x64x128xf32, #tpu.memory_space<vmem>> -> memref<1x64x128xf32, #tpu.memory_space<vmem>>
        %gather3A_873 = tpu.memref_squeeze %gather3A_872 : memref<1x64x128xf32, #tpu.memory_space<vmem>> -> memref<64x128xf32, #tpu.memory_space<vmem>>
        %gather3A_874 = tpu.vector_load_idx %gather3A_873[%broadcast_in_dim3A_819, %add3A_869] : memref<64x128xf32, #tpu.memory_space<vmem>>[vector<16xi32>, vector<16xi32>], vector<16xf32>,
        %gather3A_875 = arith.constant 0 : i32
        %gather3A_876 = arith.constant 0 : i32
        %gather3A_877 = tpu.memref_slice %arg12[%scan3A_715, %gather3A_875, %gather3A_876] : memref<2x64x128xf32, #tpu.memory_space<vmem>> -> memref<1x64x128xf32, #tpu.memory_space<vmem>>
        %gather3A_878 = tpu.memref_squeeze %gather3A_877 : memref<1x64x128xf32, #tpu.memory_space<vmem>> -> memref<64x128xf32, #tpu.memory_space<vmem>>
        %gather3A_879 = tpu.vector_load_idx %gather3A_878[%broadcast_in_dim3A_819, %add3A_869] : memref<64x128xf32, #tpu.memory_space<vmem>>[vector<16xi32>, vector<16xi32>], vector<16xf32>,
        %mul3A_880 = arith.mulf %gather3A_874, %gather3A_879 : vector<16xf32>
        %add3A_881 = arith.addf %add3A_866, %mul3A_880 : vector<16xf32>
        %add3A_882 = arith.constant 64 : i32
        %add3A_883 = vector.broadcast %add3A_882 : i32 to vector<16xi32>
        %add3A_884 = arith.addi %add3A_883, %iota3A : vector<16xi32>
        %gather3A_885 = arith.constant 0 : i32
        %gather3A_886 = arith.constant 0 : i32
        %gather3A_887 = tpu.memref_slice %arg11[%scan3A_714, %gather3A_885, %gather3A_886] : memref<2x64x128xf32, #tpu.memory_space<vmem>> -> memref<1x64x128xf32, #tpu.memory_space<vmem>>
        %gather3A_888 = tpu.memref_squeeze %gather3A_887 : memref<1x64x128xf32, #tpu.memory_space<vmem>> -> memref<64x128xf32, #tpu.memory_space<vmem>>
        %gather3A_889 = tpu.vector_load_idx %gather3A_888[%broadcast_in_dim3A_819, %add3A_884] : memref<64x128xf32, #tpu.memory_space<vmem>>[vector<16xi32>, vector<16xi32>], vector<16xf32>,
        %gather3A_890 = arith.constant 0 : i32
        %gather3A_891 = arith.constant 0 : i32
        %gather3A_892 = tpu.memref_slice %arg12[%scan3A_715, %gather3A_890, %gather3A_891] : memref<2x64x128xf32, #tpu.memory_space<vmem>> -> memref<1x64x128xf32, #tpu.memory_space<vmem>>
        %gather3A_893 = tpu.memref_squeeze %gather3A_892 : memref<1x64x128xf32, #tpu.memory_space<vmem>> -> memref<64x128xf32, #tpu.memory_space<vmem>>
        %gather3A_894 = tpu.vector_load_idx %gather3A_893[%broadcast_in_dim3A_819, %add3A_884] : memref<64x128xf32, #tpu.memory_space<vmem>>[vector<16xi32>, vector<16xi32>], vector<16xf32>,
        %mul3A_895 = arith.mulf %gather3A_889, %gather3A_894 : vector<16xf32>
        %add3A_896 = arith.addf %add3A_881, %mul3A_895 : vector<16xf32>
        %add3A_897 = arith.constant 80 : i32
        %add3A_898 = vector.broadcast %add3A_897 : i32 to vector<16xi32>
        %add3A_899 = arith.addi %add3A_898, %iota3A : vector<16xi32>
        %gather3A_900 = arith.constant 0 : i32
        %gather3A_901 = arith.constant 0 : i32
        %gather3A_902 = tpu.memref_slice %arg11[%scan3A_714, %gather3A_900, %gather3A_901] : memref<2x64x128xf32, #tpu.memory_space<vmem>> -> memref<1x64x128xf32, #tpu.memory_space<vmem>>
        %gather3A_903 = tpu.memref_squeeze %gather3A_902 : memref<1x64x128xf32, #tpu.memory_space<vmem>> -> memref<64x128xf32, #tpu.memory_space<vmem>>
        %gather3A_904 = tpu.vector_load_idx %gather3A_903[%broadcast_in_dim3A_819, %add3A_899] : memref<64x128xf32, #tpu.memory_space<vmem>>[vector<16xi32>, vector<16xi32>], vector<16xf32>,
        %gather3A_905 = arith.constant 0 : i32
        %gather3A_906 = arith.constant 0 : i32
        %gather3A_907 = tpu.memref_slice %arg12[%scan3A_715, %gather3A_905, %gather3A_906] : memref<2x64x128xf32, #tpu.memory_space<vmem>> -> memref<1x64x128xf32, #tpu.memory_space<vmem>>
        %gather3A_908 = tpu.memref_squeeze %gather3A_907 : memref<1x64x128xf32, #tpu.memory_space<vmem>> -> memref<64x128xf32, #tpu.memory_space<vmem>>
        %gather3A_909 = tpu.vector_load_idx %gather3A_908[%broadcast_in_dim3A_819, %add3A_899] : memref<64x128xf32, #tpu.memory_space<vmem>>[vector<16xi32>, vector<16xi32>], vector<16xf32>,
        %mul3A_910 = arith.mulf %gather3A_904, %gather3A_909 : vector<16xf32>
        %add3A_911 = arith.addf %add3A_896, %mul3A_910 : vector<16xf32>
        %add3A_912 = arith.constant 96 : i32
        %add3A_913 = vector.broadcast %add3A_912 : i32 to vector<16xi32>
        %add3A_914 = arith.addi %add3A_913, %iota3A : vector<16xi32>
        %gather3A_915 = arith.constant 0 : i32
        %gather3A_916 = arith.constant 0 : i32
        %gather3A_917 = tpu.memref_slice %arg11[%scan3A_714, %gather3A_915, %gather3A_916] : memref<2x64x128xf32, #tpu.memory_space<vmem>> -> memref<1x64x128xf32, #tpu.memory_space<vmem>>
        %gather3A_918 = tpu.memref_squeeze %gather3A_917 : memref<1x64x128xf32, #tpu.memory_space<vmem>> -> memref<64x128xf32, #tpu.memory_space<vmem>>
        %gather3A_919 = tpu.vector_load_idx %gather3A_918[%broadcast_in_dim3A_819, %add3A_914] : memref<64x128xf32, #tpu.memory_space<vmem>>[vector<16xi32>, vector<16xi32>], vector<16xf32>,
        %gather3A_920 = arith.constant 0 : i32
        %gather3A_921 = arith.constant 0 : i32
        %gather3A_922 = tpu.memref_slice %arg12[%scan3A_715, %gather3A_920, %gather3A_921] : memref<2x64x128xf32, #tpu.memory_space<vmem>> -> memref<1x64x128xf32, #tpu.memory_space<vmem>>
        %gather3A_923 = tpu.memref_squeeze %gather3A_922 : memref<1x64x128xf32, #tpu.memory_space<vmem>> -> memref<64x128xf32, #tpu.memory_space<vmem>>
        %gather3A_924 = tpu.vector_load_idx %gather3A_923[%broadcast_in_dim3A_819, %add3A_914] : memref<64x128xf32, #tpu.memory_space<vmem>>[vector<16xi32>, vector<16xi32>], vector<16xf32>,
        %mul3A_925 = arith.mulf %gather3A_919, %gather3A_924 : vector<16xf32>
        %add3A_926 = arith.addf %add3A_911, %mul3A_925 : vector<16xf32>
        %add3A_927 = arith.constant 112 : i32
        %add3A_928 = vector.broadcast %add3A_927 : i32 to vector<16xi32>
        %add3A_929 = arith.addi %add3A_928, %iota3A : vector<16xi32>
        %gather3A_930 = arith.constant 0 : i32
        %gather3A_931 = arith.constant 0 : i32
        %gather3A_932 = tpu.memref_slice %arg11[%scan3A_714, %gather3A_930, %gather3A_931] : memref<2x64x128xf32, #tpu.memory_space<vmem>> -> memref<1x64x128xf32, #tpu.memory_space<vmem>>
        %gather3A_933 = tpu.memref_squeeze %gather3A_932 : memref<1x64x128xf32, #tpu.memory_space<vmem>> -> memref<64x128xf32, #tpu.memory_space<vmem>>
        %gather3A_934 = tpu.vector_load_idx %gather3A_933[%broadcast_in_dim3A_819, %add3A_929] : memref<64x128xf32, #tpu.memory_space<vmem>>[vector<16xi32>, vector<16xi32>], vector<16xf32>,
        %gather3A_935 = arith.constant 0 : i32
        %gather3A_936 = arith.constant 0 : i32
        %gather3A_937 = tpu.memref_slice %arg12[%scan3A_715, %gather3A_935, %gather3A_936] : memref<2x64x128xf32, #tpu.memory_space<vmem>> -> memref<1x64x128xf32, #tpu.memory_space<vmem>>
        %gather3A_938 = tpu.memref_squeeze %gather3A_937 : memref<1x64x128xf32, #tpu.memory_space<vmem>> -> memref<64x128xf32, #tpu.memory_space<vmem>>
        %gather3A_939 = tpu.vector_load_idx %gather3A_938[%broadcast_in_dim3A_819, %add3A_929] : memref<64x128xf32, #tpu.memory_space<vmem>>[vector<16xi32>, vector<16xi32>], vector<16xf32>,
        %mul3A_940 = arith.mulf %gather3A_934, %gather3A_939 : vector<16xf32>
        %add3A_941 = arith.addf %add3A_926, %mul3A_940 : vector<16xf32>
        %reduce_sum3A_942 = arith.constant true
        %reduce_sum3A_943 = vector.broadcast %reduce_sum3A_942 : i1 to vector<16xi1>
        %reduce_sum3A_944 = tpu.scan <sum>, %add3A_941 masked %reduce_sum3A_943 : vector<16xf32>, vector<16xi1> -> vector<16xf32>
        %reduce_sum3A_945 = vector.extract %reduce_sum3A_944[15] : f32 from vector<16xf32>
        %broadcast_in_dim3A_946 = vector.broadcast %reduce_sum3A_945 : f32 to vector<16xf32>
        %neg3A_947 = arith.constant 0.000000e+00 : f32
        %neg3A_948 = vector.broadcast %neg3A_947 : f32 to vector<16xf32>
        %neg3A_949 = arith.subf %neg3A_948, %broadcast_in_dim3A_946 : vector<16xf32>
        %exp3A_950 = math.exp %neg3A_949 : vector<16xf32>
        %add3A_951 = arith.constant 1.000000e+00 : f32
        %add3A_952 = vector.broadcast %add3A_951 : f32 to vector<16xf32>
        %add3A_953 = arith.addf %add3A_952, %exp3A_950 : vector<16xf32>
        %div3A_954 = arith.divf %broadcast_in_dim3A_946, %add3A_953 : vector<16xf32>
        %exp3A_955 = math.exp %div3A_954 : vector<16xf32>
        %sub3A = arith.constant 1 : i32
        %sub3A_956 = arith.subi %scan3A_809, %sub3A : i32
        %broadcast_in_dim3A_957 = vector.broadcast %sub3A_956 : i32 to vector<16xi32>
        %add3A_958 = arith.constant 0 : i32
        %add3A_959 = vector.broadcast %add3A_958 : i32 to vector<16xi32>
        %add3A_960 = arith.addi %add3A_959, %iota3A : vector<16xi32>
        %mul3A_961 = arith.mulf %scan3A_810, %scan3A_818 : vector<16xf32>
        %scatter3A_962 = arith.constant 0 : i32
        %scatter3A_963 = arith.constant 0 : i32
        %scatter3A_964 = tpu.memref_slice %arg13[%scan3A_716, %scatter3A_962, %scatter3A_963] : memref<2x64x128xf32, #tpu.memory_space<vmem>> -> memref<1x64x128xf32, #tpu.memory_space<vmem>>
        %scatter3A_965 = tpu.memref_squeeze %scatter3A_964 : memref<1x64x128xf32, #tpu.memory_space<vmem>> -> memref<64x128xf32, #tpu.memory_space<vmem>>
        tpu.vector_store_idx %scatter3A_965[%broadcast_in_dim3A_957, %add3A_960], %mul3A_961 : memref<64x128xf32, #tpu.memory_space<vmem>>[vector<16xi32>, vector<16xi32>], vector<16xf32>,
        %add3A_966 = arith.constant 16 : i32
        %add3A_967 = vector.broadcast %add3A_966 : i32 to vector<16xi32>
        %add3A_968 = arith.addi %add3A_967, %iota3A : vector<16xi32>
        %mul3A_969 = arith.mulf %scan3A_811, %scan3A_818 : vector<16xf32>
        %scatter3A_970 = arith.constant 0 : i32
        %scatter3A_971 = arith.constant 0 : i32
        %scatter3A_972 = tpu.memref_slice %arg13[%scan3A_716, %scatter3A_970, %scatter3A_971] : memref<2x64x128xf32, #tpu.memory_space<vmem>> -> memref<1x64x128xf32, #tpu.memory_space<vmem>>
        %scatter3A_973 = tpu.memref_squeeze %scatter3A_972 : memref<1x64x128xf32, #tpu.memory_space<vmem>> -> memref<64x128xf32, #tpu.memory_space<vmem>>
        tpu.vector_store_idx %scatter3A_973[%broadcast_in_dim3A_957, %add3A_968], %mul3A_969 : memref<64x128xf32, #tpu.memory_space<vmem>>[vector<16xi32>, vector<16xi32>], vector<16xf32>,
        %add3A_974 = arith.constant 32 : i32
        %add3A_975 = vector.broadcast %add3A_974 : i32 to vector<16xi32>
        %add3A_976 = arith.addi %add3A_975, %iota3A : vector<16xi32>
        %mul3A_977 = arith.mulf %scan3A_812, %scan3A_818 : vector<16xf32>
        %scatter3A_978 = arith.constant 0 : i32
        %scatter3A_979 = arith.constant 0 : i32
        %scatter3A_980 = tpu.memref_slice %arg13[%scan3A_716, %scatter3A_978, %scatter3A_979] : memref<2x64x128xf32, #tpu.memory_space<vmem>> -> memref<1x64x128xf32, #tpu.memory_space<vmem>>
        %scatter3A_981 = tpu.memref_squeeze %scatter3A_980 : memref<1x64x128xf32, #tpu.memory_space<vmem>> -> memref<64x128xf32, #tpu.memory_space<vmem>>
        tpu.vector_store_idx %scatter3A_981[%broadcast_in_dim3A_957, %add3A_976], %mul3A_977 : memref<64x128xf32, #tpu.memory_space<vmem>>[vector<16xi32>, vector<16xi32>], vector<16xf32>,
        %add3A_982 = arith.constant 48 : i32
        %add3A_983 = vector.broadcast %add3A_982 : i32 to vector<16xi32>
        %add3A_984 = arith.addi %add3A_983, %iota3A : vector<16xi32>
        %mul3A_985 = arith.mulf %scan3A_813, %scan3A_818 : vector<16xf32>
        %scatter3A_986 = arith.constant 0 : i32
        %scatter3A_987 = arith.constant 0 : i32
        %scatter3A_988 = tpu.memref_slice %arg13[%scan3A_716, %scatter3A_986, %scatter3A_987] : memref<2x64x128xf32, #tpu.memory_space<vmem>> -> memref<1x64x128xf32, #tpu.memory_space<vmem>>
        %scatter3A_989 = tpu.memref_squeeze %scatter3A_988 : memref<1x64x128xf32, #tpu.memory_space<vmem>> -> memref<64x128xf32, #tpu.memory_space<vmem>>
        tpu.vector_store_idx %scatter3A_989[%broadcast_in_dim3A_957, %add3A_984], %mul3A_985 : memref<64x128xf32, #tpu.memory_space<vmem>>[vector<16xi32>, vector<16xi32>], vector<16xf32>,
        %add3A_990 = arith.constant 64 : i32
        %add3A_991 = vector.broadcast %add3A_990 : i32 to vector<16xi32>
        %add3A_992 = arith.addi %add3A_991, %iota3A : vector<16xi32>
        %mul3A_993 = arith.mulf %scan3A_814, %scan3A_818 : vector<16xf32>
        %scatter3A_994 = arith.constant 0 : i32
        %scatter3A_995 = arith.constant 0 : i32
        %scatter3A_996 = tpu.memref_slice %arg13[%scan3A_716, %scatter3A_994, %scatter3A_995] : memref<2x64x128xf32, #tpu.memory_space<vmem>> -> memref<1x64x128xf32, #tpu.memory_space<vmem>>
        %scatter3A_997 = tpu.memref_squeeze %scatter3A_996 : memref<1x64x128xf32, #tpu.memory_space<vmem>> -> memref<64x128xf32, #tpu.memory_space<vmem>>
        tpu.vector_store_idx %scatter3A_997[%broadcast_in_dim3A_957, %add3A_992], %mul3A_993 : memref<64x128xf32, #tpu.memory_space<vmem>>[vector<16xi32>, vector<16xi32>], vector<16xf32>,
        %add3A_998 = arith.constant 80 : i32
        %add3A_999 = vector.broadcast %add3A_998 : i32 to vector<16xi32>
        %add3A_1000 = arith.addi %add3A_999, %iota3A : vector<16xi32>
        %mul3A_1001 = arith.mulf %scan3A_815, %scan3A_818 : vector<16xf32>
        %scatter3A_1002 = arith.constant 0 : i32
        %scatter3A_1003 = arith.constant 0 : i32
        %scatter3A_1004 = tpu.memref_slice %arg13[%scan3A_716, %scatter3A_1002, %scatter3A_1003] : memref<2x64x128xf32, #tpu.memory_space<vmem>> -> memref<1x64x128xf32, #tpu.memory_space<vmem>>
        %scatter3A_1005 = tpu.memref_squeeze %scatter3A_1004 : memref<1x64x128xf32, #tpu.memory_space<vmem>> -> memref<64x128xf32, #tpu.memory_space<vmem>>
        tpu.vector_store_idx %scatter3A_1005[%broadcast_in_dim3A_957, %add3A_1000], %mul3A_1001 : memref<64x128xf32, #tpu.memory_space<vmem>>[vector<16xi32>, vector<16xi32>], vector<16xf32>,
        %add3A_1006 = arith.constant 96 : i32
        %add3A_1007 = vector.broadcast %add3A_1006 : i32 to vector<16xi32>
        %add3A_1008 = arith.addi %add3A_1007, %iota3A : vector<16xi32>
        %mul3A_1009 = arith.mulf %scan3A_816, %scan3A_818 : vector<16xf32>
        %scatter3A_1010 = arith.constant 0 : i32
        %scatter3A_1011 = arith.constant 0 : i32
        %scatter3A_1012 = tpu.memref_slice %arg13[%scan3A_716, %scatter3A_1010, %scatter3A_1011] : memref<2x64x128xf32, #tpu.memory_space<vmem>> -> memref<1x64x128xf32, #tpu.memory_space<vmem>>
        %scatter3A_1013 = tpu.memref_squeeze %scatter3A_1012 : memref<1x64x128xf32, #tpu.memory_space<vmem>> -> memref<64x128xf32, #tpu.memory_space<vmem>>
        tpu.vector_store_idx %scatter3A_1013[%broadcast_in_dim3A_957, %add3A_1008], %mul3A_1009 : memref<64x128xf32, #tpu.memory_space<vmem>>[vector<16xi32>, vector<16xi32>], vector<16xf32>,
        %add3A_1014 = arith.constant 112 : i32
        %add3A_1015 = vector.broadcast %add3A_1014 : i32 to vector<16xi32>
        %add3A_1016 = arith.addi %add3A_1015, %iota3A : vector<16xi32>
        %mul3A_1017 = arith.mulf %scan3A_817, %scan3A_818 : vector<16xf32>
        %scatter3A_1018 = arith.constant 0 : i32
        %scatter3A_1019 = arith.constant 0 : i32
        %scatter3A_1020 = tpu.memref_slice %arg13[%scan3A_716, %scatter3A_1018, %scatter3A_1019] : memref<2x64x128xf32, #tpu.memory_space<vmem>> -> memref<1x64x128xf32, #tpu.memory_space<vmem>>
        %scatter3A_1021 = tpu.memref_squeeze %scatter3A_1020 : memref<1x64x128xf32, #tpu.memory_space<vmem>> -> memref<64x128xf32, #tpu.memory_space<vmem>>
        tpu.vector_store_idx %scatter3A_1021[%broadcast_in_dim3A_957, %add3A_1016], %mul3A_1017 : memref<64x128xf32, #tpu.memory_space<vmem>>[vector<16xi32>, vector<16xi32>], vector<16xf32>,
        scf.yield %gather3A_829, %gather3A_844, %gather3A_859, %gather3A_874, %gather3A_889, %gather3A_904, %gather3A_919, %gather3A_934, %exp3A_955 : vector<16xf32>, vector<16xf32>, vector<16xf32>, vector<16xf32>, vector<16xf32>, vector<16xf32>, vector<16xf32>, vector<16xf32>, vector<16xf32>
      }
      %scan3A_722 = arith.constant 63 : i32
      %broadcast_in_dim3A_723 = arith.constant 63 : i32
      %broadcast_in_dim3A_724 = vector.broadcast %broadcast_in_dim3A_723 : i32 to vector<16xi32>
      %add3A_725 = arith.constant 0 : i32
      %add3A_726 = vector.broadcast %add3A_725 : i32 to vector<16xi32>
      %add3A_727 = arith.addi %add3A_726, %iota3A : vector<16xi32>
      %mul3A_728 = arith.mulf %scan3A_721#0, %scan3A_721#8 : vector<16xf32>
      %scatter3A_729 = arith.constant 1 : i32
      %scatter3A_730 = arith.constant 0 : i32
      %scatter3A_731 = arith.constant 0 : i32
      %scatter3A_732 = tpu.memref_slice %arg13[%scatter3A_729, %scatter3A_730, %scatter3A_731] : memref<2x64x128xf32, #tpu.memory_space<vmem>> -> memref<1x64x128xf32, #tpu.memory_space<vmem>>
      %scatter3A_733 = tpu.memref_squeeze %scatter3A_732 : memref<1x64x128xf32, #tpu.memory_space<vmem>> -> memref<64x128xf32, #tpu.memory_space<vmem>>
      tpu.vector_store_idx %scatter3A_733[%broadcast_in_dim3A_724, %add3A_727], %mul3A_728 : memref<64x128xf32, #tpu.memory_space<vmem>>[vector<16xi32>, vector<16xi32>], vector<16xf32>,
      %add3A_734 = arith.constant 16 : i32
      %add3A_735 = vector.broadcast %add3A_734 : i32 to vector<16xi32>
      %add3A_736 = arith.addi %add3A_735, %iota3A : vector<16xi32>
      %mul3A_737 = arith.mulf %scan3A_721#1, %scan3A_721#8 : vector<16xf32>
      %scatter3A_738 = arith.constant 1 : i32
      %scatter3A_739 = arith.constant 0 : i32
      %scatter3A_740 = arith.constant 0 : i32
      %scatter3A_741 = tpu.memref_slice %arg13[%scatter3A_738, %scatter3A_739, %scatter3A_740] : memref<2x64x128xf32, #tpu.memory_space<vmem>> -> memref<1x64x128xf32, #tpu.memory_space<vmem>>
      %scatter3A_742 = tpu.memref_squeeze %scatter3A_741 : memref<1x64x128xf32, #tpu.memory_space<vmem>> -> memref<64x128xf32, #tpu.memory_space<vmem>>
      tpu.vector_store_idx %scatter3A_742[%broadcast_in_dim3A_724, %add3A_736], %mul3A_737 : memref<64x128xf32, #tpu.memory_space<vmem>>[vector<16xi32>, vector<16xi32>], vector<16xf32>,
      %add3A_743 = arith.constant 32 : i32
      %add3A_744 = vector.broadcast %add3A_743 : i32 to vector<16xi32>
      %add3A_745 = arith.addi %add3A_744, %iota3A : vector<16xi32>
      %mul3A_746 = arith.mulf %scan3A_721#2, %scan3A_721#8 : vector<16xf32>
      %scatter3A_747 = arith.constant 1 : i32
      %scatter3A_748 = arith.constant 0 : i32
      %scatter3A_749 = arith.constant 0 : i32
      %scatter3A_750 = tpu.memref_slice %arg13[%scatter3A_747, %scatter3A_748, %scatter3A_749] : memref<2x64x128xf32, #tpu.memory_space<vmem>> -> memref<1x64x128xf32, #tpu.memory_space<vmem>>
      %scatter3A_751 = tpu.memref_squeeze %scatter3A_750 : memref<1x64x128xf32, #tpu.memory_space<vmem>> -> memref<64x128xf32, #tpu.memory_space<vmem>>
      tpu.vector_store_idx %scatter3A_751[%broadcast_in_dim3A_724, %add3A_745], %mul3A_746 : memref<64x128xf32, #tpu.memory_space<vmem>>[vector<16xi32>, vector<16xi32>], vector<16xf32>,
      %add3A_752 = arith.constant 48 : i32
      %add3A_753 = vector.broadcast %add3A_752 : i32 to vector<16xi32>
      %add3A_754 = arith.addi %add3A_753, %iota3A : vector<16xi32>
      %mul3A_755 = arith.mulf %scan3A_721#3, %scan3A_721#8 : vector<16xf32>
      %scatter3A_756 = arith.constant 1 : i32
      %scatter3A_757 = arith.constant 0 : i32
      %scatter3A_758 = arith.constant 0 : i32
      %scatter3A_759 = tpu.memref_slice %arg13[%scatter3A_756, %scatter3A_757, %scatter3A_758] : memref<2x64x128xf32, #tpu.memory_space<vmem>> -> memref<1x64x128xf32, #tpu.memory_space<vmem>>
      %scatter3A_760 = tpu.memref_squeeze %scatter3A_759 : memref<1x64x128xf32, #tpu.memory_space<vmem>> -> memref<64x128xf32, #tpu.memory_space<vmem>>
      tpu.vector_store_idx %scatter3A_760[%broadcast_in_dim3A_724, %add3A_754], %mul3A_755 : memref<64x128xf32, #tpu.memory_space<vmem>>[vector<16xi32>, vector<16xi32>], vector<16xf32>,
      %add3A_761 = arith.constant 64 : i32
      %add3A_762 = vector.broadcast %add3A_761 : i32 to vector<16xi32>
      %add3A_763 = arith.addi %add3A_762, %iota3A : vector<16xi32>
      %mul3A_764 = arith.mulf %scan3A_721#4, %scan3A_721#8 : vector<16xf32>
      %scatter3A_765 = arith.constant 1 : i32
      %scatter3A_766 = arith.constant 0 : i32
      %scatter3A_767 = arith.constant 0 : i32
      %scatter3A_768 = tpu.memref_slice %arg13[%scatter3A_765, %scatter3A_766, %scatter3A_767] : memref<2x64x128xf32, #tpu.memory_space<vmem>> -> memref<1x64x128xf32, #tpu.memory_space<vmem>>
      %scatter3A_769 = tpu.memref_squeeze %scatter3A_768 : memref<1x64x128xf32, #tpu.memory_space<vmem>> -> memref<64x128xf32, #tpu.memory_space<vmem>>
      tpu.vector_store_idx %scatter3A_769[%broadcast_in_dim3A_724, %add3A_763], %mul3A_764 : memref<64x128xf32, #tpu.memory_space<vmem>>[vector<16xi32>, vector<16xi32>], vector<16xf32>,
      %add3A_770 = arith.constant 80 : i32
      %add3A_771 = vector.broadcast %add3A_770 : i32 to vector<16xi32>
      %add3A_772 = arith.addi %add3A_771, %iota3A : vector<16xi32>
      %mul3A_773 = arith.mulf %scan3A_721#5, %scan3A_721#8 : vector<16xf32>
      %scatter3A_774 = arith.constant 1 : i32
      %scatter3A_775 = arith.constant 0 : i32
      %scatter3A_776 = arith.constant 0 : i32
      %scatter3A_777 = tpu.memref_slice %arg13[%scatter3A_774, %scatter3A_775, %scatter3A_776] : memref<2x64x128xf32, #tpu.memory_space<vmem>> -> memref<1x64x128xf32, #tpu.memory_space<vmem>>
      %scatter3A_778 = tpu.memref_squeeze %scatter3A_777 : memref<1x64x128xf32, #tpu.memory_space<vmem>> -> memref<64x128xf32, #tpu.memory_space<vmem>>
      tpu.vector_store_idx %scatter3A_778[%broadcast_in_dim3A_724, %add3A_772], %mul3A_773 : memref<64x128xf32, #tpu.memory_space<vmem>>[vector<16xi32>, vector<16xi32>], vector<16xf32>,
      %add3A_779 = arith.constant 96 : i32
      %add3A_780 = vector.broadcast %add3A_779 : i32 to vector<16xi32>
      %add3A_781 = arith.addi %add3A_780, %iota3A : vector<16xi32>
      %mul3A_782 = arith.mulf %scan3A_721#6, %scan3A_721#8 : vector<16xf32>
      %scatter3A_783 = arith.constant 1 : i32
      %scatter3A_784 = arith.constant 0 : i32
      %scatter3A_785 = arith.constant 0 : i32
      %scatter3A_786 = tpu.memref_slice %arg13[%scatter3A_783, %scatter3A_784, %scatter3A_785] : memref<2x64x128xf32, #tpu.memory_space<vmem>> -> memref<1x64x128xf32, #tpu.memory_space<vmem>>
      %scatter3A_787 = tpu.memref_squeeze %scatter3A_786 : memref<1x64x128xf32, #tpu.memory_space<vmem>> -> memref<64x128xf32, #tpu.memory_space<vmem>>
      tpu.vector_store_idx %scatter3A_787[%broadcast_in_dim3A_724, %add3A_781], %mul3A_782 : memref<64x128xf32, #tpu.memory_space<vmem>>[vector<16xi32>, vector<16xi32>], vector<16xf32>,
      %add3A_788 = arith.constant 112 : i32
      %add3A_789 = vector.broadcast %add3A_788 : i32 to vector<16xi32>
      %add3A_790 = arith.addi %add3A_789, %iota3A : vector<16xi32>
      %mul3A_791 = arith.mulf %scan3A_721#7, %scan3A_721#8 : vector<16xf32>
      %scatter3A_792 = arith.constant 1 : i32
      %scatter3A_793 = arith.constant 0 : i32
      %scatter3A_794 = arith.constant 0 : i32
      %scatter3A_795 = tpu.memref_slice %arg13[%scatter3A_792, %scatter3A_793, %scatter3A_794] : memref<2x64x128xf32, #tpu.memory_space<vmem>> -> memref<1x64x128xf32, #tpu.memory_space<vmem>>
      %scatter3A_796 = tpu.memref_squeeze %scatter3A_795 : memref<1x64x128xf32, #tpu.memory_space<vmem>> -> memref<64x128xf32, #tpu.memory_space<vmem>>
      tpu.vector_store_idx %scatter3A_796[%broadcast_in_dim3A_724, %add3A_790], %mul3A_791 : memref<64x128xf32, #tpu.memory_space<vmem>>[vector<16xi32>, vector<16xi32>], vector<16xf32>,
      %dma_start3A_797 = arith.constant 1 : i32
      %dma_start3A_798 = arith.constant 1 : i32
      %dma_start3A_799 = arith.constant 0 : i32
      %dma_start3A_800 = arith.constant 0 : i32
      %dma_start3A_801 = tpu.memref_slice %arg13[%dma_start3A_797, %dma_start3A_799, %dma_start3A_800] : memref<2x64x128xf32, #tpu.memory_space<vmem>> -> memref<1x64x128xf32, #tpu.memory_space<vmem>>
      %dma_start3A_802 = tpu.memref_squeeze %dma_start3A_801 : memref<1x64x128xf32, #tpu.memory_space<vmem>> -> memref<64x128xf32, #tpu.memory_space<vmem>>
      %dma_start3A_803 = arith.constant 0 : i32
      %dma_start3A_804 = tpu.memref_slice %arg10[%dma_start3A_798, %dma_start3A_803] : memref<2x64xi32, #tpu.memory_space<vmem>> -> memref<1x64xi32, #tpu.memory_space<vmem>>
      %dma_start3A_805 = tpu.memref_squeeze %dma_start3A_804 : memref<1x64xi32, #tpu.memory_space<vmem>> -> memref<64xi32, #tpu.memory_space<vmem>>
      %dma_start3A_806 = arith.constant 0 : i32
      %dma_start3A_807 = arith.constant 0 : i32
      %dma_start3A_808 = tpu.memref_slice %arg7[%dma_start3A_806, %dma_start3A_807] : memref<10112x128xf32, #tpu.memory_space<vmem_shared>> -> memref<10112x128xf32, #tpu.memory_space<vmem_shared>>
      tpu.enqueue_indirect_dma source(%dma_start3A_802 : memref<64x128xf32, #tpu.memory_space<vmem>>) target(%dma_start3A_808 : memref<10112x128xf32, #tpu.memory_space<vmem_shared>>) offsets(%dma_start3A_805 : memref<64xi32, #tpu.memory_space<vmem>>) semaphore(%arg19 : memref<!tpu.dma_semaphore, #tpu.memory_space<semaphore_mem>>) {add = true}
    }
    %scan3A_97 = arith.constant 79 : i32
    %dma_wait3A_98 = arith.constant 0 : i32
    %dma_wait3A_99 = arith.constant 0 : i32
    %dma_wait3A_100 = arith.constant 0 : i32
    %dma_wait3A_101 = arith.constant 0 : i32
    %dma_wait3A_102 = tpu.memref_slice %arg13[%dma_wait3A_98, %dma_wait3A_100, %dma_wait3A_101] : memref<2x64x128xf32, #tpu.memory_space<vmem>> -> memref<1x64x128xf32, #tpu.memory_space<vmem>>
    %dma_wait3A_103 = tpu.memref_squeeze %dma_wait3A_102 : memref<1x64x128xf32, #tpu.memory_space<vmem>> -> memref<64x128xf32, #tpu.memory_space<vmem>>
    %dma_wait3A_104 = arith.constant 0 : i32
    %dma_wait3A_105 = tpu.memref_slice %arg10[%dma_wait3A_99, %dma_wait3A_104] : memref<2x64xi32, #tpu.memory_space<vmem>> -> memref<1x64xi32, #tpu.memory_space<vmem>>
    %dma_wait3A_106 = tpu.memref_squeeze %dma_wait3A_105 : memref<1x64xi32, #tpu.memory_space<vmem>> -> memref<64xi32, #tpu.memory_space<vmem>>
    %dma_wait3A_107 = arith.constant 0 : i32
    %dma_wait3A_108 = arith.constant 0 : i32
    %dma_wait3A_109 = tpu.memref_slice %arg7[%dma_wait3A_107, %dma_wait3A_108] : memref<10112x128xf32, #tpu.memory_space<vmem_shared>> -> memref<10112x128xf32, #tpu.memory_space<vmem_shared>>
    tpu.wait_indirect_dma semaphore(%arg18 : memref<!tpu.dma_semaphore, #tpu.memory_space<semaphore_mem>>) src(%dma_wait3A_103 : memref<64x128xf32, #tpu.memory_space<vmem>>) dst(%dma_wait3A_109 : memref<10112x128xf32, #tpu.memory_space<vmem_shared>>)
    %dma_wait3A_110 = arith.constant 1 : i32
    %dma_wait3A_111 = arith.constant 1 : i32
    %dma_wait3A_112 = arith.constant 0 : i32
    %dma_wait3A_113 = arith.constant 0 : i32
    %dma_wait3A_114 = tpu.memref_slice %arg13[%dma_wait3A_110, %dma_wait3A_112, %dma_wait3A_113] : memref<2x64x128xf32, #tpu.memory_space<vmem>> -> memref<1x64x128xf32, #tpu.memory_space<vmem>>
    %dma_wait3A_115 = tpu.memref_squeeze %dma_wait3A_114 : memref<1x64x128xf32, #tpu.memory_space<vmem>> -> memref<64x128xf32, #tpu.memory_space<vmem>>
    %dma_wait3A_116 = arith.constant 0 : i32
    %dma_wait3A_117 = tpu.memref_slice %arg10[%dma_wait3A_111, %dma_wait3A_116] : memref<2x64xi32, #tpu.memory_space<vmem>> -> memref<1x64xi32, #tpu.memory_space<vmem>>
    %dma_wait3A_118 = tpu.memref_squeeze %dma_wait3A_117 : memref<1x64xi32, #tpu.memory_space<vmem>> -> memref<64xi32, #tpu.memory_space<vmem>>
    %dma_wait3A_119 = arith.constant 0 : i32
    %dma_wait3A_120 = arith.constant 0 : i32
    %dma_wait3A_121 = tpu.memref_slice %arg7[%dma_wait3A_119, %dma_wait3A_120] : memref<10112x128xf32, #tpu.memory_space<vmem_shared>> -> memref<10112x128xf32, #tpu.memory_space<vmem_shared>>
    tpu.wait_indirect_dma semaphore(%arg19 : memref<!tpu.dma_semaphore, #tpu.memory_space<semaphore_mem>>) src(%dma_wait3A_115 : memref<64x128xf32, #tpu.memory_space<vmem>>) dst(%dma_wait3A_121 : memref<10112x128xf32, #tpu.memory_space<vmem_shared>>)
    %barrier3A_122 = arith.constant 0 : index
    tpu.barrier barrier_id(%barrier3A_122)
    %mul3A_123 = arith.constant 632 : i32
    %mul3A_124 = arith.muli %arg1, %mul3A_123 : i32
    %mul3A_125 = arith.constant 632 : i32
    %mul3A_126 = arith.muli %arg1, %mul3A_125 : i32
    "tpu.region"() ({
      %run_scoped3A = tpu.sem_alloc : memref<!tpu.dma_semaphore, #tpu.memory_space<semaphore_mem>>
      %dma_start3A_127 = arith.constant 0 : i32
      %dma_start3A_128 = tpu.memref_slice %arg6[%arg0, %mul3A_126, %dma_start3A_127] : memref<2x10112x128xf32, #tpu.memory_space<hbm>> -> memref<1x632x128xf32, #tpu.memory_space<hbm>>
      %dma_start3A_129 = tpu.memref_squeeze %dma_start3A_128 : memref<1x632x128xf32, #tpu.memory_space<hbm>> -> memref<632x128xf32, #tpu.memory_space<hbm>>
      %dma_start3A_130 = arith.constant 0 : i32
      %dma_start3A_131 = tpu.memref_slice %arg7[%mul3A_124, %dma_start3A_130] : memref<10112x128xf32, #tpu.memory_space<vmem_shared>> -> memref<632x128xf32, #tpu.memory_space<vmem_shared>>
      tpu.enqueue_dma source(%dma_start3A_131 : memref<632x128xf32, #tpu.memory_space<vmem_shared>>) target(%dma_start3A_129 : memref<632x128xf32, #tpu.memory_space<hbm>>) target_semaphore(%run_scoped3A : memref<!tpu.dma_semaphore, #tpu.memory_space<semaphore_mem>>)
      %dma_wait3A_132 = arith.constant 0 : i32
      %dma_wait3A_133 = tpu.memref_slice %arg6[%arg0, %mul3A_126, %dma_wait3A_132] : memref<2x10112x128xf32, #tpu.memory_space<hbm>> -> memref<1x632x128xf32, #tpu.memory_space<hbm>>
      %dma_wait3A_134 = tpu.memref_squeeze %dma_wait3A_133 : memref<1x632x128xf32, #tpu.memory_space<hbm>> -> memref<632x128xf32, #tpu.memory_space<hbm>>
      %dma_wait3A_135 = arith.constant 0 : i32
      %dma_wait3A_136 = tpu.memref_slice %arg7[%mul3A_124, %dma_wait3A_135] : memref<10112x128xf32, #tpu.memory_space<vmem_shared>> -> memref<632x128xf32, #tpu.memory_space<vmem_shared>>
      tpu.wait_dma2 semaphore(%run_scoped3A : memref<!tpu.dma_semaphore, #tpu.memory_space<semaphore_mem>>) src(%dma_wait3A_136 : memref<632x128xf32, #tpu.memory_space<vmem_shared>>) dst(%dma_wait3A_134 : memref<632x128xf32, #tpu.memory_space<hbm>>)
      tpu.yield
    }) : () -> ()
    return
  }
}

module attributes {stable_mosaic.version = 14 : i64} {
  func.func @_pre_body(%arg0: memref<8000x128xf32, #tpu.memory_space<vmem>>, %arg1: memref<2000x64xf32, #tpu.memory_space<vmem>>, %arg2: memref<64x128xf32, #tpu.memory_space<vmem>>, %arg3: memref<128xf32, #tpu.memory_space<vmem>>, %arg4: memref<128x128xf32, #tpu.memory_space<vmem>>, %arg5: memref<128x64xf32, #tpu.memory_space<vmem>>, %arg6: memref<64xf32, #tpu.memory_space<vmem>>, %arg7: memref<10000x64xf32, #tpu.memory_space<vmem>>, %arg8: memref<10000x128xf32, #tpu.memory_space<vmem>>, %arg9: memref<10000x64xf32, #tpu.memory_space<vmem>>) attributes {dimension_semantics = [], scalar_prefetch = 0 : i64, scratch_operands = 0 : i64, tpu.core_type = #tpu.core_type<tc>} {
    %get3A = arith.constant 0 : index
    %get3A_0 = arith.constant 0 : index
    %get3A_1 = vector.load %arg1[%get3A, %get3A_0] : memref<2000x64xf32, #tpu.memory_space<vmem>>, vector<2000x64xf32>
    %get3A_2 = arith.constant 0 : index
    %get3A_3 = arith.constant 0 : index
    %get3A_4 = vector.load %arg2[%get3A_2, %get3A_3] : memref<64x128xf32, #tpu.memory_space<vmem>>, vector<64x128xf32>
    %dot_general3A = arith.constant dense<0.000000e+00> : vector<2000x128xf32>
    %dot_general3A_5 = tpu.matmul %get3A_1, %get3A_4, %dot_general3A {dimension_numbers = #tpu.dot_dimension_numbers<[1], [0], [0], [1], [0, 0, 1, 1], [], []>, transpose_lhs_hint = false} : vector<2000x64xf32>, vector<64x128xf32>, vector<2000x128xf32> -> vector<2000x128xf32>
    %get3A_6 = arith.constant 0 : index
    %get3A_7 = vector.load %arg3[%get3A_6] : memref<128xf32, #tpu.memory_space<vmem>>, vector<128xf32>
    %broadcast_in_dim3A = vector.shape_cast %get3A_7 : vector<128xf32> to vector<1x128xf32>
    %add3A = vector.broadcast %broadcast_in_dim3A : vector<1x128xf32> to vector<2000x128xf32>
    %add3A_8 = arith.addf %dot_general3A_5, %add3A : vector<2000x128xf32>
    %tanh3A = math.tanh %add3A_8 : vector<2000x128xf32>
    %get3A_9 = arith.constant 0 : index
    %get3A_10 = arith.constant 0 : index
    %get3A_11 = vector.load %arg0[%get3A_9, %get3A_10] : memref<8000x128xf32, #tpu.memory_space<vmem>>, vector<8000x128xf32>
    %concatenate3A = tpu.concatenate %get3A_11, %tanh3A in 0 : vector<8000x128xf32>, vector<2000x128xf32> -> vector<10000x128xf32>
    %mul3A = arith.mulf %concatenate3A, %concatenate3A : vector<10000x128xf32>
    %reduce_sum3A = arith.constant dense<0.000000e+00> : vector<10000xf32>
    %reduce_sum3A_12 = vector.multi_reduction <add>, %mul3A, %reduce_sum3A [1] : vector<10000x128xf32> to vector<10000xf32>
    %broadcast_in_dim3A_13 = vector.shape_cast %reduce_sum3A_12 : vector<10000xf32> to vector<10000x1xf32>
    %sqrt3A = math.sqrt %broadcast_in_dim3A_13 : vector<10000x1xf32>
    %max3A = arith.constant 9.99999996E-13 : f32
    %max3A_14 = vector.broadcast %max3A : f32 to vector<10000x1xf32>
    %max3A_15 = arith.maximumf %sqrt3A, %max3A_14 : vector<10000x1xf32>
    %div3A = vector.broadcast %max3A_15 : vector<10000x1xf32> to vector<10000x128xf32>
    %div3A_16 = arith.divf %concatenate3A, %div3A : vector<10000x128xf32>
    %get3A_17 = arith.constant 0 : index
    %get3A_18 = arith.constant 0 : index
    %get3A_19 = vector.load %arg4[%get3A_17, %get3A_18] : memref<128x128xf32, #tpu.memory_space<vmem>>, vector<128x128xf32>
    %dot_general3A_20 = arith.constant dense<0.000000e+00> : vector<10000x128xf32>
    %dot_general3A_21 = tpu.matmul %div3A_16, %get3A_19, %dot_general3A_20 {dimension_numbers = #tpu.dot_dimension_numbers<[1], [0], [0], [1], [0, 0, 1, 1], [], []>, transpose_lhs_hint = false} : vector<10000x128xf32>, vector<128x128xf32>, vector<10000x128xf32> -> vector<10000x128xf32>
    %swap3A = arith.constant 0 : index
    %swap3A_22 = arith.constant 0 : index
    %swap3A_23 = vector.load %arg8[%swap3A, %swap3A_22] : memref<10000x128xf32, #tpu.memory_space<vmem>>, vector<10000x128xf32>
    tpu.vector_store %arg8[%swap3A, %swap3A_22], %dot_general3A_21 {strides = array<i32>} : memref<10000x128xf32, #tpu.memory_space<vmem>>, vector<10000x128xf32>,
    %get3A_24 = arith.constant 0 : index
    %get3A_25 = arith.constant 0 : index
    %get3A_26 = vector.load %arg5[%get3A_24, %get3A_25] : memref<128x64xf32, #tpu.memory_space<vmem>>, vector<128x64xf32>
    %dot_general3A_27 = arith.constant dense<0.000000e+00> : vector<10000x64xf32>
    %dot_general3A_28 = tpu.matmul %div3A_16, %get3A_26, %dot_general3A_27 {dimension_numbers = #tpu.dot_dimension_numbers<[1], [0], [0], [1], [0, 0, 1, 1], [], []>, transpose_lhs_hint = false} : vector<10000x128xf32>, vector<128x64xf32>, vector<10000x64xf32> -> vector<10000x64xf32>
    %get3A_29 = arith.constant 0 : index
    %get3A_30 = vector.load %arg6[%get3A_29] : memref<64xf32, #tpu.memory_space<vmem>>, vector<64xf32>
    %broadcast_in_dim3A_31 = vector.shape_cast %get3A_30 : vector<64xf32> to vector<1x64xf32>
    %add3A_32 = vector.broadcast %broadcast_in_dim3A_31 : vector<1x64xf32> to vector<10000x64xf32>
    %add3A_33 = arith.addf %dot_general3A_28, %add3A_32 : vector<10000x64xf32>
    %ge3A = arith.constant 0.000000e+00 : f32
    %ge3A_34 = vector.broadcast %ge3A : f32 to vector<10000x64xf32>
    %ge3A_35 = arith.cmpf oge, %add3A_33, %ge3A_34 : vector<10000x64xf32>
    %mul3A_36 = arith.constant 0.00999999977 : f32
    %mul3A_37 = vector.broadcast %mul3A_36 : f32 to vector<10000x64xf32>
    %mul3A_38 = arith.mulf %mul3A_37, %add3A_33 : vector<10000x64xf32>
    %select_n3A = arith.select %ge3A_35, %add3A_33, %mul3A_38 : vector<10000x64xi1>, vector<10000x64xf32>
    %get3A_39 = arith.constant 0 : index
    %get3A_40 = arith.constant 0 : index
    %get3A_41 = vector.load %arg7[%get3A_39, %get3A_40] : memref<10000x64xf32, #tpu.memory_space<vmem>>, vector<10000x64xf32>
    %add3A_42 = arith.addf %select_n3A, %get3A_41 : vector<10000x64xf32>
    %swap3A_43 = arith.constant 0 : index
    %swap3A_44 = arith.constant 0 : index
    %swap3A_45 = vector.load %arg9[%swap3A_43, %swap3A_44] : memref<10000x64xf32, #tpu.memory_space<vmem>>, vector<10000x64xf32>
    tpu.vector_store %arg9[%swap3A_43, %swap3A_44], %add3A_42 {strides = array<i32>} : memref<10000x64xf32, #tpu.memory_space<vmem>>, vector<10000x64xf32>,
    return
  }
}

module attributes {stable_mosaic.version = 14 : i64} {
  func.func @_post_body(%arg0: memref<2x10112x128xf32, #tpu.memory_space<vmem>>, %arg1: memref<10000x64xf32, #tpu.memory_space<vmem>>, %arg2: memref<128x64xf32, #tpu.memory_space<vmem>>, %arg3: memref<64xf32, #tpu.memory_space<vmem>>, %arg4: memref<10000x64xf32, #tpu.memory_space<vmem>>) attributes {dimension_semantics = [], scalar_prefetch = 0 : i64, scratch_operands = 0 : i64, tpu.core_type = #tpu.core_type<tc>} {
    %get3A = arith.constant 0 : index
    %get3A_0 = arith.constant 0 : index
    %get3A_1 = arith.constant 0 : index
    %get3A_2 = vector.load %arg0[%get3A, %get3A_0, %get3A_1] : memref<2x10112x128xf32, #tpu.memory_space<vmem>>, vector<1x10000x128xf32>
    %get3A_3 = vector.shape_cast %get3A_2 : vector<1x10000x128xf32> to vector<10000x128xf32>
    %get3A_4 = arith.constant 1 : index
    %get3A_5 = arith.constant 0 : index
    %get3A_6 = arith.constant 0 : index
    %get3A_7 = vector.load %arg0[%get3A_4, %get3A_5, %get3A_6] : memref<2x10112x128xf32, #tpu.memory_space<vmem>>, vector<1x10000x128xf32>
    %get3A_8 = vector.shape_cast %get3A_7 : vector<1x10000x128xf32> to vector<10000x128xf32>
    %add3A = arith.addf %get3A_3, %get3A_8 : vector<10000x128xf32>
    %mul3A = arith.mulf %add3A, %add3A : vector<10000x128xf32>
    %reduce_sum3A = arith.constant dense<0.000000e+00> : vector<10000xf32>
    %reduce_sum3A_9 = vector.multi_reduction <add>, %mul3A, %reduce_sum3A [1] : vector<10000x128xf32> to vector<10000xf32>
    %broadcast_in_dim3A = vector.shape_cast %reduce_sum3A_9 : vector<10000xf32> to vector<10000x1xf32>
    %sqrt3A = math.sqrt %broadcast_in_dim3A : vector<10000x1xf32>
    %max3A = arith.constant 9.99999996E-13 : f32
    %max3A_10 = vector.broadcast %max3A : f32 to vector<10000x1xf32>
    %max3A_11 = arith.maximumf %sqrt3A, %max3A_10 : vector<10000x1xf32>
    %div3A = vector.broadcast %max3A_11 : vector<10000x1xf32> to vector<10000x128xf32>
    %div3A_12 = arith.divf %add3A, %div3A : vector<10000x128xf32>
    %ge3A = arith.constant 0.000000e+00 : f32
    %ge3A_13 = vector.broadcast %ge3A : f32 to vector<10000x128xf32>
    %ge3A_14 = arith.cmpf oge, %div3A_12, %ge3A_13 : vector<10000x128xf32>
    %mul3A_15 = arith.constant 0.00999999977 : f32
    %mul3A_16 = vector.broadcast %mul3A_15 : f32 to vector<10000x128xf32>
    %mul3A_17 = arith.mulf %mul3A_16, %div3A_12 : vector<10000x128xf32>
    %select_n3A = arith.select %ge3A_14, %div3A_12, %mul3A_17 : vector<10000x128xi1>, vector<10000x128xf32>
    %get3A_18 = arith.constant 0 : index
    %get3A_19 = arith.constant 0 : index
    %get3A_20 = vector.load %arg2[%get3A_18, %get3A_19] : memref<128x64xf32, #tpu.memory_space<vmem>>, vector<128x64xf32>
    %dot_general3A = arith.constant dense<0.000000e+00> : vector<10000x64xf32>
    %dot_general3A_21 = tpu.matmul %select_n3A, %get3A_20, %dot_general3A {dimension_numbers = #tpu.dot_dimension_numbers<[1], [0], [0], [1], [0, 0, 1, 1], [], []>, transpose_lhs_hint = false} : vector<10000x128xf32>, vector<128x64xf32>, vector<10000x64xf32> -> vector<10000x64xf32>
    %get3A_22 = arith.constant 0 : index
    %get3A_23 = vector.load %arg3[%get3A_22] : memref<64xf32, #tpu.memory_space<vmem>>, vector<64xf32>
    %broadcast_in_dim3A_24 = vector.shape_cast %get3A_23 : vector<64xf32> to vector<1x64xf32>
    %add3A_25 = vector.broadcast %broadcast_in_dim3A_24 : vector<1x64xf32> to vector<10000x64xf32>
    %add3A_26 = arith.addf %dot_general3A_21, %add3A_25 : vector<10000x64xf32>
    %get3A_27 = arith.constant 0 : index
    %get3A_28 = arith.constant 0 : index
    %get3A_29 = vector.load %arg1[%get3A_27, %get3A_28] : memref<10000x64xf32, #tpu.memory_space<vmem>>, vector<10000x64xf32>
    %add3A_30 = arith.addf %add3A_26, %get3A_29 : vector<10000x64xf32>
    %ge3A_31 = arith.constant 0.000000e+00 : f32
    %ge3A_32 = vector.broadcast %ge3A_31 : f32 to vector<10000x64xf32>
    %ge3A_33 = arith.cmpf oge, %add3A_30, %ge3A_32 : vector<10000x64xf32>
    %mul3A_34 = arith.constant 0.00999999977 : f32
    %mul3A_35 = vector.broadcast %mul3A_34 : f32 to vector<10000x64xf32>
    %mul3A_36 = arith.mulf %mul3A_35, %add3A_30 : vector<10000x64xf32>
    %select_n3A_37 = arith.select %ge3A_33, %add3A_30, %mul3A_36 : vector<10000x64xi1>, vector<10000x64xf32>
    %swap3A = arith.constant 0 : index
    %swap3A_38 = arith.constant 0 : index
    %swap3A_39 = vector.load %arg4[%swap3A, %swap3A_38] : memref<10000x64xf32, #tpu.memory_space<vmem>>, vector<10000x64xf32>
    tpu.vector_store %arg4[%swap3A, %swap3A_38], %select_n3A_37 {strides = array<i32>} : memref<10000x64xf32, #tpu.memory_space<vmem>>, vector<10000x64xf32>,
    return
  }
}

</mosaic_0001>

<sc_bundles>
// kernel: kernel.5.cloned.1.call-start
scs
__scs_entry_jumppad:
0x0: {  	(pc) =	sbr.rel $0x88, $3  }
0x1: {  	(tag) =	ssettag $0x0;
	lr =	simm.s32 $0x1  }
0x2: {  	[smem:$0x3F96] =	sst lr;
	_ =	strace $0xD0000000  }
0x3: {  	_ = 	snop  }
0x4: {  	_ = 	snop  }
0x5: {  	_ = 	snop  }
0x6: {  	_ = 	snop  }
0x7: {  	_ = 	snop  }
__scs_overlays_trampoline_lowered:
0x8: {  	[smem:$0x3FA5] =	sst s0  }
0x9: {  	[smem:$0x3FA6] =	sst s1  }
0xa: {  	[smem:$0x3FA7] =	sst s2  }
0xb: {  	[smem:$0x3FA8] =	sst s3  }
0xc: {  	[smem:$0x3FA9] =	sst s4  }
0xd: {  	[smem:$0x3FAA] =	sst s5  }
0xe: {  	[smem:$0x3FAB] =	sst s6  }
0xf: {  	[smem:$0x3FAC] =	sst s7  }
0x10: {  	[smem:$0x3FAD] =	sst s8  }
0x11: {  	[smem:$0x3FAE] =	sst s9;
	s0 =	simm.s32 @!p0 $0x0  }
0x12: {  	s1 =	sld [smem:$0x3F94];
	s0 =	simm.s32 @p0 $0x1  }
0x13: {  	[smem:$0x3FAF] =	sst s0;
	s0 =	simm.s32 @!p1 $0x0  }
0x14: {  	s2 =	sld [smem:$0x3F93];
	s0 =	simm.s32 @p1 $0x1  }
0x15: {  	[smem:$0x3FB0] =	sst s0;
	s0 =	simm.s32 @!p2 $0x0  }
0x16: {  	s3 =	sld [smem:$0x3FDB];
	s0 =	simm.s32 @p2 $0x1  }
0x17: {  	s4 =	simm.s32 $0x1BF5;
	[smem:$0x3FB2] =	sst s0  }
0x18: {  	s0 =	sld [smem:$0x3F95];
	_ =	swait.ge [sflag:s4], $0x0  }
0x19: {  	s7 =	sld [smem:$0x3F96]  }
0x1a: {  	s8 =	sadd.s32 $0xFFFFE003, lr  }
0x1b: {  	s9 =	sadd.s32 $0xFFFFFEF7, lr;
	s5 =	simm.s32 $0xFFFFFFFF;
	p2 =	slt.u32 s8, $0xFFFFF086  }
0x1c: {  	p1 =	slt.u32 s9, $0xF7A;
	s5 =	simm.s32 @!p2 $0x0  }
0x1d: {  	s5 =	simm.s32 @p1 $0x1;
	p0 =	seq.s32 s7, s2  }
0x1e: {  	s7 =	smul.u32 @!p0 $0xF7A, s2;
	p2 =	seq.s32 @!p0 s5, $0x0  }
0x1f: {  	s9 =	smul.u32 $0xF7A, s1;
	s8 =	simm.s32 @!p0 $0x1BF5;
	p2 =	por !p2, p0  }
0x20: {  	[sflag:s8] =	ssyncset.s32 @!p0 $0xFFFFF086;
	s6 =	sadd.s32 @!p0 s3, s7;
	s7 =	simm.s32 @!p0 $0x108  }
0x21: {  	s3 =	sadd.s32 s3, s9;
	s6 =	sadd.s32 @!p0 $0x88, s6;
	s7 =	simm.s32 @p2 $0x1082  }
0x22: {  	[simem:s7], [sflag:s8] =	dma.local @!p0 [hbm:s6], $0xF7A  }
0x23: {  	s9 =	sor.u32 $0xD0000000, s2;
	s6 =	simm.s32 $0x108;
	_ =	swait.ge @!p0 [sflag:s8], $0x0  }
0x24: {  	s3 =	sadd.s32 $0x88, s3;
	s6 =	simm.s32 @!p1 $0x1082;
	[sflag:s4] =	ssyncset.s32 $0xFFFFF086  }
0x25: {  	[simem:s6], [sflag:s4] =	dma.local [hbm:s3], $0xF7A  }
0x26: {  	[smem:$0x3F96] =	sst s1;
	(tag) =	ssettag s2;
	_ =	strace s9  }
0x27: {  	s1 =	sld [smem:$0x3FA6]  }
0x28: {  	s2 =	sld [smem:$0x3FA7]  }
0x29: {  	s4 =	sld [smem:$0x3FA9]  }
0x2a: {  	p0 =	seq.s32 s5, $0x0;
	s5 =	sld [smem:$0x3FAA]  }
0x2b: {  	s6 =	sld [smem:$0x3FAB]  }
0x2c: {  	s7 =	sld [smem:$0x3FAC]  }
0x2d: {  	s3 =	simm.s32 $0x108;
	s8 =	sld [smem:$0x3FAD]  }
0x2e: {  	s3 =	simm.s32 @!p0 $0x1082;
	s9 =	sld [smem:$0x3FAE]  }
0x2f: {  	lr =	sadd.s32 s0, s3;
	s0 =	sld [smem:$0x3FA5]  }
0x30: {  	s3 =	sld [smem:$0x3FA8]  }
0x31: {  	[smem:$0x3FB1] =	sst s10  }
0x32: {  	s10 =	sld [smem:$0x3FAF];
	_ =	sdelay $0x3  }
0x33: {  	p0 =	seq.s32 s10, $0x1;
	s10 =	sld [smem:$0x3FB1];
	_ =	sdelay $0x3  }
0x34: {  	[smem:$0x3FB1] =	sst s10  }
0x35: {  	s10 =	sld [smem:$0x3FB0];
	_ =	sdelay $0x3  }
0x36: {  	p1 =	seq.s32 s10, $0x1;
	s10 =	sld [smem:$0x3FB1];
	_ =	sdelay $0x3  }
0x37: {  	[smem:$0x3FB1] =	sst s10  }
0x38: {  	s10 =	sld [smem:$0x3FB2]  }
0x39: {  	_ = 	snop;
	(pc) =	sbr.ind lr, $3  }
0x3a: {  	_ = 	snop  }
0x3b: {  	_ = 	snop  }
0x3c: {  	p2 =	seq.s32 s10, $0x1;
	s10 =	sld [smem:$0x3FB1]  }
0x3d: {  	_ =	shalt  }
0x3e: {  	_ =	shalt  }
0x3f: {  	_ =	shalt  }
0x40: {  	_ =	shalt  }
0x41: {  	_ =	shalt  }
0x42: {  	_ =	shalt  }
0x43: {  	_ =	shalt  }
0x44: {  	_ =	shalt  }
0x45: {  	_ =	shalt  }
0x46: {  	_ =	shalt  }
0x47: {  	_ =	shalt  }
0x48: {  	_ =	shalt  }
0x49: {  	_ =	shalt  }
0x4a: {  	_ =	shalt  }
0x4b: {  	_ =	shalt  }
0x4c: {  	_ =	shalt  }
0x4d: {  	_ =	shalt  }
0x4e: {  	_ =	shalt  }
0x4f: {  	_ =	shalt  }
0x50: {  	_ =	shalt  }
0x51: {  	_ =	shalt  }
0x52: {  	_ =	shalt  }
0x53: {  	_ =	shalt  }
0x54: {  	_ =	shalt  }
0x55: {  	_ =	shalt  }
0x56: {  	_ =	shalt  }
0x57: {  	_ =	shalt  }
0x58: {  	_ =	shalt  }
0x59: {  	_ =	shalt  }
0x5a: {  	_ =	shalt  }
0x5b: {  	_ =	shalt  }
0x5c: {  	_ =	shalt  }
0x5d: {  	_ =	shalt  }
0x5e: {  	_ =	shalt  }
0x5f: {  	_ =	shalt  }
0x60: {  	_ =	shalt  }
0x61: {  	_ =	shalt  }
0x62: {  	_ =	shalt  }
0x63: {  	_ =	shalt  }
0x64: {  	_ =	shalt  }
0x65: {  	_ =	shalt  }
0x66: {  	_ =	shalt  }
0x67: {  	_ =	shalt  }
0x68: {  	_ =	shalt  }
0x69: {  	_ =	shalt  }
0x6a: {  	_ =	shalt  }
0x6b: {  	_ =	shalt  }
0x6c: {  	_ =	shalt  }
0x6d: {  	_ =	shalt  }
0x6e: {  	_ =	shalt  }
0x6f: {  	_ =	shalt  }
0x70: {  	_ =	shalt  }
0x71: {  	_ =	shalt  }
0x72: {  	_ =	shalt  }
0x73: {  	_ =	shalt  }
0x74: {  	_ =	shalt  }
0x75: {  	_ =	shalt  }
0x76: {  	_ =	shalt  }
0x77: {  	_ =	shalt  }
0x78: {  	_ =	shalt  }
0x79: {  	_ =	shalt  }
0x7a: {  	_ =	shalt  }
0x7b: {  	_ =	shalt  }
0x7c: {  	_ =	shalt  }
0x7d: {  	_ =	shalt  }
0x7e: {  	_ =	shalt  }
0x7f: {  	_ =	shalt  }
0x80: {  	_ =	shalt  }
0x81: {  	_ =	shalt  }
0x82: {  	_ =	shalt  }
0x83: {  	_ =	shalt  }
0x84: {  	_ =	shalt  }
0x85: {  	_ =	shalt  }
0x86: {  	_ =	shalt  }
0x87: {  	_ =	shalt  }
.Lfunc_end0:
.L_simem_size_0:
called_computation_lowered:
.L_overlay_start_0:
0x88: {  	s2 =	sld [smem:$0x3FD9]  }
0x89: {  	s3 =	sld [smem:$0x3FFE];
	_ =	sdelay $0x1  }
0x8a: {  	s1 =	srdreg.scid  }
0x8b: {  	s0 =	sand.u32 $0x1, s1  }
0x8c: {  	s17 =	sshll.u32 s0, $0xA;
	s2 =	sadd.s32 s3, s2  }
0x8d: {  	s2 =	sadd.s32 s2, s17  }
0x8e: {  	[smem:$0x3FBD] =	sst s2  }
0x8f: {  	_ = 	snop  }
0x90: {  	s2 =	sld [smem:$0x3FD0];
	(tm) =	ssettm $0x1  }
0x91: {  	s18 =	sld [smem:$0x3FFB];
	_ =	sdelay $0x3  }
0x92: {  	_ =	strace s18  }
0x93: {  	s3 =	sld [smem:$0x3FFC];
	_ =	sdelay $0x3  }
0x94: {  	_ =	strace s3  }
0x95: {  	s3 =	sld [smem:$0x3FFD];
	_ =	sdelay $0x3  }
0x96: {  	_ =	strace s3  }
0x97: {  	_ =	strace $0x8FFFFFFF  }
0x98: {  	s19 =	sld [smem:$0x3FDB];
	_ =	sdelay $0x1  }
0x99: {  	s4 =	simm.s32 $_scs_section_size  }
0x9a: {  	s5 =	simm.s32 $_size__tile_overlayer_lowered;
	s6 =	simm.s32 $_tile_overlayer_lowered  }
0x9b: {  	s22 =	simm.s32 $0x1BFF;
	s21 =	sshll.u32 s6, $0x1;
	s3 =	sadd.s32 s4, s19  }
0x9c: {  	s7 =	simm.s32 $0x0;
	s20 =	sshll.u32 s5, $0x1;
	s5 =	sadd.s32 s21, s3  }
0x9d: {  	[timem:s7], [sflag:s22] =	dma.local [hbm:s5], s20  }
0x9e: {  	_ =	swait.ge [sflag:s22], s20  }
0x9f: {  	s4 =	ssub.s32 $0x0, s20;
	[sflag:s22] =	ssyncset.done $0x0  }
0xa0: {  	[sflag:s22] =	ssyncadd.s32 s4;
	_ =	sdelay $0x1  }
0xa1: {  	s23 =	simm.s32 $0x1B8B  }
0xa2: {  	_ =	swait.ge [sflag:s23], $0x1  }
0xa3: {  	[sflag:s23] =	ssyncset.done $0x0  }
0xa4: {  	s25 =	simm.s32 $0x1B8E;
	s24 =	sld [smem:$0x3FFE];
	[sflag:s23] =	ssyncadd.s32 $0xFFFFFFFF  }
0xa5: {  	s26 =	simm.s32 $execute0_lowered;
	[smem:$0x3FD2] =	sst s25  }
0xa6: {  	s5 =	sshll.u32 s26, $0x1;
	_ =	strace $0x80000046;
	[dreg:$0x1] =	wrdreg $0xFFFFFFFF  }
0xa7: {  	s28 =	simm.s32 $_size_execute0_lowered;
	s3 =	sadd.s32 s3, s5;
	[dreg:$0x0] =	wrdreg $0x0  }
0xa8: {  	s5 =	sshll.u32 s28, $0x1;
	[dreg:$0x2] =	wrdreg s3  }
0xa9: {  	[dreg:$0x3] =	wrdreg s5  }
0xaa: {  	[dreg:$0x4] =	wrdreg $0xC0  }
0xab: {  	_ =	task [dreg:s7], $0x5FFFF  }
0xac: {  	[dreg:$0x1] =	wrdreg $0xFFFFFFFF  }
0xad: {  	[dreg:$0x0] =	wrdreg $0x60  }
0xae: {  	[dreg:$0x2] =	wrdreg s24  }
0xaf: {  	[dreg:$0x3] =	wrdreg s2  }
0xb0: {  	[dreg:$0x4] =	wrdreg $0x0  }
0xb1: {  	[dreg:$0x5] =	wrdreg $0x9  }
0xb2: {  	_ =	task.clear_ibuf [dreg:s7], $0x6FFFF;
	_ =	strace $0x90000046  }
0xb3: {  	s29 =	simm.s32 $0x9;
	_ =	strace $0x80000048  }
0xb4: {  	_ =	swait.ge [sflag:s29], $0x1  }
0xb5: {  	[sflag:s29] =	ssyncadd.s32 $0xFFFFFFFF  }
0xb6: {  	_ =	strace $0x90000048  }
0xb7: {  	_ =	sfence  }
0xb8: {  	s30 =	sld [smem:$0x0];
	_ =	sdelay $0x2  }
0xb9: {  	s31 =	sshll.u32 s1, $0xD;
	s1 =	sshrl.u32 s1, $0x2  }
0xba: {  	s3 =	sand.u32 $0x4000, s31;
	s1 =	sadd.s32 s1, s30  }
0xbb: {  	s0 =	sor.u32 s3, s0;
	s1 =	sshll.u32 s1, $0x11  }
0xbc: {  	s0 =	sor.u32 s1, s0  }
0xbd: {  	s0 =	sadd.s32 $0x8F2B, s0  }
0xbe: {  	[sflag:s0] =	ssyncadd.remote.s32 $0x1  }
0xbf: {  	_ =	sfence.sel $0xFFFF  }
0xc0: {  	[dreg:$0x0] =	wrdreg $0xFFFFFFFF;
	(pc) =	sbr.abs _section_cstart, $3  }
0xc1: {  	[dreg:$0x1] =	wrdreg $0xFFFFFFFF  }
0xc2: {  	_ =	task.clear_ibuf [dreg:s7], $0x2FFFF;
	_ =	strace $0x9FFFFFFF  }
0xc3: {  	(tm) =	ssettm $0x7FFFFFFF  }
tec
execute0_lowered:
.L_overlay_start_1:
0x0: {  	(tag) =	ssettag $0x1  }
0x1: {  	s0 =	rddreg [dreg:$0x0]  }
0x2: {  	s2 =	rddreg [dreg:$0x1]  }
0x3: {  	s3 =	rddreg [dreg:$0x2]  }
0x4: {  	s11 =	stileid.u32;
	s5 =	simm.s32 $0x0;
	s4 =	srdreg.scid  }
0x5: {  	s28 =	simm.s32 $0x13D80;
	s29 =	simm.s32 $0x8;
	s30 =	simm.s32 $0xA  }
0x6: {  	s31 =	simm.s32 $0x15F00;
	s12 =	simm.s32 $0x13E80;
	s1 =	smul.u32 $0x13C00, s11  }
0x7: {  	[smem:$0x7FF] =	sst s5;
	s4 =	sand.u32 $0x1, s4;
	s5 =	sadd.s32 $0x1400, s0  }
0x8: {  	s6 =	sadd.s32 $0x28600, s0;
	s17 =	smul.u32 $0x4F000, s11;
	s9 =	sshll.u32 s11, $0x1  }
0x9: {  	s21 =	sshll.u32 s11, $0x6;
	s11 =	simm.s32 $0x1DF00;
	_ =	strace $0x80000047  }
0xa: {  	s8 =	smul.u32 $0x13C000, s4;
	s10 =	ssub.s32 $0x2, s4;
	s4 =	sor.u32 s4, s9  }
0xb: {  	s9 =	simm.s32 $0x2;
	s7 =	sshrl.u32 s1, $0x3;
	s18 =	sshrl.u32 s10, $0x1  }
0xc: {  	s4 =	smul.u32 $0x2780, s4;
	s7 =	sadd.s32 s7, s0;
	s1 =	sadd.s32 s1, s8  }
0xd: {  	s8 =	sshrl.u32 s17, $0x2;
	s19 =	ssub.s32 s10, s18;
	s18 =	simm.s32 $0xB  }
0xe: {  	s1 =	sshrl.u32 s1, $0x3;
	s20 =	sadd.s32 s8, s3;
	s7 =	sadd.s32 $0x32400, s7  }
0xf: {  	s22 =	sshrl.u32 s4, $0x3;
	s8 =	sor.u32 $0x1C0B, s21;
	s13 =	sadd.s32 $0x80, s4  }
0x10: {  	s14 =	sadd.s32 $0xC0, s4;
	s26 =	smax.u32 s19, $0x1;
	[dreg:$0x4] =	wrdreg s7  }
0x11: {  	s19 =	simm.s32 $0x1BF00;
	s21 =	simm.s32 $0x0;
	[dreg:$0xb] =	wrdreg s26  }
0x12: {  	s0 =	sadd.s32 s1, s0;
	s23 =	sadd.s32 s2, s22;
	[dreg:$0x5] =	wrdreg s8  }
0x13: {  	s24 =	sor.u32 $0x8, s22;
	s10 =	sadd.s32 s6, s22;
	[dreg:$0x6] =	wrdreg s23  }
0x14: {  	v0 =	vlaneseq.u32;
	s15 =	sshrl.u32 s20, $0x3;
	s26 =	simm.s32 $0x13C80;
	[dreg:$0x7] =	wrdreg s10  }
0x15: {  	v1 =	vor.u32 $0x10, v0;
	v2 =	vor.u32 $0x20, v0;
	v3 =	vor.u32 $0x30, v0;
	s1 =	simm.s32 $0x1;
	s25 =	sadd.s32 s2, s24;
	[dreg:$0xc] =	wrdreg s15  }
0x16: {  	v4 =	vor.u32 $0x40, v0;
	v5 =	vor.u32 $0x50, v0;
	v6 =	vor.u32 $0x60, v0;
	s20 =	simm.s32 $0x13E00;
	s7 =	sadd.s32 s6, s24;
	[dreg:$0x8] =	wrdreg s25  }
0x17: {  	v7 =	vor.u32 $0x70, v0;
	v8 =	vor.u32 $0x1F80, v0;
	v9 =	vor.u32 $0x1F90, v0;
	s0 =	sadd.s32 $0x59C00, s0;
	s23 =	simm.s32 $0x40;
	[dreg:$0x9] =	wrdreg s7  }
0x18: {  	v10 =	vor.u32 $0x1FA0, v0;
	v11 =	vor.u32 $0x1FB0, v0;
	v12 =	vor.u32 $0x1FC0, v0;
	s24 =	simm.s32 $0x13F00;
	s10 =	simm.s32 $0x4;
	[dreg:$0xa] =	wrdreg s0  }
0x19: {  	v13 =	vor.u32 $0x1FD0, v0;
	v14 =	vor.u32 $0x1FE0, v0;
	v15 =	vor.u32 $0x1FF0, v0;
	s25 =	simm.s32 $0x17F00;
	s0 =	simm.s32 $0x19F00;
	s7 =	simm.s32 $0x3  }
.LBB2_1:
0x1a: {  	s4 =	rddreg [dreg:$0x4]  }
0x1b: {  	[spmem:s15], [sflag:s8] =	dma.local [hbm:s4], $0x2780  }
0x1c: {  	_ =	swait.ge [sflag:s18], $0x2780  }
0x1d: {  	[sflag:s18] =	ssyncset.done $0x0  }
0x1e: {  	[sflag:s18] =	ssyncadd.s32 $0xFFFFD880  }
0x1f: {  	[bflag:$0x0] =	sbarrier.arrive $0xFFFF  }
0x20: {  	s4 =	simm.s32 $0x0;
	s15 =	simm.s32 $0x13C00;
	s17 =	rddreg [dreg:$0x6]  }
0x21: {  	[tilespmem:s15], [sflag:$0x7] =	stream.linear.gather [hbm4b:s17+s4], $0x40, $0x38;
	[tilespmem:$0x1FF00] =	vst v63  }
0x22: {  	s16 =	simm.s32 $0x13D00;
	s22 =	rddreg [dreg:$0x7];
	s17 =	simm.s32 $0x7  }
0x23: {  	[tilespmem:s16], [sflag:$0x9] =	stream.linear.gather [hbm4b:s22+s4], $0x40, $0x38;
	[tilespmem:$0x1FF00] =	vst v63  }
0x24: {  	_ =	swait.ge [sflag:s17], $0x40  }
0x25: {  	[sflag:s17] =	ssyncset.done $0x0  }
0x26: {  	s22 =	simm.s32 $0x9;
	[sflag:s17] =	ssyncadd.s32 $0xFFFFFFC0  }
0x27: {  	_ =	swait.ge [sflag:s22], $0x40  }
0x28: {  	[sflag:s22] =	ssyncset.done $0x0  }
0x29: {  	[sflag:s22] =	ssyncadd.s32 $0xFFFFFFC0  }
0x2a: {  	[tilespmem:s24], [sflag:$0x1] =	stream.indirect.gather [hbm4b:s5+s23], $0x80, s15, s23, $0xb8;
	[tilespmem:$0x1FF00] =	vst v63  }
0x2b: {  	_ = 	snop  }
0x2c: {  	[tilespmem:s25], [sflag:$0x3] =	stream.indirect.gather [hbm4b:s5+s23], $0x80, s16, s23, $0xb8;
	[tilespmem:$0x1FF00] =	vst v63  }
0x2d: {  	s17 =	rddreg [dreg:$0x8]  }
0x2e: {  	[tilespmem:s26], [sflag:$0x8] =	stream.linear.gather [hbm4b:s17+s4], $0x40, $0x38;
	[tilespmem:$0x1FF00] =	vst v63  }
0x2f: {  	s22 =	rddreg [dreg:$0x9]  }
0x30: {  	[tilespmem:s28], [sflag:$0xA] =	stream.linear.gather [hbm4b:s22+s4], $0x40, $0x38;
	[tilespmem:$0x1FF00] =	vst v63  }
0x31: {  	s22 =	simm.s32 $0x0  }
.LBB2_2:
0x32: {  	_ =	swait.ge [sflag:s29], $0x40  }
0x33: {  	[sflag:s29] =	ssyncset.done $0x0  }
0x34: {  	[sflag:s29] =	ssyncadd.s32 $0xFFFFFFC0  }
0x35: {  	_ =	swait.ge [sflag:s30], $0x40  }
0x36: {  	[sflag:s30] =	ssyncset.done $0x0  }
0x37: {  	[sflag:s30] =	ssyncadd.s32 $0xFFFFFFC0  }
0x38: {  	[tilespmem:s31], [sflag:$0x2] =	stream.indirect.gather [hbm4b:s5+s23], $0x80, s26, s23, $0xb8;
	[tilespmem:$0x1FF00] =	vst v63  }
0x39: {  	_ = 	snop  }
0x3a: {  	[tilespmem:s0], [sflag:$0x4] =	stream.indirect.gather [hbm4b:s5+s23], $0x80, s28, s23, $0xb8;
	[tilespmem:$0x1FF00] =	vst v63  }
0x3b: {  	_ =	swait.ge [sflag:s1], $0x2000  }
0x3c: {  	[sflag:s1] =	ssyncset.done $0x0  }
0x3d: {  	[sflag:s1] =	ssyncadd.s32 $0xFFFFE000  }
0x3e: {  	_ =	swait.ge [sflag:s7], $0x2000  }
0x3f: {  	p1 =	seq.s32 s22, $0x0;
	[sflag:s7] =	ssyncset.done $0x0  }
0x40: {  	s4 =	simm.s32 @!p1 $0x5;
	[sflag:s7] =	ssyncadd.s32 $0xFFFFE000  }
0x41: {  	_ =	swait.ge @!p1 [sflag:s4], $0x2000  }
0x42: {  	[sflag:s4] =	ssyncset.done @!p1 $0x0  }
0x43: {  	[sflag:s4] =	ssyncadd.s32 @!p1 $0xFFFFE000  }
0x44: {  	v16 =	vld [tilespmem:$0x13D00]  }
0x45: {  	v17 =	vld [tilespmem:$0x13D10]  }
0x46: {  	v18 =	vld [tilespmem:$0x13D20]  }
0x47: {  	v19 =	vld [tilespmem:$0x13D30];
	_ =	sdelay $0x1  }
0x48: {  	s15 =	sshll.u32 s22, $0x7;
	p0 =	seq.s32 s22, $0x4E;
	[tilespmem:$0x13E00] =	vst v16  }
0x49: {  	s4 =	sadd.s32 @!p0 s15, s13;
	[tilespmem:$0x13E10] =	vst v17  }
0x4a: {  	s4 =	sshrl.u32 @!p0 s4, $0x3;
	[tilespmem:$0x13E20] =	vst v18  }
0x4b: {  	s8 =	simm.s32 @!p0 $0x0;
	s17 =	simm.s32 @!p0 $0x13C00;
	s16 =	sadd.s32 @!p0 s2, s4;
	[tilespmem:$0x13E30] =	vst v19  }
0x4c: {  	[tilespmem:s17], [sflag:$0x7] =	stream.linear.gather @!p0 [hbm4b:s16+s8], $0x40, $0x38;
	[tilespmem:$0x1FF00] =	vst v63  }
0x4d: {  	s4 =	sadd.s32 @!p0 s6, s4;
	s16 =	simm.s32 @!p0 $0x13D00  }
0x4e: {  	[tilespmem:s16], [sflag:$0x9] =	stream.linear.gather @!p0 [hbm4b:s4+s8], $0x40, $0x38;
	[tilespmem:$0x1FF00] =	vst v63  }
0x4f: {  	v24 =	vld.idx.msk [tilespmem:v0+s24+$0x0], $0xffff  }
0x50: {  	v16 =	vld.idx.msk [tilespmem:v0+s25+$0x0], $0xffff  }
0x51: {  	v25 =	vld.idx.msk [tilespmem:v1+s24+$0x0], $0xffff  }
0x52: {  	v17 =	vld.idx.msk [tilespmem:v1+s25+$0x0], $0xffff  }
0x53: {  	v26 =	vld.idx.msk [tilespmem:v2+s24+$0x0], $0xffff  }
0x54: {  	v18 =	vld.idx.msk [tilespmem:v2+s25+$0x0], $0xffff  }
0x55: {  	v27 =	vld.idx.msk [tilespmem:v3+s24+$0x0], $0xffff;
	v16 =	vmul.f32 v16, v24  }
0x56: {  	v19 =	vld.idx.msk [tilespmem:v3+s25+$0x0], $0xffff  }
0x57: {  	v28 =	vld.idx.msk [tilespmem:v4+s24+$0x0], $0xffff;
	v17 =	vmul.f32 v17, v25;
	v16 =	vadd.f32 $0.0e+00, v16  }
0x58: {  	v20 =	vld.idx.msk [tilespmem:v4+s25+$0x0], $0xffff  }
0x59: {  	v29 =	vld.idx.msk [tilespmem:v5+s24+$0x0], $0xffff;
	v16 =	vadd.f32 v17, v16;
	v17 =	vmul.f32 v18, v26  }
0x5a: {  	v18 =	vld.idx.msk [tilespmem:v5+s25+$0x0], $0xffff  }
0x5b: {  	v30 =	vld.idx.msk [tilespmem:v6+s24+$0x0], $0xffff;
	v16 =	vadd.f32 v17, v16;
	v17 =	vmul.f32 v19, v27  }
0x5c: {  	v19 =	vld.idx.msk [tilespmem:v6+s25+$0x0], $0xffff  }
0x5d: {  	v31 =	vld.idx.msk [tilespmem:v7+s24+$0x0], $0xffff;
	v16 =	vadd.f32 v17, v16;
	v17 =	vmul.f32 v20, v28  }
0x5e: {  	v20 =	vld.idx.msk [tilespmem:v7+s25+$0x0], $0xffff  }
0x5f: {  	v16 =	vadd.f32 v17, v16;
	v17 =	vmul.f32 v18, v29;
	_ =	sdelay $0x1  }
0x60: {  	v16 =	vadd.f32 v17, v16;
	v17 =	vmul.f32 v19, v30;
	_ =	sdelay $0x1  }
0x61: {  	v16 =	vadd.f32 v17, v16;
	v17 =	vmul.f32 v20, v31;
	_ =	sdelay $0x1  }
0x62: {  	v16 =	vadd.f32 v17, v16;
	_ =	sdelay $0x1  }
0x63: {  	(xrf2) =	vadd.scan.msk.f32 $0xffff, v16;
	_ =	sdelay $0x9  }
0x64: {  	v16, _, _ =	vpop (xrf2)  }
0x65: {  	v32 =	vbroadcast v16, $0xF;
	_ =	sdelay $0x1  }
0x66: {  	v16 =	vsub.f32 $0.0e+00, v32  }
0x67: {  	s8 =	simm.s32 $0x80  }
0x68: {  	v17 =	vor.u32 s8, v0;
	v16 =	vmul.f32 $1.442695020e+00, v16;
	_ =	sdelay $0x1  }
0x69: {  	v18 =	vor.u32 s8, v1;
	(erf) = vpow2.f32 v16;
	_ =	sdelay $0x1  }
0x6a: {  	v19 =	vor.u32 s8, v2  }
0x6b: {  	v21 =	vld.idx.msk [tilespmem:v17+s25+$0x0], $0xffff  }
0x6c: {  	v20 =	vor.u32 s8, v3;
	v16 =	vld.idx.msk [tilespmem:v17+s24+$0x0], $0xffff  }
0x6d: {  	v22 =	vld.idx.msk [tilespmem:v18+s25+$0x0], $0xffff  }
0x6e: {  	v23 =	vor.u32 s8, v4;
	v17 =	vld.idx.msk [tilespmem:v18+s24+$0x0], $0xffff  }
0x6f: {  	v33 =	vld.idx.msk [tilespmem:v19+s25+$0x0], $0xffff  }
0x70: {  	v34 =	vor.u32 s8, v5;
	v18 =	vld.idx.msk [tilespmem:v19+s24+$0x0], $0xffff  }
0x71: {  	v35 =	vld.idx.msk [tilespmem:v20+s25+$0x0], $0xffff;
	v21 =	vmul.f32 v21, v16;
	v19 =	vpop (erf)  }
0x72: {  	v37 =	vor.u32 s8, v6;
	v36 =	vadd.f32 $1.000000000e+00, v19;
	v19 =	vld.idx.msk [tilespmem:v20+s24+$0x0], $0xffff  }
0x73: {  	v38 =	vld.idx.msk [tilespmem:v23+s25+$0x0], $0xffff;
	v22 =	vmul.f32 v22, v17;
	v21 =	vadd.f32 $0.0e+00, v21  }
0x74: {  	v60 =	vor.u32 s8, v7;
	v20 =	vld.idx.msk [tilespmem:v23+s24+$0x0], $0xffff;
	(erf) = vrcp.f32 v36  }
0x75: {  	v39 =	vld.idx.msk [tilespmem:v34+s25+$0x0], $0xffff;
	v21 =	vadd.f32 v22, v21;
	v23 =	vmul.f32 v33, v18  }
0x76: {  	v22 =	vld.idx.msk [tilespmem:v34+s24+$0x0], $0xffff  }
0x77: {  	v61 =	vld.idx.msk [tilespmem:v37+s25+$0x0], $0xffff;
	v21 =	vadd.f32 v23, v21;
	v62 =	vmul.f32 v35, v19  }
0x78: {  	v23 =	vld.idx.msk [tilespmem:v37+s24+$0x0], $0xffff  }
0x79: {  	v63 =	vld.idx.msk [tilespmem:v60+s25+$0x0], $0xffff;
	v40 =	vmul.f32 v38, v20;
	v34 =	vadd.f32 v62, v21  }
0x7a: {  	v21 =	vld.idx.msk [tilespmem:v60+s24+$0x0], $0xffff  }
0x7b: {  	v41 =	vmul.f32 v39, v22;
	v34 =	vadd.f32 v40, v34;
	_ =	sdelay $0x1  }
0x7c: {  	v33 =	vmul.f32 v61, v23;
	v42 =	vpop (erf);
	v34 =	vadd.f32 v41, v34  }
0x7d: {  	v32 =	vmul.f32 v42, v32  }
0x7e: {  	v35 =	vmul.f32 v63, v21;
	v33 =	vadd.f32 v33, v34  }
0x7f: {  	v32 =	vmul.f32 $1.442695020e+00, v32  }
0x80: {  	v33 =	vadd.f32 v35, v33  }
0x81: {  	(erf) = vpow2.f32 v32  }
0x82: {  	(xrf2) =	vadd.scan.msk.f32 $0xffff, v33;
	_ =	sdelay $0x4  }
0x83: {  	s16 =	simm.s32 $0x0  }
0x84: {  	v43 =	vor.u32 s16, v0  }
0x85: {  	v44 =	vor.u32 s16, v1  }
0x86: {  	v46 =	vor.u32 s16, v2;
	v45 =	vpop (erf)  }
0x87: {  	v47 =	vor.u32 s16, v3;
	v24 =	vmul.f32 v45, v24  }
0x88: {  	v48 =	vor.u32 s16, v4;
	v25 =	vmul.f32 v45, v25;
	v49, _, _ =	vpop (xrf2)  }
0x89: {  	[tilespmem:v43+s19+$0x0] =	vst.idx.msk $0xffff, v24;
	v24 =	vmul.f32 v45, v26;
	v38 =	vbroadcast v49, $0xF  }
0x8a: {  	v26 =	vor.u32 s16, v5;
	[tilespmem:v44+s19+$0x0] =	vst.idx.msk $0xffff, v25;
	v25 =	vmul.f32 v45, v27  }
0x8b: {  	v27 =	vor.u32 s16, v6;
	[tilespmem:v46+s19+$0x0] =	vst.idx.msk $0xffff, v24;
	v24 =	vmul.f32 v45, v28;
	v50 =	vsub.f32 $0.0e+00, v38  }
0x8c: {  	s17 =	simm.s32 $0x100;
	v28 =	vor.u32 s16, v7;
	[tilespmem:v47+s19+$0x0] =	vst.idx.msk $0xffff, v25  }
0x8d: {  	v25 =	vmul.f32 v45, v29;
	v29 =	vor.u32 s17, v1;
	[tilespmem:v48+s19+$0x0] =	vst.idx.msk $0xffff, v24;
	v24 =	vmul.f32 $1.442695020e+00, v50  }
0x8e: {  	v51 =	vor.u32 s17, v0;
	v30 =	vmul.f32 v45, v30  }
0x8f: {  	[tilespmem:v26+s19+$0x0] =	vst.idx.msk $0xffff, v25;
	v25 =	vmul.f32 v45, v31;
	(erf) = vpow2.f32 v24  }
0x90: {  	[tilespmem:v27+s19+$0x0] =	vst.idx.msk $0xffff, v30  }
0x91: {  	v24 =	vor.u32 s17, v2;
	[tilespmem:v28+s19+$0x0] =	vst.idx.msk $0xffff, v25  }
0x92: {  	v28 =	vld.idx.msk [tilespmem:v29+s25+$0x0], $0xffff  }
0x93: {  	v30 =	vor.u32 s17, v3;
	v25 =	vld.idx.msk [tilespmem:v51+s24+$0x0], $0xffff  }
0x94: {  	v31 =	vld.idx.msk [tilespmem:v51+s25+$0x0], $0xffff  }
0x95: {  	v52 =	vor.u32 s17, v4;
	v27 =	vld.idx.msk [tilespmem:v29+s24+$0x0], $0xffff  }
0x96: {  	v54 =	vor.u32 s17, v5;
	v53 =	vld.idx.msk [tilespmem:v24+s25+$0x0], $0xffff  }
0x97: {  	v26 =	vld.idx.msk [tilespmem:v24+s24+$0x0], $0xffff  }
0x98: {  	v55 =	vor.u32 s17, v6;
	v35 =	vld.idx.msk [tilespmem:v30+s25+$0x0], $0xffff;
	v29 =	vpop (erf)  }
0x99: {  	v24 =	vld.idx.msk [tilespmem:v30+s24+$0x0], $0xffff;
	v30 =	vmul.f32 v31, v25;
	v31 =	vadd.f32 $1.000000000e+00, v29  }
0x9a: {  	v56 =	vor.u32 s17, v7;
	v37 =	vld.idx.msk [tilespmem:v52+s25+$0x0], $0xffff  }
0x9b: {  	v40 =	vld.idx.msk [tilespmem:v54+s25+$0x0], $0xffff;
	v57 =	vmul.f32 v28, v27;
	v30 =	vadd.f32 $0.0e+00, v30;
	(erf) = vrcp.f32 v31  }
0x9c: {  	v29 =	vld.idx.msk [tilespmem:v52+s24+$0x0], $0xffff  }
0x9d: {  	v58 =	vld.idx.msk [tilespmem:v55+s25+$0x0], $0xffff;
	v32 =	vadd.f32 v57, v30;
	v31 =	vmul.f32 v53, v26  }
0x9e: {  	v28 =	vld.idx.msk [tilespmem:v54+s24+$0x0], $0xffff  }
0x9f: {  	v60 =	vld.idx.msk [tilespmem:v56+s25+$0x0], $0xffff;
	v59 =	vmul.f32 v35, v24;
	v32 =	vadd.f32 v31, v32  }
0xa0: {  	v30 =	vld.idx.msk [tilespmem:v55+s24+$0x0], $0xffff  }
0xa1: {  	v31 =	vld.idx.msk [tilespmem:v56+s24+$0x0], $0xffff;
	v61 =	vmul.f32 v37, v29;
	v32 =	vadd.f32 v59, v32;
	_ =	sdelay $0x1  }
0xa2: {  	v62 =	vmul.f32 v40, v28;
	v35 =	vadd.f32 v61, v32  }
0xa3: {  	v63 =	vpop (erf)  }
0xa4: {  	v32 =	vmul.f32 v58, v30;
	v35 =	vadd.f32 v62, v35;
	v33 =	vmul.f32 v63, v38  }
0xa5: {  	s4 =	simm.s32 $0x3;
	s16 =	simm.s32 $0x80;
	v34 =	vmul.f32 v60, v31  }
.LBB2_3:
0xa6: {  	p2 =	sne.s32 s4, $0x3F;
	v32 =	vadd.f32 v32, v35;
	v33 =	vmul.f32 $1.442695020e+00, v33;
	s8 =	smov.u32 s4;
	s4 =	sadd.s32 $0x1, s4  }
0xa7: {  	_ = 	snop  }
0xa8: {  	v32 =	vadd.f32 v34, v32;
	(erf) = vpow2.f32 v33;
	_ =	sdelay $0x1  }
0xa9: {  	(xrf2) =	vadd.scan.msk.f32 $0xffff, v32;
	_ =	sdelay $0x4  }
0xaa: {  	v32 =	vor.u32 s16, v0  }
0xab: {  	v33 =	vor.u32 s16, v1  }
0xac: {  	v34 =	vor.u32 s16, v2;
	v35 =	vpop (erf)  }
0xad: {  	v37 =	vor.u32 s16, v3;
	v39 =	vmul.f32 v35, v16;
	v16 =	vmov v25  }
0xae: {  	v38 =	vor.u32 s16, v4;
	v25 =	vmul.f32 v35, v17;
	v17 =	vmov v27  }
0xaf: {  	v27 =	vmul.f32 v35, v18;
	v18 =	vmov v26;
	[tilespmem:v32+s19+$0x0] =	vst.idx.msk $0xffff, v39;
	v32 =	vor.u32 s16, v5;
	v36, _, _ =	vpop (xrf2)  }
0xb0: {  	v26 =	vor.u32 s16, v6;
	v36 =	vbroadcast v36, $0xF;
	[tilespmem:v33+s19+$0x0] =	vst.idx.msk $0xffff, v25;
	v25 =	vmul.f32 v35, v19;
	v19 =	vmovc v24  }
0xb1: {  	v24 =	vmul.f32 v35, v20;
	v20 =	vmov v29;
	[tilespmem:v34+s19+$0x0] =	vst.idx.msk $0xffff, v27;
	v27 =	vor.u32 s16, v7  }
0xb2: {  	s8 =	sshll.u32 s8, $0x7;
	v33 =	vmul.f32 v35, v23;
	v29 =	vsub.f32 $0.0e+00, v36;
	[tilespmem:v37+s19+$0x0] =	vst.idx.msk $0xffff, v25;
	v25 =	vmul.f32 v35, v22  }
0xb3: {  	v39 =	vor.u32 s8, v2;
	v23 =	vmovc v30;
	v34 =	vor.u32 s8, v0;
	s16 =	sadd.s32 $0xFFFFFF80, s8;
	v37 =	vor.u32 s8, v1;
	v22 =	vmovc v28;
	[tilespmem:v38+s19+$0x0] =	vst.idx.msk $0xffff, v24  }
0xb4: {  	v24 =	vor.u32 s8, v3;
	v28 =	vmul.f32 $1.442695020e+00, v29;
	[tilespmem:v32+s19+$0x0] =	vst.idx.msk $0xffff, v25;
	v25 =	vmul.f32 v35, v21;
	v21 =	vmovc v31  }
0xb5: {  	v30 =	vor.u32 s8, v5;
	v29 =	vor.u32 s8, v4;
	v31 =	vor.u32 s8, v6;
	[tilespmem:v26+s19+$0x0] =	vst.idx.msk $0xffff, v33  }
0xb6: {  	v32 =	vor.u32 s8, v7;
	[tilespmem:v27+s19+$0x0] =	vst.idx.msk $0xffff, v25;
	(erf) = vpow2.f32 v28;
	_ =	sdelay $0x1  }
0xb7: {  	v28 =	vld.idx.msk [tilespmem:v37+s25+$0x0], $0xffff  }
0xb8: {  	v25 =	vld.idx.msk [tilespmem:v34+s24+$0x0], $0xffff  }
0xb9: {  	v33 =	vld.idx.msk [tilespmem:v34+s25+$0x0], $0xffff  }
0xba: {  	v27 =	vld.idx.msk [tilespmem:v37+s24+$0x0], $0xffff  }
0xbb: {  	v34 =	vld.idx.msk [tilespmem:v39+s25+$0x0], $0xffff  }
0xbc: {  	v26 =	vld.idx.msk [tilespmem:v39+s24+$0x0], $0xffff  }
0xbd: {  	v35 =	vld.idx.msk [tilespmem:v24+s25+$0x0], $0xffff  }
0xbe: {  	v24 =	vld.idx.msk [tilespmem:v24+s24+$0x0], $0xffff;
	v37 =	vpop (erf)  }
0xbf: {  	v33 =	vmul.f32 v33, v25;
	v38 =	vld.idx.msk [tilespmem:v29+s25+$0x0], $0xffff;
	v37 =	vadd.f32 $1.000000000e+00, v37  }
0xc0: {  	v39 =	vmul.f32 v28, v27;
	v29 =	vld.idx.msk [tilespmem:v29+s24+$0x0], $0xffff  }
0xc1: {  	v33 =	vadd.f32 $0.0e+00, v33;
	v40 =	vld.idx.msk [tilespmem:v30+s25+$0x0], $0xffff;
	(erf) = vrcp.f32 v37  }
0xc2: {  	v34 =	vmul.f32 v34, v26;
	v28 =	vld.idx.msk [tilespmem:v30+s24+$0x0], $0xffff  }
0xc3: {  	v33 =	vadd.f32 v39, v33;
	v37 =	vld.idx.msk [tilespmem:v31+s25+$0x0], $0xffff  }
0xc4: {  	v35 =	vmul.f32 v35, v24;
	v30 =	vld.idx.msk [tilespmem:v31+s24+$0x0], $0xffff  }
0xc5: {  	v33 =	vadd.f32 v34, v33;
	v34 =	vld.idx.msk [tilespmem:v32+s25+$0x0], $0xffff  }
0xc6: {  	v38 =	vmul.f32 v38, v29;
	v31 =	vld.idx.msk [tilespmem:v32+s24+$0x0], $0xffff  }
0xc7: {  	v32 =	vadd.f32 v35, v33  }
.Ltmp0:
0xc8: {  	v33 =	vmul.f32 v40, v28;
	(pc) =	sbr.rel @p2 .LBB2_3-.Ltmp0, $4  }
0xc9: {  	v35 =	vadd.f32 v38, v32  }
0xca: {  	v32 =	vmul.f32 v37, v30;
	v37 =	vpop (erf)  }
0xcb: {  	v35 =	vadd.f32 v33, v35;
	v33 =	vmul.f32 v37, v36  }
0xcc: {  	v34 =	vmul.f32 v34, v31  }
0xcd: {  	v32 =	vadd.f32 v32, v35;
	_ =	sdelay $0x1  }
0xce: {  	v32 =	vadd.f32 v34, v32;
	_ =	sdelay $0x1  }
0xcf: {  	(xrf2) =	vadd.scan.msk.f32 $0xffff, v32;
	_ =	sdelay $0x9  }
0xd0: {  	v32, _, _ =	vpop (xrf2)  }
0xd1: {  	v32 =	vbroadcast v32, $0xF;
	_ =	sdelay $0x1  }
0xd2: {  	v50 =	vsub.f32 $0.0e+00, v32  }
0xd3: {  	v33 =	vmul.f32 $1.442695020e+00, v33  }
0xd4: {  	v34 =	vmul.f32 $1.442695020e+00, v50  }
0xd5: {  	(erf) = vpow2.f32 v33  }
0xd6: {  	(erf) = vpow2.f32 v34;
	_ =	sdelay $0x7  }
0xd7: {  	v33 =	vpop (erf)  }
0xd8: {  	v34 =	vpop (erf)  }
0xd9: {  	v34 =	vadd.f32 $1.000000000e+00, v34;
	_ =	sdelay $0x1  }
0xda: {  	(erf) = vrcp.f32 v34;
	_ =	sdelay $0x8  }
0xdb: {  	v34 =	vpop (erf)  }
0xdc: {  	v32 =	vmul.f32 v34, v32  }
0xdd: {  	v51 =	vor.u32 s16, v0  }
0xde: {  	v52 =	vor.u32 s16, v1;
	v32 =	vmul.f32 $1.442695020e+00, v32  }
0xdf: {  	v53 =	vor.u32 s16, v2  }
0xe0: {  	v36 =	vor.u32 s16, v3;
	v16 =	vmul.f32 v33, v16;
	(erf) = vpow2.f32 v32  }
0xe1: {  	v17 =	vmul.f32 v33, v17  }
0xe2: {  	[tilespmem:v51+s19+$0x0] =	vst.idx.msk $0xffff, v16;
	v16 =	vmul.f32 v33, v18  }
0xe3: {  	v37 =	vor.u32 s16, v4;
	[tilespmem:v52+s19+$0x0] =	vst.idx.msk $0xffff, v17;
	v17 =	vmul.f32 v33, v19  }
0xe4: {  	v18 =	vor.u32 s16, v5;
	[tilespmem:v53+s19+$0x0] =	vst.idx.msk $0xffff, v16  }
0xe5: {  	v19 =	vor.u32 s16, v6;
	[tilespmem:v36+s19+$0x0] =	vst.idx.msk $0xffff, v17;
	v17 =	vmul.f32 v33, v22  }
0xe6: {  	v16 =	vmul.f32 v33, v20;
	v20 =	vor.u32 s16, v7;
	_ =	sdelay $0x1  }
0xe7: {  	v22 =	vmul.f32 v33, v23;
	[tilespmem:v37+s19+$0x0] =	vst.idx.msk $0xffff, v16  }
0xe8: {  	v16 =	vmul.f32 v33, v21;
	[tilespmem:v18+s19+$0x0] =	vst.idx.msk $0xffff, v17;
	v17 =	vpop (erf)  }
0xe9: {  	[tilespmem:v19+s19+$0x0] =	vst.idx.msk $0xffff, v22;
	v18 =	vmul.f32 v17, v25  }
0xea: {  	[tilespmem:v20+s19+$0x0] =	vst.idx.msk $0xffff, v16;
	v16 =	vmul.f32 v17, v27  }
0xeb: {  	[tilespmem:v8+s19+$0x0] =	vst.idx.msk $0xffff, v18;
	v18 =	vmul.f32 v17, v26  }
0xec: {  	[tilespmem:v9+s19+$0x0] =	vst.idx.msk $0xffff, v16;
	v16 =	vmul.f32 v17, v24  }
0xed: {  	[tilespmem:v10+s19+$0x0] =	vst.idx.msk $0xffff, v18;
	v18 =	vmul.f32 v17, v29  }
0xee: {  	[tilespmem:v11+s19+$0x0] =	vst.idx.msk $0xffff, v16;
	v16 =	vmul.f32 v17, v28  }
0xef: {  	[tilespmem:v12+s19+$0x0] =	vst.idx.msk $0xffff, v18;
	v18 =	vmul.f32 v17, v30  }
0xf0: {  	[tilespmem:v13+s19+$0x0] =	vst.idx.msk $0xffff, v16;
	v16 =	vmul.f32 v17, v31  }
0xf1: {  	[tilespmem:v14+s19+$0x0] =	vst.idx.msk $0xffff, v18  }
0xf2: {  	s4 =	simm.s32 @!p0 $0x7;
	[tilespmem:v15+s19+$0x0] =	vst.idx.msk $0xffff, v16  }
0xf3: {  	[spmem:s3] =	stream.indirect.scatter.add.f32 [tilespmem:s19], [sflag:$0x5], $0x80, s20, s23, $0xb8;
	[tilespmem:$0x1FF00] =	vst v63  }
0xf4: {  	_ =	swait.ge @!p0 [sflag:s4], $0x40  }
0xf5: {  	[sflag:s4] =	ssyncset.done @!p0 $0x0  }
0xf6: {  	[sflag:s4] =	ssyncadd.s32 @!p0 $0xFFFFFFC0;
	s4 =	simm.s32 @!p0 $0x9  }
0xf7: {  	_ =	swait.ge @!p0 [sflag:s4], $0x40  }
0xf8: {  	s8 =	simm.s32 @!p0 $0x13C00;
	[sflag:s4] =	ssyncset.done @!p0 $0x0  }
0xf9: {  	s16 =	simm.s32 @!p0 $0x13F00;
	[sflag:s4] =	ssyncadd.s32 @!p0 $0xFFFFFFC0;
	s4 =	simm.s32 @!p0 $0x40  }
0xfa: {  	[tilespmem:s16], [sflag:$0x1] =	stream.indirect.gather @!p0 [hbm4b:s5+s4], $0x80, s8, s4, $0xb8;
	[tilespmem:$0x1FF00] =	vst v63  }
0xfb: {  	s8 =	simm.s32 @!p0 $0x13D00;
	s16 =	simm.s32 @!p0 $0x17F00  }
0xfc: {  	[tilespmem:s16], [sflag:$0x3] =	stream.indirect.gather @!p0 [hbm4b:s5+s4], $0x80, s8, s4, $0xb8;
	[tilespmem:$0x1FF00] =	vst v63  }
0xfd: {  	_ =	swait.ge [sflag:s9], $0x2000  }
0xfe: {  	[sflag:s9] =	ssyncset.done $0x0  }
0xff: {  	[sflag:s9] =	ssyncadd.s32 $0xFFFFE000  }
0x100: {  	_ =	swait.ge [sflag:s10], $0x2000  }
0x101: {  	[sflag:s10] =	ssyncset.done $0x0  }
0x102: {  	s4 =	simm.s32 @!p1 $0x6;
	[sflag:s10] =	ssyncadd.s32 $0xFFFFE000  }
0x103: {  	_ =	swait.ge @!p1 [sflag:s4], $0x2000  }
0x104: {  	[sflag:s4] =	ssyncset.done @!p1 $0x0  }
0x105: {  	[sflag:s4] =	ssyncadd.s32 @!p1 $0xFFFFE000  }
0x106: {  	v16 =	vld [tilespmem:$0x13D80]  }
0x107: {  	v17 =	vld [tilespmem:$0x13D90]  }
0x108: {  	v18 =	vld [tilespmem:$0x13DA0]  }
0x109: {  	v19 =	vld [tilespmem:$0x13DB0];
	_ =	sdelay $0x1  }
0x10a: {  	[tilespmem:$0x13E80] =	vst v16  }
0x10b: {  	s4 =	sadd.s32 @!p0 s15, s14;
	[tilespmem:$0x13E90] =	vst v17  }
0x10c: {  	s4 =	sshrl.u32 @!p0 s4, $0x3;
	[tilespmem:$0x13EA0] =	vst v18  }
0x10d: {  	s16 =	simm.s32 @!p0 $0x13C80;
	s15 =	simm.s32 @!p0 $0x0;
	s8 =	sadd.s32 @!p0 s2, s4;
	[tilespmem:$0x13EB0] =	vst v19  }
0x10e: {  	[tilespmem:s16], [sflag:$0x8] =	stream.linear.gather @!p0 [hbm4b:s8+s15], $0x40, $0x38;
	[tilespmem:$0x1FF00] =	vst v63  }
0x10f: {  	s4 =	sadd.s32 @!p0 s6, s4;
	s8 =	simm.s32 @!p0 $0x13D80  }
0x110: {  	[tilespmem:s8], [sflag:$0xA] =	stream.linear.gather @!p0 [hbm4b:s4+s15], $0x40, $0x38;
	[tilespmem:$0x1FF00] =	vst v63  }
0x111: {  	v24 =	vld.idx.msk [tilespmem:v0+s31+$0x0], $0xffff  }
0x112: {  	v16 =	vld.idx.msk [tilespmem:v0+s0+$0x0], $0xffff  }
0x113: {  	v25 =	vld.idx.msk [tilespmem:v1+s31+$0x0], $0xffff  }
0x114: {  	v17 =	vld.idx.msk [tilespmem:v1+s0+$0x0], $0xffff  }
0x115: {  	v26 =	vld.idx.msk [tilespmem:v2+s31+$0x0], $0xffff  }
0x116: {  	v18 =	vld.idx.msk [tilespmem:v2+s0+$0x0], $0xffff  }
0x117: {  	v27 =	vld.idx.msk [tilespmem:v3+s31+$0x0], $0xffff;
	v16 =	vmul.f32 v16, v24  }
0x118: {  	v19 =	vld.idx.msk [tilespmem:v3+s0+$0x0], $0xffff  }
0x119: {  	v28 =	vld.idx.msk [tilespmem:v4+s31+$0x0], $0xffff;
	v17 =	vmul.f32 v17, v25;
	v16 =	vadd.f32 $0.0e+00, v16  }
0x11a: {  	v20 =	vld.idx.msk [tilespmem:v4+s0+$0x0], $0xffff  }
0x11b: {  	v29 =	vld.idx.msk [tilespmem:v5+s31+$0x0], $0xffff;
	v16 =	vadd.f32 v17, v16;
	v17 =	vmul.f32 v18, v26  }
0x11c: {  	v18 =	vld.idx.msk [tilespmem:v5+s0+$0x0], $0xffff  }
0x11d: {  	v30 =	vld.idx.msk [tilespmem:v6+s31+$0x0], $0xffff;
	v16 =	vadd.f32 v17, v16;
	v17 =	vmul.f32 v19, v27  }
0x11e: {  	v19 =	vld.idx.msk [tilespmem:v6+s0+$0x0], $0xffff  }
0x11f: {  	v31 =	vld.idx.msk [tilespmem:v7+s31+$0x0], $0xffff;
	v16 =	vadd.f32 v17, v16;
	v17 =	vmul.f32 v20, v28  }
0x120: {  	v20 =	vld.idx.msk [tilespmem:v7+s0+$0x0], $0xffff  }
0x121: {  	v16 =	vadd.f32 v17, v16;
	v17 =	vmul.f32 v18, v29;
	_ =	sdelay $0x1  }
0x122: {  	v16 =	vadd.f32 v17, v16;
	v17 =	vmul.f32 v19, v30;
	_ =	sdelay $0x1  }
0x123: {  	v16 =	vadd.f32 v17, v16;
	v17 =	vmul.f32 v20, v31;
	_ =	sdelay $0x1  }
0x124: {  	v16 =	vadd.f32 v17, v16;
	_ =	sdelay $0x1  }
0x125: {  	(xrf2) =	vadd.scan.msk.f32 $0xffff, v16;
	_ =	sdelay $0x9  }
0x126: {  	v16, _, _ =	vpop (xrf2)  }
0x127: {  	v54 =	vbroadcast v16, $0xF;
	_ =	sdelay $0x1  }
0x128: {  	v16 =	vsub.f32 $0.0e+00, v54  }
0x129: {  	s15 =	simm.s32 $0x80  }
0x12a: {  	v17 =	vor.u32 s15, v0;
	v16 =	vmul.f32 $1.442695020e+00, v16;
	_ =	sdelay $0x1  }
0x12b: {  	v18 =	vor.u32 s15, v1;
	(erf) = vpow2.f32 v16;
	_ =	sdelay $0x1  }
0x12c: {  	v19 =	vor.u32 s15, v2  }
0x12d: {  	v21 =	vld.idx.msk [tilespmem:v17+s0+$0x0], $0xffff  }
0x12e: {  	v20 =	vor.u32 s15, v3;
	v16 =	vld.idx.msk [tilespmem:v17+s31+$0x0], $0xffff  }
0x12f: {  	v22 =	vld.idx.msk [tilespmem:v18+s0+$0x0], $0xffff  }
0x130: {  	v23 =	vor.u32 s15, v4;
	v17 =	vld.idx.msk [tilespmem:v18+s31+$0x0], $0xffff  }
0x131: {  	v55 =	vld.idx.msk [tilespmem:v19+s0+$0x0], $0xffff  }
0x132: {  	v56 =	vor.u32 s15, v5;
	v18 =	vld.idx.msk [tilespmem:v19+s31+$0x0], $0xffff  }
0x133: {  	v57 =	vld.idx.msk [tilespmem:v20+s0+$0x0], $0xffff;
	v21 =	vmul.f32 v21, v16;
	v19 =	vpop (erf)  }
0x134: {  	v59 =	vor.u32 s15, v6;
	v58 =	vadd.f32 $1.000000000e+00, v19;
	v19 =	vld.idx.msk [tilespmem:v20+s31+$0x0], $0xffff  }
0x135: {  	v38 =	vld.idx.msk [tilespmem:v23+s0+$0x0], $0xffff;
	v22 =	vmul.f32 v22, v17;
	v21 =	vadd.f32 $0.0e+00, v21  }
0x136: {  	v60 =	vor.u32 s15, v7;
	v20 =	vld.idx.msk [tilespmem:v23+s31+$0x0], $0xffff;
	(erf) = vrcp.f32 v58  }
0x137: {  	v39 =	vld.idx.msk [tilespmem:v56+s0+$0x0], $0xffff;
	v21 =	vadd.f32 v22, v21;
	v23 =	vmul.f32 v55, v18  }
0x138: {  	v22 =	vld.idx.msk [tilespmem:v56+s31+$0x0], $0xffff  }
0x139: {  	v61 =	vld.idx.msk [tilespmem:v59+s0+$0x0], $0xffff;
	v21 =	vadd.f32 v23, v21;
	v62 =	vmul.f32 v57, v19  }
0x13a: {  	v23 =	vld.idx.msk [tilespmem:v59+s31+$0x0], $0xffff  }
0x13b: {  	v63 =	vld.idx.msk [tilespmem:v60+s0+$0x0], $0xffff;
	v40 =	vmul.f32 v38, v20;
	v34 =	vadd.f32 v62, v21  }
0x13c: {  	v21 =	vld.idx.msk [tilespmem:v60+s31+$0x0], $0xffff  }
0x13d: {  	v41 =	vmul.f32 v39, v22;
	v34 =	vadd.f32 v40, v34;
	_ =	sdelay $0x1  }
0x13e: {  	v33 =	vmul.f32 v61, v23;
	v42 =	vpop (erf);
	v34 =	vadd.f32 v41, v34  }
0x13f: {  	v32 =	vmul.f32 v42, v54  }
0x140: {  	v35 =	vmul.f32 v63, v21;
	v33 =	vadd.f32 v33, v34  }
0x141: {  	v32 =	vmul.f32 $1.442695020e+00, v32  }
0x142: {  	v33 =	vadd.f32 v35, v33  }
0x143: {  	(erf) = vpow2.f32 v32  }
0x144: {  	(xrf2) =	vadd.scan.msk.f32 $0xffff, v33;
	_ =	sdelay $0x4  }
0x145: {  	s16 =	simm.s32 $0x0  }
0x146: {  	v43 =	vor.u32 s16, v0  }
0x147: {  	v44 =	vor.u32 s16, v1  }
0x148: {  	v46 =	vor.u32 s16, v2;
	v45 =	vpop (erf)  }
0x149: {  	v47 =	vor.u32 s16, v3;
	v24 =	vmul.f32 v45, v24  }
0x14a: {  	v48 =	vor.u32 s16, v4;
	v25 =	vmul.f32 v45, v25;
	v49, _, _ =	vpop (xrf2)  }
0x14b: {  	[tilespmem:v43+s11+$0x0] =	vst.idx.msk $0xffff, v24;
	v24 =	vmul.f32 v45, v26;
	v38 =	vbroadcast v49, $0xF  }
0x14c: {  	v26 =	vor.u32 s16, v5;
	[tilespmem:v44+s11+$0x0] =	vst.idx.msk $0xffff, v25;
	v25 =	vmul.f32 v45, v27  }
0x14d: {  	v27 =	vor.u32 s16, v6;
	[tilespmem:v46+s11+$0x0] =	vst.idx.msk $0xffff, v24;
	v24 =	vmul.f32 v45, v28;
	v50 =	vsub.f32 $0.0e+00, v38  }
0x14e: {  	s17 =	simm.s32 $0x100;
	v28 =	vor.u32 s16, v7;
	[tilespmem:v47+s11+$0x0] =	vst.idx.msk $0xffff, v25  }
0x14f: {  	v25 =	vmul.f32 v45, v29;
	v29 =	vor.u32 s17, v1;
	[tilespmem:v48+s11+$0x0] =	vst.idx.msk $0xffff, v24;
	v24 =	vmul.f32 $1.442695020e+00, v50  }
0x150: {  	v51 =	vor.u32 s17, v0;
	v30 =	vmul.f32 v45, v30  }
0x151: {  	[tilespmem:v26+s11+$0x0] =	vst.idx.msk $0xffff, v25;
	v25 =	vmul.f32 v45, v31;
	(erf) = vpow2.f32 v24  }
0x152: {  	[tilespmem:v27+s11+$0x0] =	vst.idx.msk $0xffff, v30  }
0x153: {  	v24 =	vor.u32 s17, v2;
	[tilespmem:v28+s11+$0x0] =	vst.idx.msk $0xffff, v25  }
0x154: {  	v28 =	vld.idx.msk [tilespmem:v29+s0+$0x0], $0xffff  }
0x155: {  	v30 =	vor.u32 s17, v3;
	v25 =	vld.idx.msk [tilespmem:v51+s31+$0x0], $0xffff  }
0x156: {  	v31 =	vld.idx.msk [tilespmem:v51+s0+$0x0], $0xffff  }
0x157: {  	v52 =	vor.u32 s17, v4;
	v27 =	vld.idx.msk [tilespmem:v29+s31+$0x0], $0xffff  }
0x158: {  	v54 =	vor.u32 s17, v5;
	v53 =	vld.idx.msk [tilespmem:v24+s0+$0x0], $0xffff  }
0x159: {  	v26 =	vld.idx.msk [tilespmem:v24+s31+$0x0], $0xffff  }
0x15a: {  	v55 =	vor.u32 s17, v6;
	v35 =	vld.idx.msk [tilespmem:v30+s0+$0x0], $0xffff;
	v29 =	vpop (erf)  }
0x15b: {  	v24 =	vld.idx.msk [tilespmem:v30+s31+$0x0], $0xffff;
	v30 =	vmul.f32 v31, v25;
	v31 =	vadd.f32 $1.000000000e+00, v29  }
0x15c: {  	v56 =	vor.u32 s17, v7;
	v37 =	vld.idx.msk [tilespmem:v52+s0+$0x0], $0xffff  }
0x15d: {  	v40 =	vld.idx.msk [tilespmem:v54+s0+$0x0], $0xffff;
	v57 =	vmul.f32 v28, v27;
	v30 =	vadd.f32 $0.0e+00, v30;
	(erf) = vrcp.f32 v31  }
0x15e: {  	v29 =	vld.idx.msk [tilespmem:v52+s31+$0x0], $0xffff  }
0x15f: {  	v58 =	vld.idx.msk [tilespmem:v55+s0+$0x0], $0xffff;
	v32 =	vadd.f32 v57, v30;
	v31 =	vmul.f32 v53, v26  }
0x160: {  	v28 =	vld.idx.msk [tilespmem:v54+s31+$0x0], $0xffff  }
0x161: {  	v60 =	vld.idx.msk [tilespmem:v56+s0+$0x0], $0xffff;
	v59 =	vmul.f32 v35, v24;
	v32 =	vadd.f32 v31, v32  }
0x162: {  	v30 =	vld.idx.msk [tilespmem:v55+s31+$0x0], $0xffff  }
0x163: {  	v31 =	vld.idx.msk [tilespmem:v56+s31+$0x0], $0xffff;
	v61 =	vmul.f32 v37, v29;
	v32 =	vadd.f32 v59, v32;
	_ =	sdelay $0x1  }
0x164: {  	v62 =	vmul.f32 v40, v28;
	v35 =	vadd.f32 v61, v32  }
0x165: {  	v63 =	vpop (erf)  }
0x166: {  	v32 =	vmul.f32 v58, v30;
	v35 =	vadd.f32 v62, v35;
	v33 =	vmul.f32 v63, v38  }
0x167: {  	s4 =	simm.s32 $0x3;
	s15 =	simm.s32 $0x80;
	v34 =	vmul.f32 v60, v31  }
.LBB2_5:
0x168: {  	p0 =	sne.s32 s4, $0x3F;
	v32 =	vadd.f32 v32, v35;
	v33 =	vmul.f32 $1.442695020e+00, v33;
	s8 =	smov.u32 s4;
	s4 =	sadd.s32 $0x1, s4  }
0x169: {  	_ = 	snop  }
0x16a: {  	v32 =	vadd.f32 v34, v32;
	(erf) = vpow2.f32 v33;
	_ =	sdelay $0x1  }
0x16b: {  	(xrf2) =	vadd.scan.msk.f32 $0xffff, v32;
	_ =	sdelay $0x4  }
0x16c: {  	v32 =	vor.u32 s15, v0  }
0x16d: {  	v33 =	vor.u32 s15, v1  }
0x16e: {  	v34 =	vor.u32 s15, v2;
	v35 =	vpop (erf)  }
0x16f: {  	v37 =	vor.u32 s15, v3;
	v39 =	vmul.f32 v35, v16;
	v16 =	vmov v25  }
0x170: {  	v38 =	vor.u32 s15, v4;
	v25 =	vmul.f32 v35, v17;
	v17 =	vmov v27  }
0x171: {  	v27 =	vmul.f32 v35, v18;
	v18 =	vmov v26;
	[tilespmem:v32+s11+$0x0] =	vst.idx.msk $0xffff, v39;
	v32 =	vor.u32 s15, v5;
	v36, _, _ =	vpop (xrf2)  }
0x172: {  	v26 =	vor.u32 s15, v6;
	v36 =	vbroadcast v36, $0xF;
	[tilespmem:v33+s11+$0x0] =	vst.idx.msk $0xffff, v25;
	v25 =	vmul.f32 v35, v19;
	v19 =	vmovc v24  }
0x173: {  	v24 =	vmul.f32 v35, v20;
	v20 =	vmov v29;
	[tilespmem:v34+s11+$0x0] =	vst.idx.msk $0xffff, v27;
	v27 =	vor.u32 s15, v7  }
0x174: {  	s8 =	sshll.u32 s8, $0x7;
	v33 =	vmul.f32 v35, v23;
	v29 =	vsub.f32 $0.0e+00, v36;
	[tilespmem:v37+s11+$0x0] =	vst.idx.msk $0xffff, v25;
	v25 =	vmul.f32 v35, v22  }
0x175: {  	v39 =	vor.u32 s8, v2;
	v23 =	vmovc v30;
	v34 =	vor.u32 s8, v0;
	s15 =	sadd.s32 $0xFFFFFF80, s8;
	v37 =	vor.u32 s8, v1;
	v22 =	vmovc v28;
	[tilespmem:v38+s11+$0x0] =	vst.idx.msk $0xffff, v24  }
0x176: {  	v24 =	vor.u32 s8, v3;
	v28 =	vmul.f32 $1.442695020e+00, v29;
	[tilespmem:v32+s11+$0x0] =	vst.idx.msk $0xffff, v25;
	v25 =	vmul.f32 v35, v21;
	v21 =	vmovc v31  }
0x177: {  	v30 =	vor.u32 s8, v5;
	v29 =	vor.u32 s8, v4;
	v31 =	vor.u32 s8, v6;
	[tilespmem:v26+s11+$0x0] =	vst.idx.msk $0xffff, v33  }
0x178: {  	v32 =	vor.u32 s8, v7;
	[tilespmem:v27+s11+$0x0] =	vst.idx.msk $0xffff, v25;
	(erf) = vpow2.f32 v28;
	_ =	sdelay $0x1  }
0x179: {  	v28 =	vld.idx.msk [tilespmem:v37+s0+$0x0], $0xffff  }
0x17a: {  	v25 =	vld.idx.msk [tilespmem:v34+s31+$0x0], $0xffff  }
0x17b: {  	v33 =	vld.idx.msk [tilespmem:v34+s0+$0x0], $0xffff  }
0x17c: {  	v27 =	vld.idx.msk [tilespmem:v37+s31+$0x0], $0xffff  }
0x17d: {  	v34 =	vld.idx.msk [tilespmem:v39+s0+$0x0], $0xffff  }
0x17e: {  	v26 =	vld.idx.msk [tilespmem:v39+s31+$0x0], $0xffff  }
0x17f: {  	v35 =	vld.idx.msk [tilespmem:v24+s0+$0x0], $0xffff  }
0x180: {  	v24 =	vld.idx.msk [tilespmem:v24+s31+$0x0], $0xffff;
	v37 =	vpop (erf)  }
0x181: {  	v33 =	vmul.f32 v33, v25;
	v38 =	vld.idx.msk [tilespmem:v29+s0+$0x0], $0xffff;
	v37 =	vadd.f32 $1.000000000e+00, v37  }
0x182: {  	v39 =	vmul.f32 v28, v27;
	v29 =	vld.idx.msk [tilespmem:v29+s31+$0x0], $0xffff  }
0x183: {  	v33 =	vadd.f32 $0.0e+00, v33;
	v40 =	vld.idx.msk [tilespmem:v30+s0+$0x0], $0xffff;
	(erf) = vrcp.f32 v37  }
0x184: {  	v34 =	vmul.f32 v34, v26;
	v28 =	vld.idx.msk [tilespmem:v30+s31+$0x0], $0xffff  }
0x185: {  	v33 =	vadd.f32 v39, v33;
	v37 =	vld.idx.msk [tilespmem:v31+s0+$0x0], $0xffff  }
0x186: {  	v35 =	vmul.f32 v35, v24;
	v30 =	vld.idx.msk [tilespmem:v31+s31+$0x0], $0xffff  }
0x187: {  	v33 =	vadd.f32 v34, v33;
	v34 =	vld.idx.msk [tilespmem:v32+s0+$0x0], $0xffff  }
0x188: {  	v38 =	vmul.f32 v38, v29;
	v31 =	vld.idx.msk [tilespmem:v32+s31+$0x0], $0xffff  }
0x189: {  	v32 =	vadd.f32 v35, v33  }
.Ltmp1:
0x18a: {  	v33 =	vmul.f32 v40, v28;
	(pc) =	sbr.rel @p0 .LBB2_5-.Ltmp1, $4  }
0x18b: {  	v35 =	vadd.f32 v38, v32  }
0x18c: {  	v32 =	vmul.f32 v37, v30;
	v37 =	vpop (erf)  }
0x18d: {  	v35 =	vadd.f32 v33, v35;
	v33 =	vmul.f32 v37, v36  }
0x18e: {  	v34 =	vmul.f32 v34, v31  }
0x18f: {  	v32 =	vadd.f32 v32, v35;
	_ =	sdelay $0x1  }
0x190: {  	v32 =	vadd.f32 v34, v32;
	_ =	sdelay $0x1  }
0x191: {  	(xrf2) =	vadd.scan.msk.f32 $0xffff, v32;
	_ =	sdelay $0x9  }
0x192: {  	v32, _, _ =	vpop (xrf2)  }
0x193: {  	v32 =	vbroadcast v32, $0xF;
	_ =	sdelay $0x1  }
0x194: {  	v52 =	vsub.f32 $0.0e+00, v32  }
0x195: {  	v33 =	vmul.f32 $1.442695020e+00, v33  }
0x196: {  	v34 =	vmul.f32 $1.442695020e+00, v52  }
0x197: {  	(erf) = vpow2.f32 v33  }
0x198: {  	(erf) = vpow2.f32 v34;
	_ =	sdelay $0x7  }
0x199: {  	v33 =	vpop (erf)  }
0x19a: {  	v34 =	vpop (erf)  }
0x19b: {  	v34 =	vadd.f32 $1.000000000e+00, v34;
	_ =	sdelay $0x1  }
0x19c: {  	(erf) = vrcp.f32 v34;
	_ =	sdelay $0x8  }
0x19d: {  	v34 =	vpop (erf)  }
0x19e: {  	v32 =	vmul.f32 v34, v32  }
0x19f: {  	v53 =	vor.u32 s15, v0  }
0x1a0: {  	v54 =	vor.u32 s15, v1;
	v32 =	vmul.f32 $1.442695020e+00, v32  }
0x1a1: {  	v55 =	vor.u32 s15, v2  }
0x1a2: {  	v36 =	vor.u32 s15, v3;
	v16 =	vmul.f32 v33, v16;
	(erf) = vpow2.f32 v32  }
0x1a3: {  	v17 =	vmul.f32 v33, v17  }
0x1a4: {  	[tilespmem:v53+s11+$0x0] =	vst.idx.msk $0xffff, v16;
	v16 =	vmul.f32 v33, v18  }
0x1a5: {  	v37 =	vor.u32 s15, v4;
	[tilespmem:v54+s11+$0x0] =	vst.idx.msk $0xffff, v17;
	v17 =	vmul.f32 v33, v19  }
0x1a6: {  	v56 =	vor.u32 s15, v5;
	[tilespmem:v55+s11+$0x0] =	vst.idx.msk $0xffff, v16  }
0x1a7: {  	v57 =	vor.u32 s15, v6;
	[tilespmem:v36+s11+$0x0] =	vst.idx.msk $0xffff, v17;
	v17 =	vmul.f32 v33, v22  }
0x1a8: {  	v58 =	vor.u32 s15, v7;
	v16 =	vmul.f32 v33, v20;
	_ =	sdelay $0x1  }
0x1a9: {  	v59 =	vmul.f32 v33, v23;
	[tilespmem:v37+s11+$0x0] =	vst.idx.msk $0xffff, v16  }
0x1aa: {  	v16 =	vmul.f32 v33, v21;
	[tilespmem:v56+s11+$0x0] =	vst.idx.msk $0xffff, v17;
	v17 =	vpop (erf)  }
0x1ab: {  	[tilespmem:v57+s11+$0x0] =	vst.idx.msk $0xffff, v59;
	v60 =	vmul.f32 v17, v25  }
0x1ac: {  	[tilespmem:v58+s11+$0x0] =	vst.idx.msk $0xffff, v16;
	v16 =	vmul.f32 v17, v27  }
0x1ad: {  	v61 =	vmul.f32 v17, v26;
	[tilespmem:v8+s11+$0x0] =	vst.idx.msk $0xffff, v60  }
0x1ae: {  	[tilespmem:v9+s11+$0x0] =	vst.idx.msk $0xffff, v16;
	v16 =	vmul.f32 v17, v24  }
0x1af: {  	s22 =	sadd.s32 $0x1, s22;
	v62 =	vmul.f32 v17, v29;
	[tilespmem:v10+s11+$0x0] =	vst.idx.msk $0xffff, v61  }
0x1b0: {  	p0 =	sne.s32 s22, $0x4F;
	[tilespmem:v11+s11+$0x0] =	vst.idx.msk $0xffff, v16;
	v16 =	vmul.f32 v17, v28  }
.Ltmp2:
0x1b1: {  	v63 =	vmul.f32 v17, v30;
	[tilespmem:v12+s11+$0x0] =	vst.idx.msk $0xffff, v62;
	(pc) =	sbr.rel @p0 .LBB2_2-.Ltmp2, $4  }
0x1b2: {  	[tilespmem:v13+s11+$0x0] =	vst.idx.msk $0xffff, v16;
	v16 =	vmul.f32 v17, v31  }
0x1b3: {  	[tilespmem:v14+s11+$0x0] =	vst.idx.msk $0xffff, v63  }
0x1b4: {  	[tilespmem:v15+s11+$0x0] =	vst.idx.msk $0xffff, v16  }
0x1b5: {  	[spmem:s3] =	stream.indirect.scatter.add.f32 [tilespmem:s11], [sflag:$0x6], $0x80, s12, s23, $0xb8;
	[tilespmem:$0x1FF00] =	vst v63  }
0x1b6: {  	s4 =	simm.s32 $0x5  }
0x1b7: {  	_ =	swait.ge [sflag:s4], $0x2000  }
0x1b8: {  	[sflag:s4] =	ssyncset.done $0x0  }
0x1b9: {  	s16 =	simm.s32 $0x6;
	[sflag:s4] =	ssyncadd.s32 $0xFFFFE000  }
0x1ba: {  	_ =	swait.ge [sflag:s16], $0x2000  }
0x1bb: {  	[sflag:s16] =	ssyncset.done $0x0  }
0x1bc: {  	[sflag:s16] =	ssyncadd.s32 $0xFFFFE000  }
0x1bd: {  	[bflag:$0x0] =	sbarrier.arrive $0xFFFF  }
0x1be: {  	s8 =	rddreg [dreg:$0x5]  }
0x1bf: {  	s17 =	rddreg [dreg:$0xa]  }
0x1c0: {  	s15 =	rddreg [dreg:$0xc]  }
0x1c1: {  	[hbm:s17], [sflag:s8] =	dma.local [spmem:s15], $0x2780  }
0x1c2: {  	_ =	swait.ge [sflag:s18], $0x2780  }
0x1c3: {  	s21 =	sadd.s32 $0x1, s21;
	s22 =	rddreg [dreg:$0xb]  }
0x1c4: {  	p0 =	sne.s32 s21, s22  }
.Ltmp3:
0x1c5: {  	_ = 	snop;
	(pc) =	sbr.rel @p0 .LBB2_1-.Ltmp3, $3  }
0x1c6: {  	_ =	sdelay $0x1  }
0x1c7: {  	[sflag:s18] =	ssyncset.done $0x0  }
0x1c8: {  	[sflag:s18] =	ssyncadd.s32 $0xFFFFD880  }
0x1c9: {  	_ =	sfence.sel $0x180000  }
0x1ca: {  	[bflag:$0x0] =	sbarrier.arrive $0xFFFF  }
0x1cb: {  	_ =	strace $0x90000047  }
0x1cc: {  	s0 =	stileid.u32;
	[bflag:$0x2] =	sbarrier.arrive $0xFFFF  }
0x1cd: {  	p0 =	sne.s32 s0, $0x0;
	s0 =	rddreg [dreg:$0x3]  }
0x1ce: {  	s0 =	sadd.s32 @!p0 $0x100000, s0  }
0x1cf: {  	[sflag:s0] =	ssyncadd.tile.s32 @!p0 $0x1;
	_ =	shalt  }
.Lfunc_end2:
_tile_overlayer_lowered:
.L_overlay_start_2:
0x1d0: {  	(tag) =	ssettag $0x2  }
0x1d1: {  	s0 =	rddreg [dreg:$0x0];
	s2 =	stileid.u32  }
0x1d2: {  	s1 =	rddreg [dreg:$0x1];
	p0 =	sne.s32 s2, $0x0  }
0x1d3: {  	s3 =	rddreg [dreg:$0x2];
	[bflag:$0x3] =	sbarrier.arrive $0xFFFF;
	s2 =	simm.s32 @!p0 $0x1C0B  }
0x1d4: {  	[timem:s3], [sflag:s2] =	dma.local @!p0 [hbm:s0], s1  }
0x1d5: {  	s0 =	simm.s32 @!p0 $0xB  }
0x1d6: {  	_ =	swait.ge @!p0 [sflag:s0], s1  }
0x1d7: {  	s1 =	ssub.s32 @!p0 $0x0, s1;
	[sflag:s0] =	ssyncset.done @!p0 $0x0  }
0x1d8: {  	[sflag:s0] =	ssyncadd.s32 @!p0 s1  }
0x1d9: {  	[bflag:$0x3] =	sbarrier.arrive $0xFFFF  }
0x1da: {  	_ =	shalt  }

</sc_bundles>
